<compile_context>
chip_gen: v7x
topology: tpu7x:2x2x1
jax: 0.10.2.dev20260603
libtpu: 0.0.44.dev20260713+nightly
codegen_flags: <defaults>
</compile_context>

<pallas_src>
import functools

import jax
import jax.numpy as jnp
from jax import lax
from jax.experimental import pallas as pl
from jax.experimental.pallas import tpu as pltpu
from jax.experimental.pallas import tpu_sc as plsc

N = 10000
E = 320000
D = 128
H = 128
C = 40
CP = 48
BN_EPS = 1e-5

NC = 2
NS = 16
K = 100
EPT = E // (NC * NS)
NCHUNK = EPT // K
RPT = 624
TAIL = N - NS * RPT


def _sc_degrees(ei, z16):
    mesh = plsc.VectorSubcoreMesh(core_axis_name="c", subcore_axis_name="s")

    @functools.partial(
        pl.kernel,
        out_type=jax.ShapeDtypeStruct((NC, 2, N, 128), jnp.float32),
        mesh=mesh,
        compiler_params=pltpu.CompilerParams(use_tc_tiling_on_sc=False),
        scratch_types=[
            pltpu.VMEM((NCHUNK, K), jnp.int32),
            pltpu.VMEM((NCHUNK, K), jnp.int32),
            pltpu.VMEM((K, 16), jnp.float32),
            pltpu.VMEM_SHARED((N, 16), jnp.float32),
            pltpu.VMEM_SHARED((N, 16), jnp.float32),
            pltpu.SemaphoreType.DMA,
            pltpu.SemaphoreType.DMA,
            pltpu.SemaphoreType.DMA,
        ],
    )
    def deg_kernel(ei_hbm, z_hbm, out_hbm, idx_s, idx_d, ones_v,
                   dout_sh, din_sh, so_sem, si_sem, p_sem):
        c = lax.axis_index("c")
        s = lax.axis_index("s")
        wid = c * NS + s
        cbase = wid * NCHUNK
        rbase = s * RPT

        cps = [
            pltpu.make_async_copy(z_hbm.at[pl.ds(rbase, RPT)],
                                  dout_sh.at[pl.ds(rbase, RPT)], p_sem),
            pltpu.make_async_copy(z_hbm.at[pl.ds(rbase, RPT)],
                                  din_sh.at[pl.ds(rbase, RPT)], p_sem),
            pltpu.make_async_copy(ei_hbm.at[0, pl.ds(cbase, NCHUNK)], idx_s,
                                  p_sem),
            pltpu.make_async_copy(ei_hbm.at[1, pl.ds(cbase, NCHUNK)], idx_d,
                                  p_sem),
        ]
        for cp in cps:
            cp.start()

        @pl.loop(0, K)
        def _(r):
            ones_v[r, pl.ds(0, 16)] = jnp.ones((16,), jnp.float32)

        @pl.when(s == 0)
        def _():
            pltpu.sync_copy(z_hbm.at[pl.ds(NS * RPT, TAIL)],
                            dout_sh.at[pl.ds(NS * RPT, TAIL)])
            pltpu.sync_copy(z_hbm.at[pl.ds(NS * RPT, TAIL)],
                            din_sh.at[pl.ds(NS * RPT, TAIL)])

        for cp in cps:
            cp.wait()
        plsc.subcore_barrier()

        LAG = 8

        @pl.loop(0, NCHUNK)
        def _(i):
            pltpu.async_copy(ones_v, dout_sh.at[idx_s.at[i]], so_sem,
                             add=True)
            pltpu.async_copy(ones_v, din_sh.at[idx_d.at[i]], si_sem,
                             add=True)

            @pl.when(i >= LAG)
            def _():
                il = jnp.maximum(i - LAG, 0)
                pltpu.make_async_copy(ones_v, dout_sh.at[idx_s.at[il]],
                                      so_sem).wait()
                pltpu.make_async_copy(ones_v, din_sh.at[idx_d.at[il]],
                                      si_sem).wait()

        @pl.loop(NCHUNK - LAG, NCHUNK)
        def _(i):
            pltpu.make_async_copy(ones_v, dout_sh.at[idx_s.at[i]],
                                  so_sem).wait()
            pltpu.make_async_copy(ones_v, din_sh.at[idx_d.at[i]],
                                  si_sem).wait()

        plsc.subcore_barrier()
        pltpu.sync_copy(dout_sh.at[pl.ds(rbase, RPT)],
                        out_hbm.at[c, 0, pl.ds(rbase, RPT), pl.ds(0, 16)])
        pltpu.sync_copy(din_sh.at[pl.ds(rbase, RPT)],
                        out_hbm.at[c, 1, pl.ds(rbase, RPT), pl.ds(0, 16)])

        @pl.when(s == 0)
        def _():
            pltpu.sync_copy(dout_sh.at[pl.ds(NS * RPT, TAIL)],
                            out_hbm.at[c, 0, pl.ds(NS * RPT, TAIL),
                                       pl.ds(0, 16)])
            pltpu.sync_copy(din_sh.at[pl.ds(NS * RPT, TAIL)],
                            out_hbm.at[c, 1, pl.ds(NS * RPT, TAIL),
                                       pl.ds(0, 16)])

    return deg_kernel(ei, z16)


def _make_sc_aggregate(width, nb, gla, nh, out_w=None):
    mesh = plsc.VectorSubcoreMesh(core_axis_name="c", subcore_axis_name="s")
    seg = NCHUNK // nh
    if out_w is None:
        out_w = width

    @functools.partial(
        pl.kernel,
        out_type=jax.ShapeDtypeStruct((NC, N, out_w), jnp.float32),
        mesh=mesh,
        compiler_params=pltpu.CompilerParams(use_tc_tiling_on_sc=False),
        scratch_types=(
            [pltpu.VMEM((seg, K), jnp.int32),
             pltpu.VMEM((seg, K), jnp.int32)]
            + [pltpu.VMEM((K, width), jnp.float32) for _ in range(nb)]
            + [pltpu.VMEM_SHARED((N, width), jnp.float32)]
            + [pltpu.SemaphoreType.DMA for _ in range(2 * nb + 1)]
        ),
    )
    def agg_kernel(h_hbm, ei_hbm, z_hbm, out_hbm, idx_s, idx_d,
                   *bufs):
        rows = bufs[:nb]
        acc_sh = bufs[nb]
        gsem = bufs[nb + 1:nb + 1 + nb]
        ssem = bufs[nb + 1 + nb:nb + 1 + 2 * nb]
        p_sem = bufs[2 * nb + 1 + nb]
        c = lax.axis_index("c")
        s = lax.axis_index("s")
        wid = c * NS + s
        cbase = wid * NCHUNK
        rbase = s * RPT

        def fire_gather(l, b):
            pltpu.async_copy(h_hbm.at[idx_s.at[l]], rows[b], gsem[b])

        def wait_gather(l, b):
            pltpu.make_async_copy(h_hbm.at[idx_s.at[l]], rows[b],
                                  gsem[b]).wait()

        def fire_scatter(l, b):
            pltpu.async_copy(rows[b], acc_sh.at[idx_d.at[l]], ssem[b],
                             add=True)

        def wait_scatter(l, b):
            pltpu.make_async_copy(rows[b], acc_sh.at[idx_d.at[l]],
                                  ssem[b]).wait()

        for hi in range(nh):
            segbase = cbase + hi * seg
            if hi == 0:
                cps = [
                    pltpu.make_async_copy(z_hbm.at[pl.ds(rbase, RPT)],
                                          acc_sh.at[pl.ds(rbase, RPT)],
                                          p_sem),
                    pltpu.make_async_copy(ei_hbm.at[0, pl.ds(segbase, seg)],
                                          idx_s, p_sem),
                    pltpu.make_async_copy(ei_hbm.at[1, pl.ds(segbase, seg)],
                                          idx_d, p_sem),
                ]
                for cp in cps:
                    cp.start()

                @pl.when(s == 0)
                def _():
                    pltpu.sync_copy(z_hbm.at[pl.ds(NS * RPT, TAIL)],
                                    acc_sh.at[pl.ds(NS * RPT, TAIL)])

                for cp in cps:
                    cp.wait()
                plsc.subcore_barrier()
            else:
                pltpu.sync_copy(ei_hbm.at[0, pl.ds(segbase, seg)], idx_s)
                pltpu.sync_copy(ei_hbm.at[1, pl.ds(segbase, seg)], idx_d)

            for g in range(gla):
                fire_gather(g, g)

            full = seg // nb
            tail = seg - full * nb

            @pl.loop(0, full)
            def _(j):
                for b in range(nb):
                    l = j * nb + b
                    bn = (b + gla) % nb
                    wait_gather(l, b)
                    fire_scatter(l, b)

                    @pl.when(l + gla - nb >= 0)
                    def _():
                        wait_scatter(jnp.maximum(l + gla - nb, 0), bn)

                    @pl.when(l + gla < seg)
                    def _():
                        fire_gather(jnp.minimum(l + gla, seg - 1), bn)

            for t in range(tail):
                l = full * nb + t
                b = l % nb
                bn = (b + gla) % nb
                wait_gather(l, b)
                fire_scatter(l, b)
                if l + gla - nb >= 0:
                    wait_scatter(l + gla - nb, bn)
                if l + gla < seg:
                    fire_gather(l + gla, bn)

            for t in range(nb - gla):
                lc = seg - (nb - gla) + t
                wait_scatter(lc, lc % nb)

        plsc.subcore_barrier()
        pltpu.sync_copy(acc_sh.at[pl.ds(rbase, RPT)],
                        out_hbm.at[c, pl.ds(rbase, RPT), pl.ds(0, width)])

        @pl.when(s == 0)
        def _():
            pltpu.sync_copy(acc_sh.at[pl.ds(NS * RPT, TAIL)],
                            out_hbm.at[c, pl.ds(NS * RPT, TAIL),
                                       pl.ds(0, width)])

    return agg_kernel


_agg_h = _make_sc_aggregate(H, 3, 1, 2)
_agg_cp = _make_sc_aggregate(CP, 4, 2, 1, out_w=128)


def _norm_from_deg(deg):
    return jnp.where(deg > 0.0, lax.rsqrt(jnp.maximum(deg, 1e-30)), 0.0)


BN_ROWS = 2000
NBLK = N // BN_ROWS


def _tc_mm(x, W1):

    def body(x_ref, w_ref, o_ref):
        o_ref[...] = jnp.dot(x_ref[...], w_ref[...],
                             preferred_element_type=jnp.float32)

    return pl.pallas_call(
        body,
        grid=(N // BN_ROWS,),
        in_specs=[
            pl.BlockSpec((BN_ROWS, D), lambda i: (i, 0)),
            pl.BlockSpec((D, H), lambda i: (0, 0)),
        ],
        out_specs=pl.BlockSpec((BN_ROWS, H), lambda i: (i, 0)),
        out_shape=jax.ShapeDtypeStruct((N, H), jnp.float32),
    )(x, W1)


def _tc_scale(xw, deg_part):

    def body(xw_ref, dp_ref, h_ref, ds_ref):
        dp = dp_ref[...][..., :16]
        dsum = dp[0] + dp[1]
        ds_ref[...] = dsum
        nout = _norm_from_deg(dsum[0][:, 0:1])
        h_ref[...] = xw_ref[...] * nout

    return pl.pallas_call(
        body,
        grid=(N // BN_ROWS,),
        in_specs=[
            pl.BlockSpec((BN_ROWS, H), lambda i: (i, 0)),
            pl.BlockSpec((NC, 2, BN_ROWS, 128), lambda i: (0, 0, i, 0)),
        ],
        out_specs=[
            pl.BlockSpec((BN_ROWS, H), lambda i: (i, 0)),
            pl.BlockSpec((2, BN_ROWS, 16), lambda i: (0, i, 0)),
        ],
        out_shape=[
            jax.ShapeDtypeStruct((N, H), jnp.float32),
            jax.ShapeDtypeStruct((2, N, 16), jnp.float32),
        ],
    )(xw, deg_part)


def _tc_l1_post(agg_part, degsum, b1, gamma1, beta1, W2p):

    def body(a_ref, ds_ref, b_ref, g_ref, be_ref, w_ref, o_ref, t_sc, st_sc):
        i = pl.program_id(0)

        @pl.when(i == 0)
        def _():
            st_sc[...] = jnp.zeros_like(st_sc)

        @pl.when(i < NBLK)
        def _():
            nin = _norm_from_deg(ds_ref[1][:, 0:1])
            t = (a_ref[0] + a_ref[1]) * nin + b_ref[...]
            t_sc[pl.ds(i * BN_ROWS, BN_ROWS), :] = t
            st_sc[0:1, :] += jnp.sum(t, axis=0, keepdims=True)
            st_sc[1:2, :] += jnp.sum(t * t, axis=0, keepdims=True)

        @pl.when(i >= NBLK)
        def _():
            k = i - NBLK
            inv_n = 1.0 / N
            mean = st_sc[0:1, :] * inv_n
            var = st_sc[1:2, :] * inv_n - mean * mean
            scale = g_ref[...] * lax.rsqrt(var + BN_EPS)
            t = t_sc[pl.ds(k * BN_ROWS, BN_ROWS), :]
            z = jnp.maximum((t - mean) * scale + be_ref[...], 0.0)
            nout = _norm_from_deg(ds_ref[0][:, 0:1])
            h2 = jnp.dot(z, w_ref[...], preferred_element_type=jnp.float32)
            o_ref[...] = h2 * nout

    blk = lambda i: jnp.where(i < NBLK, i, i - NBLK)
    return pl.pallas_call(
        body,
        grid=(2 * NBLK,),
        in_specs=[
            pl.BlockSpec((NC, BN_ROWS, H), lambda i: (0, blk(i), 0)),
            pl.BlockSpec((2, BN_ROWS, 16), lambda i: (0, blk(i), 0)),
            pl.BlockSpec((1, H), lambda i: (0, 0)),
            pl.BlockSpec((1, H), lambda i: (0, 0)),
            pl.BlockSpec((1, H), lambda i: (0, 0)),
            pl.BlockSpec((H, CP), lambda i: (0, 0)),
        ],
        out_specs=pl.BlockSpec((BN_ROWS, CP),
                               lambda i: (jnp.where(i < NBLK, 0, i - NBLK), 0)),
        out_shape=jax.ShapeDtypeStruct((N, CP), jnp.float32),
        scratch_shapes=[
            pltpu.VMEM((N, H), jnp.float32),
            pltpu.VMEM((8, H), jnp.float32),
        ],
    )(agg_part, degsum, b1, gamma1, beta1, W2p)


def _tc_final(agg_part, degsum, b2p):

    def body(a_ref, ds_ref, b_ref, o_ref):
        nin = _norm_from_deg(ds_ref[1][:, 0:1])
        a = a_ref[...][..., :CP]
        u = (a[0] + a[1]) * nin + b_ref[...]
        col = lax.broadcasted_iota(jnp.int32, (BN_ROWS, CP), 1)
        valid = col < C
        um = jnp.where(valid, u, -1e30)
        m = jnp.max(um, axis=1, keepdims=True)
        e = jnp.where(valid, jnp.exp(um - m), 0.0)
        ssum = jnp.sum(e, axis=1, keepdims=True)
        o_ref[...] = (u - m - jnp.log(ssum))[:, :C]

    return pl.pallas_call(
        body,
        grid=(N // BN_ROWS,),
        in_specs=[
            pl.BlockSpec((NC, BN_ROWS, 128), lambda i: (0, i, 0)),
            pl.BlockSpec((2, BN_ROWS, 16), lambda i: (0, i, 0)),
            pl.BlockSpec((1, CP), lambda i: (0, 0)),
        ],
        out_specs=pl.BlockSpec((BN_ROWS, C), lambda i: (i, 0)),
        out_shape=jax.ShapeDtypeStruct((N, C), jnp.float32),
    )(agg_part, degsum, b2p)


def kernel(x, edge_index, W1, b1, gamma1, beta1, W2, b2):
    ei = edge_index.reshape(2, E // K, K)
    z16 = jnp.zeros((N, 16), jnp.float32)
    zH = jnp.zeros((N, H), jnp.float32)
    zCP = jnp.zeros((N, CP), jnp.float32)

    xw = _tc_mm(x, W1)
    deg_part = _sc_degrees(ei, z16)
    h1, degsum = _tc_scale(xw, deg_part)
    agg1 = _agg_h(h1, ei, zH)

    W2p = jnp.pad(W2, ((0, 0), (0, CP - C)))
    b2p = jnp.pad(b2, (0, CP - C)).reshape(1, CP)
    h2 = _tc_l1_post(agg1, degsum, b1.reshape(1, H), gamma1.reshape(1, H),
                     beta1.reshape(1, H), W2p)
    agg2 = _agg_cp(h2, ei, zCP)
    return _tc_final(agg2, degsum, b2p)

# --- scband reference (transcript-rebuilt; emitter-appended) ---
"""Pipeline reference for scband-gcn-20985210208423 (READ-ONLY COPY).

The authoritative reference and input builder live on the scoring server;
editing this copy changes nothing except your own understanding.
"""

import jax, jax.numpy as jnp
import numpy as np

N = 10000
E = 320000
D = 128
H = 128
C = 40
BN_EPS = 1e-5


def setup_inputs(seed: int = 0) -> dict:
    key = jax.random.key(seed)
    ks = jax.random.split(key, 8)
    x = jax.random.normal(ks[0], (N, D), dtype=jnp.float32)
    edge_index = jax.random.randint(ks[1], (2, E), 0, N, dtype=jnp.int32)
    W1 = jax.random.normal(ks[2], (D, H), dtype=jnp.float32) * (1.0 / np.sqrt(D))
    b1 = jnp.zeros((H,), dtype=jnp.float32)
    gamma1 = jnp.ones((H,), dtype=jnp.float32)
    beta1 = jnp.zeros((H,), dtype=jnp.float32)
    W2 = jax.random.normal(ks[3], (H, C), dtype=jnp.float32) * (1.0 / np.sqrt(H))
    b2 = jnp.zeros((C,), dtype=jnp.float32)
    return {"x": x, "edge_index": edge_index, "W1": W1, "b1": b1,
            "gamma1": gamma1, "beta1": beta1, "W2": W2, "b2": b2}


def _gcn_conv(x, src, dst, W, b):
    # DGL GraphConv with norm='both': D_out^{-1/2} applied to src feats,
    # aggregate (scatter-add), then D_in^{-1/2} on dst side.
    n = x.shape[0]
    h = x @ W
    deg_out = jnp.zeros((n,), dtype=x.dtype).at[src].add(1.0)
    deg_in = jnp.zeros((n,), dtype=x.dtype).at[dst].add(1.0)
    norm_out = jnp.where(deg_out > 0, deg_out ** -0.5, 0.0)
    norm_in = jnp.where(deg_in > 0, deg_in ** -0.5, 0.0)
    h = h * norm_out[:, None]
    msgs = jnp.take(h, src, axis=0)              # gather over edges
    agg = jnp.zeros_like(h).at[dst].add(msgs)    # scatter-add over edges
    agg = agg * norm_in[:, None]
    return agg + b


def reference(x, edge_index, W1, b1, gamma1, beta1, W2, b2):
    src = edge_index[0]
    dst = edge_index[1]
    # layer 1: GraphConv -> BatchNorm (batch stats) -> ReLU (dropout off / eval)
    h = _gcn_conv(x, src, dst, W1, b1)
    mean = jnp.mean(h, axis=0)
    var = jnp.var(h, axis=0)
    h = (h - mean) / jnp.sqrt(var + BN_EPS) * gamma1 + beta1
    h = jax.nn.relu(h)
    # final layer + log_softmax
    out = _gcn_conv(h, src, dst, W2, b2)
    return jax.nn.log_softmax(out, axis=-1)

if __name__ == "__main__":
    import jax
    _d = setup_inputs()
    print(jax.jit(kernel)(*tuple(_d.values())))

</pallas_src>

<mosaic_0001>
#map = affine_map<(d0, d1) -> (0, 0, 0)>
#map1 = affine_map<(d0, d1) -> (0, 0)>
#map2 = affine_map<(d0, d1) -> (0, 0, 0, 0)>
module attributes {stable_mosaic.version = 14 : i64} {
  func.func @deg_kernel(%arg0: i32, %arg1: i32, %arg2: memref<2x3200x100xi32, #tpu.memory_space<hbm>>, %arg3: memref<10000x16xf32, #tpu.memory_space<hbm>>, %arg4: memref<2x2x10000x128xf32, #tpu.memory_space<hbm>>, %arg5: memref<100x100xi32, #tpu.memory_space<vmem>>, %arg6: memref<100x100xi32, #tpu.memory_space<vmem>>, %arg7: memref<100x16xf32, #tpu.memory_space<vmem>>, %arg8: memref<10000x16xf32, #tpu.memory_space<vmem_shared>>, %arg9: memref<10000x16xf32, #tpu.memory_space<vmem_shared>>, %arg10: memref<!tpu.dma_semaphore, #tpu.memory_space<semaphore_mem>>, %arg11: memref<!tpu.dma_semaphore, #tpu.memory_space<semaphore_mem>>, %arg12: memref<!tpu.dma_semaphore, #tpu.memory_space<semaphore_mem>>) attributes {dimension_semantics = [#tpu.dimension_semantics<core_parallel>, #tpu.dimension_semantics<subcore_parallel>], iteration_bounds = array<i64: 2, 16>, scalar_prefetch = 0 : i64, scratch_operands = 8 : i64, tpu.core_type = #tpu.core_type<sc_vector_subcore>, window_params = [{transform_indices = #map}, {transform_indices = #map1}, {transform_indices = #map2}]} {
    %mul3A = arith.constant 16 : i32
    %mul3A_0 = arith.muli %arg0, %mul3A : i32
    %add3A = arith.addi %mul3A_0, %arg1 : i32
    %mul3A_1 = arith.constant 100 : i32
    %mul3A_2 = arith.muli %add3A, %mul3A_1 : i32
    %mul3A_3 = arith.constant 624 : i32
    %mul3A_4 = arith.muli %arg1, %mul3A_3 : i32
    %dma_start3A = arith.constant 0 : i32
    %dma_start3A_5 = tpu.memref_slice %arg8[%mul3A_4, %dma_start3A] : memref<10000x16xf32, #tpu.memory_space<vmem_shared>> -> memref<624x16xf32, #tpu.memory_space<vmem_shared>>
    %dma_start3A_6 = arith.constant 0 : i32
    %dma_start3A_7 = tpu.memref_slice %arg3[%mul3A_4, %dma_start3A_6] : memref<10000x16xf32, #tpu.memory_space<hbm>> -> memref<624x16xf32, #tpu.memory_space<hbm>>
    tpu.enqueue_dma source(%dma_start3A_7 : memref<624x16xf32, #tpu.memory_space<hbm>>) target(%dma_start3A_5 : memref<624x16xf32, #tpu.memory_space<vmem_shared>>) target_semaphore(%arg12 : memref<!tpu.dma_semaphore, #tpu.memory_space<semaphore_mem>>)
    %dma_start3A_8 = arith.constant 0 : i32
    %dma_start3A_9 = tpu.memref_slice %arg9[%mul3A_4, %dma_start3A_8] : memref<10000x16xf32, #tpu.memory_space<vmem_shared>> -> memref<624x16xf32, #tpu.memory_space<vmem_shared>>
    %dma_start3A_10 = arith.constant 0 : i32
    %dma_start3A_11 = tpu.memref_slice %arg3[%mul3A_4, %dma_start3A_10] : memref<10000x16xf32, #tpu.memory_space<hbm>> -> memref<624x16xf32, #tpu.memory_space<hbm>>
    tpu.enqueue_dma source(%dma_start3A_11 : memref<624x16xf32, #tpu.memory_space<hbm>>) target(%dma_start3A_9 : memref<624x16xf32, #tpu.memory_space<vmem_shared>>) target_semaphore(%arg12 : memref<!tpu.dma_semaphore, #tpu.memory_space<semaphore_mem>>)
    %dma_start3A_12 = arith.constant 0 : i32
    %dma_start3A_13 = arith.constant 0 : i32
    %dma_start3A_14 = tpu.memref_slice %arg2[%dma_start3A_12, %mul3A_2, %dma_start3A_13] : memref<2x3200x100xi32, #tpu.memory_space<hbm>> -> memref<1x100x100xi32, #tpu.memory_space<hbm>>
    %dma_start3A_15 = tpu.memref_squeeze %dma_start3A_14 : memref<1x100x100xi32, #tpu.memory_space<hbm>> -> memref<100x100xi32, #tpu.memory_space<hbm>>
    %dma_start3A_16 = arith.constant 0 : i32
    %dma_start3A_17 = tpu.memref_slice %arg2[%dma_start3A_12, %mul3A_2, %dma_start3A_16] : memref<2x3200x100xi32, #tpu.memory_space<hbm>> -> memref<1x100x100xi32, #tpu.memory_space<hbm>>
    %dma_start3A_18 = tpu.memref_squeeze %dma_start3A_17 : memref<1x100x100xi32, #tpu.memory_space<hbm>> -> memref<100x100xi32, #tpu.memory_space<hbm>>
    tpu.enqueue_dma source(%dma_start3A_18 : memref<100x100xi32, #tpu.memory_space<hbm>>) target(%arg5 : memref<100x100xi32, #tpu.memory_space<vmem>>) target_semaphore(%arg12 : memref<!tpu.dma_semaphore, #tpu.memory_space<semaphore_mem>>)
    %dma_start3A_19 = arith.constant 1 : i32
    %dma_start3A_20 = arith.constant 0 : i32
    %dma_start3A_21 = tpu.memref_slice %arg2[%dma_start3A_19, %mul3A_2, %dma_start3A_20] : memref<2x3200x100xi32, #tpu.memory_space<hbm>> -> memref<1x100x100xi32, #tpu.memory_space<hbm>>
    %dma_start3A_22 = tpu.memref_squeeze %dma_start3A_21 : memref<1x100x100xi32, #tpu.memory_space<hbm>> -> memref<100x100xi32, #tpu.memory_space<hbm>>
    %dma_start3A_23 = arith.constant 0 : i32
    %dma_start3A_24 = tpu.memref_slice %arg2[%dma_start3A_19, %mul3A_2, %dma_start3A_23] : memref<2x3200x100xi32, #tpu.memory_space<hbm>> -> memref<1x100x100xi32, #tpu.memory_space<hbm>>
    %dma_start3A_25 = tpu.memref_squeeze %dma_start3A_24 : memref<1x100x100xi32, #tpu.memory_space<hbm>> -> memref<100x100xi32, #tpu.memory_space<hbm>>
    tpu.enqueue_dma source(%dma_start3A_25 : memref<100x100xi32, #tpu.memory_space<hbm>>) target(%arg6 : memref<100x100xi32, #tpu.memory_space<vmem>>) target_semaphore(%arg12 : memref<!tpu.dma_semaphore, #tpu.memory_space<semaphore_mem>>)
    %scan3A = arith.constant 0 : i32
    %scan3A_26 = arith.constant 100 : i32
    %scan3A_27 = arith.addi %scan3A, %scan3A_26 : i32
    %scan3A_28 = arith.constant 1 : i32
    scf.for %scan3A_70 = %scan3A to %scan3A_27 step %scan3A_28  : i32 {
      %mul3A_71 = arith.constant 1 : i32
      %mul3A_72 = arith.muli %scan3A_70, %mul3A_71 : i32
      %add3A_73 = arith.constant 0 : i32
      %add3A_74 = arith.addi %add3A_73, %mul3A_72 : i32
      %broadcast_in_dim3A = arith.constant 1.000000e+00 : f32
      %broadcast_in_dim3A_75 = vector.broadcast %broadcast_in_dim3A : f32 to vector<16xf32>
      %swap3A = arith.index_cast %add3A_74 : i32 to index
      %swap3A_76 = arith.constant 0 : index
      %swap3A_77 = tpu.vector_load %arg7[%swap3A, %swap3A_76] {strides = array<i32>} : memref<100x16xf32, #tpu.memory_space<vmem>>, vector<1x16xf32>,
      %swap3A_78 = vector.shape_cast %swap3A_77 : vector<1x16xf32> to vector<16xf32>
      %swap3A_79 = vector.shape_cast %broadcast_in_dim3A_75 : vector<16xf32> to vector<1x16xf32>
      tpu.vector_store %arg7[%swap3A, %swap3A_76], %swap3A_79 {strides = array<i32>} : memref<100x16xf32, #tpu.memory_space<vmem>>, vector<1x16xf32>,
    }
    %scan3A_29 = arith.constant 100 : i32
    %eq3A = arith.constant 0 : i32
    %eq3A_30 = arith.cmpi eq, %arg1, %eq3A : i32
    %convert_element_type3A = arith.extui %eq3A_30 : i1 to i32
    %cond3A = arith.constant 0 : i32
    %cond3A_31 = arith.cmpi ne, %convert_element_type3A, %cond3A : i32
    scf.if %cond3A_31 {
      "tpu.region"() ({
        %run_scoped3A_70 = tpu.sem_alloc : memref<!tpu.dma_semaphore, #tpu.memory_space<semaphore_mem>>
        %dma_start3A_71 = arith.constant 9984 : i32
        %dma_start3A_72 = arith.constant 0 : i32
        %dma_start3A_73 = tpu.memref_slice %arg8[%dma_start3A_71, %dma_start3A_72] : memref<10000x16xf32, #tpu.memory_space<vmem_shared>> -> memref<16x16xf32, #tpu.memory_space<vmem_shared>>
        %dma_start3A_74 = arith.constant 9984 : i32
        %dma_start3A_75 = arith.constant 0 : i32
        %dma_start3A_76 = tpu.memref_slice %arg3[%dma_start3A_74, %dma_start3A_75] : memref<10000x16xf32, #tpu.memory_space<hbm>> -> memref<16x16xf32, #tpu.memory_space<hbm>>
        tpu.enqueue_dma source(%dma_start3A_76 : memref<16x16xf32, #tpu.memory_space<hbm>>) target(%dma_start3A_73 : memref<16x16xf32, #tpu.memory_space<vmem_shared>>) target_semaphore(%run_scoped3A_70 : memref<!tpu.dma_semaphore, #tpu.memory_space<semaphore_mem>>)
        %dma_wait3A_77 = arith.constant 9984 : i32
        %dma_wait3A_78 = arith.constant 0 : i32
        %dma_wait3A_79 = tpu.memref_slice %arg8[%dma_wait3A_77, %dma_wait3A_78] : memref<10000x16xf32, #tpu.memory_space<vmem_shared>> -> memref<16x16xf32, #tpu.memory_space<vmem_shared>>
        %dma_wait3A_80 = arith.constant 9984 : i32
        %dma_wait3A_81 = arith.constant 0 : i32
        %dma_wait3A_82 = tpu.memref_slice %arg3[%dma_wait3A_80, %dma_wait3A_81] : memref<10000x16xf32, #tpu.memory_space<hbm>> -> memref<16x16xf32, #tpu.memory_space<hbm>>
        tpu.wait_dma2 semaphore(%run_scoped3A_70 : memref<!tpu.dma_semaphore, #tpu.memory_space<semaphore_mem>>) src(%dma_wait3A_82 : memref<16x16xf32, #tpu.memory_space<hbm>>) dst(%dma_wait3A_79 : memref<16x16xf32, #tpu.memory_space<vmem_shared>>)
        tpu.yield
      }) : () -> ()
      "tpu.region"() ({
        %run_scoped3A_70 = tpu.sem_alloc : memref<!tpu.dma_semaphore, #tpu.memory_space<semaphore_mem>>
        %dma_start3A_71 = arith.constant 9984 : i32
        %dma_start3A_72 = arith.constant 0 : i32
        %dma_start3A_73 = tpu.memref_slice %arg9[%dma_start3A_71, %dma_start3A_72] : memref<10000x16xf32, #tpu.memory_space<vmem_shared>> -> memref<16x16xf32, #tpu.memory_space<vmem_shared>>
        %dma_start3A_74 = arith.constant 9984 : i32
        %dma_start3A_75 = arith.constant 0 : i32
        %dma_start3A_76 = tpu.memref_slice %arg3[%dma_start3A_74, %dma_start3A_75] : memref<10000x16xf32, #tpu.memory_space<hbm>> -> memref<16x16xf32, #tpu.memory_space<hbm>>
        tpu.enqueue_dma source(%dma_start3A_76 : memref<16x16xf32, #tpu.memory_space<hbm>>) target(%dma_start3A_73 : memref<16x16xf32, #tpu.memory_space<vmem_shared>>) target_semaphore(%run_scoped3A_70 : memref<!tpu.dma_semaphore, #tpu.memory_space<semaphore_mem>>)
        %dma_wait3A_77 = arith.constant 9984 : i32
        %dma_wait3A_78 = arith.constant 0 : i32
        %dma_wait3A_79 = tpu.memref_slice %arg9[%dma_wait3A_77, %dma_wait3A_78] : memref<10000x16xf32, #tpu.memory_space<vmem_shared>> -> memref<16x16xf32, #tpu.memory_space<vmem_shared>>
        %dma_wait3A_80 = arith.constant 9984 : i32
        %dma_wait3A_81 = arith.constant 0 : i32
        %dma_wait3A_82 = tpu.memref_slice %arg3[%dma_wait3A_80, %dma_wait3A_81] : memref<10000x16xf32, #tpu.memory_space<hbm>> -> memref<16x16xf32, #tpu.memory_space<hbm>>
        tpu.wait_dma2 semaphore(%run_scoped3A_70 : memref<!tpu.dma_semaphore, #tpu.memory_space<semaphore_mem>>) src(%dma_wait3A_82 : memref<16x16xf32, #tpu.memory_space<hbm>>) dst(%dma_wait3A_79 : memref<16x16xf32, #tpu.memory_space<vmem_shared>>)
        tpu.yield
      }) : () -> ()
    } else {
    }
    %dma_wait3A = arith.constant 0 : i32
    %dma_wait3A_32 = tpu.memref_slice %arg8[%mul3A_4, %dma_wait3A] : memref<10000x16xf32, #tpu.memory_space<vmem_shared>> -> memref<624x16xf32, #tpu.memory_space<vmem_shared>>
    %dma_wait3A_33 = arith.constant 0 : i32
    %dma_wait3A_34 = tpu.memref_slice %arg3[%mul3A_4, %dma_wait3A_33] : memref<10000x16xf32, #tpu.memory_space<hbm>> -> memref<624x16xf32, #tpu.memory_space<hbm>>
    tpu.wait_dma2 semaphore(%arg12 : memref<!tpu.dma_semaphore, #tpu.memory_space<semaphore_mem>>) src(%dma_wait3A_34 : memref<624x16xf32, #tpu.memory_space<hbm>>) dst(%dma_wait3A_32 : memref<624x16xf32, #tpu.memory_space<vmem_shared>>)
    %dma_wait3A_35 = arith.constant 0 : i32
    %dma_wait3A_36 = tpu.memref_slice %arg9[%mul3A_4, %dma_wait3A_35] : memref<10000x16xf32, #tpu.memory_space<vmem_shared>> -> memref<624x16xf32, #tpu.memory_space<vmem_shared>>
    %dma_wait3A_37 = arith.constant 0 : i32
    %dma_wait3A_38 = tpu.memref_slice %arg3[%mul3A_4, %dma_wait3A_37] : memref<10000x16xf32, #tpu.memory_space<hbm>> -> memref<624x16xf32, #tpu.memory_space<hbm>>
    tpu.wait_dma2 semaphore(%arg12 : memref<!tpu.dma_semaphore, #tpu.memory_space<semaphore_mem>>) src(%dma_wait3A_38 : memref<624x16xf32, #tpu.memory_space<hbm>>) dst(%dma_wait3A_36 : memref<624x16xf32, #tpu.memory_space<vmem_shared>>)
    %dma_wait3A_39 = arith.constant 0 : i32
    %dma_wait3A_40 = arith.constant 0 : i32
    %dma_wait3A_41 = tpu.memref_slice %arg2[%dma_wait3A_39, %mul3A_2, %dma_wait3A_40] : memref<2x3200x100xi32, #tpu.memory_space<hbm>> -> memref<1x100x100xi32, #tpu.memory_space<hbm>>
    %dma_wait3A_42 = tpu.memref_squeeze %dma_wait3A_41 : memref<1x100x100xi32, #tpu.memory_space<hbm>> -> memref<100x100xi32, #tpu.memory_space<hbm>>
    %dma_wait3A_43 = arith.constant 0 : i32
    %dma_wait3A_44 = tpu.memref_slice %arg2[%dma_wait3A_39, %mul3A_2, %dma_wait3A_43] : memref<2x3200x100xi32, #tpu.memory_space<hbm>> -> memref<1x100x100xi32, #tpu.memory_space<hbm>>
    %dma_wait3A_45 = tpu.memref_squeeze %dma_wait3A_44 : memref<1x100x100xi32, #tpu.memory_space<hbm>> -> memref<100x100xi32, #tpu.memory_space<hbm>>
    tpu.wait_dma2 semaphore(%arg12 : memref<!tpu.dma_semaphore, #tpu.memory_space<semaphore_mem>>) src(%dma_wait3A_45 : memref<100x100xi32, #tpu.memory_space<hbm>>) dst(%arg5 : memref<100x100xi32, #tpu.memory_space<vmem>>)
    %dma_wait3A_46 = arith.constant 1 : i32
    %dma_wait3A_47 = arith.constant 0 : i32
    %dma_wait3A_48 = tpu.memref_slice %arg2[%dma_wait3A_46, %mul3A_2, %dma_wait3A_47] : memref<2x3200x100xi32, #tpu.memory_space<hbm>> -> memref<1x100x100xi32, #tpu.memory_space<hbm>>
    %dma_wait3A_49 = tpu.memref_squeeze %dma_wait3A_48 : memref<1x100x100xi32, #tpu.memory_space<hbm>> -> memref<100x100xi32, #tpu.memory_space<hbm>>
    %dma_wait3A_50 = arith.constant 0 : i32
    %dma_wait3A_51 = tpu.memref_slice %arg2[%dma_wait3A_46, %mul3A_2, %dma_wait3A_50] : memref<2x3200x100xi32, #tpu.memory_space<hbm>> -> memref<1x100x100xi32, #tpu.memory_space<hbm>>
    %dma_wait3A_52 = tpu.memref_squeeze %dma_wait3A_51 : memref<1x100x100xi32, #tpu.memory_space<hbm>> -> memref<100x100xi32, #tpu.memory_space<hbm>>
    tpu.wait_dma2 semaphore(%arg12 : memref<!tpu.dma_semaphore, #tpu.memory_space<semaphore_mem>>) src(%dma_wait3A_52 : memref<100x100xi32, #tpu.memory_space<hbm>>) dst(%arg6 : memref<100x100xi32, #tpu.memory_space<vmem>>)
    %barrier3A = arith.constant 0 : index
    tpu.barrier barrier_id(%barrier3A)
    %scan3A_53 = arith.constant 0 : i32
    %scan3A_54 = arith.constant 100 : i32
    %scan3A_55 = arith.addi %scan3A_53, %scan3A_54 : i32
    %scan3A_56 = arith.constant 1 : i32
    scf.for %scan3A_70 = %scan3A_53 to %scan3A_55 step %scan3A_56  : i32 {
      %mul3A_71 = arith.constant 1 : i32
      %mul3A_72 = arith.muli %scan3A_70, %mul3A_71 : i32
      %add3A_73 = arith.constant 0 : i32
      %add3A_74 = arith.addi %add3A_73, %mul3A_72 : i32
      %dma_start3A_75 = arith.constant 0 : i32
      %dma_start3A_76 = tpu.memref_slice %arg5[%add3A_74, %dma_start3A_75] : memref<100x100xi32, #tpu.memory_space<vmem>> -> memref<1x100xi32, #tpu.memory_space<vmem>>
      %dma_start3A_77 = tpu.memref_squeeze %dma_start3A_76 : memref<1x100xi32, #tpu.memory_space<vmem>> -> memref<100xi32, #tpu.memory_space<vmem>>
      %dma_start3A_78 = arith.constant 0 : i32
      %dma_start3A_79 = arith.constant 0 : i32
      %dma_start3A_80 = tpu.memref_slice %arg8[%dma_start3A_78, %dma_start3A_79] : memref<10000x16xf32, #tpu.memory_space<vmem_shared>> -> memref<10000x16xf32, #tpu.memory_space<vmem_shared>>
      tpu.enqueue_indirect_dma source(%arg7 : memref<100x16xf32, #tpu.memory_space<vmem>>) target(%dma_start3A_80 : memref<10000x16xf32, #tpu.memory_space<vmem_shared>>) offsets(%dma_start3A_77 : memref<100xi32, #tpu.memory_space<vmem>>) semaphore(%arg10 : memref<!tpu.dma_semaphore, #tpu.memory_space<semaphore_mem>>) {add = true}
      %dma_start3A_81 = arith.constant 0 : i32
      %dma_start3A_82 = tpu.memref_slice %arg6[%add3A_74, %dma_start3A_81] : memref<100x100xi32, #tpu.memory_space<vmem>> -> memref<1x100xi32, #tpu.memory_space<vmem>>
      %dma_start3A_83 = tpu.memref_squeeze %dma_start3A_82 : memref<1x100xi32, #tpu.memory_space<vmem>> -> memref<100xi32, #tpu.memory_space<vmem>>
      %dma_start3A_84 = arith.constant 0 : i32
      %dma_start3A_85 = arith.constant 0 : i32
      %dma_start3A_86 = tpu.memref_slice %arg9[%dma_start3A_84, %dma_start3A_85] : memref<10000x16xf32, #tpu.memory_space<vmem_shared>> -> memref<10000x16xf32, #tpu.memory_space<vmem_shared>>
      tpu.enqueue_indirect_dma source(%arg7 : memref<100x16xf32, #tpu.memory_space<vmem>>) target(%dma_start3A_86 : memref<10000x16xf32, #tpu.memory_space<vmem_shared>>) offsets(%dma_start3A_83 : memref<100xi32, #tpu.memory_space<vmem>>) semaphore(%arg11 : memref<!tpu.dma_semaphore, #tpu.memory_space<semaphore_mem>>) {add = true}
      %ge3A = arith.constant 8 : i32
      %ge3A_87 = arith.cmpi sge, %add3A_74, %ge3A : i32
      %convert_element_type3A_88 = arith.extui %ge3A_87 : i1 to i32
      %cond3A_89 = arith.constant 0 : i32
      %cond3A_90 = arith.cmpi ne, %convert_element_type3A_88, %cond3A_89 : i32
      scf.if %cond3A_90 {
        %sub3A = arith.constant 8 : i32
        %sub3A_91 = arith.subi %add3A_74, %sub3A : i32
        %max3A = arith.constant 0 : i32
        %max3A_92 = arith.maxsi %sub3A_91, %max3A : i32
        %dma_wait3A_93 = arith.constant 0 : i32
        %dma_wait3A_94 = tpu.memref_slice %arg5[%max3A_92, %dma_wait3A_93] : memref<100x100xi32, #tpu.memory_space<vmem>> -> memref<1x100xi32, #tpu.memory_space<vmem>>
        %dma_wait3A_95 = tpu.memref_squeeze %dma_wait3A_94 : memref<1x100xi32, #tpu.memory_space<vmem>> -> memref<100xi32, #tpu.memory_space<vmem>>
        %dma_wait3A_96 = arith.constant 0 : i32
        %dma_wait3A_97 = arith.constant 0 : i32
        %dma_wait3A_98 = tpu.memref_slice %arg8[%dma_wait3A_96, %dma_wait3A_97] : memref<10000x16xf32, #tpu.memory_space<vmem_shared>> -> memref<10000x16xf32, #tpu.memory_space<vmem_shared>>
        tpu.wait_indirect_dma semaphore(%arg10 : memref<!tpu.dma_semaphore, #tpu.memory_space<semaphore_mem>>) src(%arg7 : memref<100x16xf32, #tpu.memory_space<vmem>>) dst(%dma_wait3A_98 : memref<10000x16xf32, #tpu.memory_space<vmem_shared>>)
        %dma_wait3A_99 = arith.constant 0 : i32
        %dma_wait3A_100 = tpu.memref_slice %arg6[%max3A_92, %dma_wait3A_99] : memref<100x100xi32, #tpu.memory_space<vmem>> -> memref<1x100xi32, #tpu.memory_space<vmem>>
        %dma_wait3A_101 = tpu.memref_squeeze %dma_wait3A_100 : memref<1x100xi32, #tpu.memory_space<vmem>> -> memref<100xi32, #tpu.memory_space<vmem>>
        %dma_wait3A_102 = arith.constant 0 : i32
        %dma_wait3A_103 = arith.constant 0 : i32
        %dma_wait3A_104 = tpu.memref_slice %arg9[%dma_wait3A_102, %dma_wait3A_103] : memref<10000x16xf32, #tpu.memory_space<vmem_shared>> -> memref<10000x16xf32, #tpu.memory_space<vmem_shared>>
        tpu.wait_indirect_dma semaphore(%arg11 : memref<!tpu.dma_semaphore, #tpu.memory_space<semaphore_mem>>) src(%arg7 : memref<100x16xf32, #tpu.memory_space<vmem>>) dst(%dma_wait3A_104 : memref<10000x16xf32, #tpu.memory_space<vmem_shared>>)
      } else {
      }
    }
    %scan3A_57 = arith.constant 100 : i32
    %scan3A_58 = arith.constant 0 : i32
    %scan3A_59 = arith.constant 8 : i32
    %scan3A_60 = arith.addi %scan3A_58, %scan3A_59 : i32
    %scan3A_61 = arith.constant 1 : i32
    scf.for %scan3A_70 = %scan3A_58 to %scan3A_60 step %scan3A_61  : i32 {
      %mul3A_71 = arith.constant 1 : i32
      %mul3A_72 = arith.muli %scan3A_70, %mul3A_71 : i32
      %add3A_73 = arith.constant 92 : i32
      %add3A_74 = arith.addi %add3A_73, %mul3A_72 : i32
      %dma_wait3A_75 = arith.constant 0 : i32
      %dma_wait3A_76 = tpu.memref_slice %arg5[%add3A_74, %dma_wait3A_75] : memref<100x100xi32, #tpu.memory_space<vmem>> -> memref<1x100xi32, #tpu.memory_space<vmem>>
      %dma_wait3A_77 = tpu.memref_squeeze %dma_wait3A_76 : memref<1x100xi32, #tpu.memory_space<vmem>> -> memref<100xi32, #tpu.memory_space<vmem>>
      %dma_wait3A_78 = arith.constant 0 : i32
      %dma_wait3A_79 = arith.constant 0 : i32
      %dma_wait3A_80 = tpu.memref_slice %arg8[%dma_wait3A_78, %dma_wait3A_79] : memref<10000x16xf32, #tpu.memory_space<vmem_shared>> -> memref<10000x16xf32, #tpu.memory_space<vmem_shared>>
      tpu.wait_indirect_dma semaphore(%arg10 : memref<!tpu.dma_semaphore, #tpu.memory_space<semaphore_mem>>) src(%arg7 : memref<100x16xf32, #tpu.memory_space<vmem>>) dst(%dma_wait3A_80 : memref<10000x16xf32, #tpu.memory_space<vmem_shared>>)
      %dma_wait3A_81 = arith.constant 0 : i32
      %dma_wait3A_82 = tpu.memref_slice %arg6[%add3A_74, %dma_wait3A_81] : memref<100x100xi32, #tpu.memory_space<vmem>> -> memref<1x100xi32, #tpu.memory_space<vmem>>
      %dma_wait3A_83 = tpu.memref_squeeze %dma_wait3A_82 : memref<1x100xi32, #tpu.memory_space<vmem>> -> memref<100xi32, #tpu.memory_space<vmem>>
      %dma_wait3A_84 = arith.constant 0 : i32
      %dma_wait3A_85 = arith.constant 0 : i32
      %dma_wait3A_86 = tpu.memref_slice %arg9[%dma_wait3A_84, %dma_wait3A_85] : memref<10000x16xf32, #tpu.memory_space<vmem_shared>> -> memref<10000x16xf32, #tpu.memory_space<vmem_shared>>
      tpu.wait_indirect_dma semaphore(%arg11 : memref<!tpu.dma_semaphore, #tpu.memory_space<semaphore_mem>>) src(%arg7 : memref<100x16xf32, #tpu.memory_space<vmem>>) dst(%dma_wait3A_86 : memref<10000x16xf32, #tpu.memory_space<vmem_shared>>)
    }
    %scan3A_62 = arith.constant 8 : i32
    %barrier3A_63 = arith.constant 0 : index
    tpu.barrier barrier_id(%barrier3A_63)
    %run_scoped3A = arith.constant 0 : i32
    "tpu.region"() ({
      %run_scoped3A_70 = tpu.sem_alloc : memref<!tpu.dma_semaphore, #tpu.memory_space<semaphore_mem>>
      %dma_start3A_71 = arith.constant 0 : i32
      %dma_start3A_72 = tpu.memref_slice %arg4[%arg0, %run_scoped3A, %mul3A_4, %dma_start3A_71] : memref<2x2x10000x128xf32, #tpu.memory_space<hbm>> -> memref<1x1x624x16xf32, #tpu.memory_space<hbm>>
      %dma_start3A_73 = tpu.memref_squeeze %dma_start3A_72 : memref<1x1x624x16xf32, #tpu.memory_space<hbm>> -> memref<624x16xf32, #tpu.memory_space<hbm>>
      %dma_start3A_74 = arith.constant 0 : i32
      %dma_start3A_75 = tpu.memref_slice %arg8[%mul3A_4, %dma_start3A_74] : memref<10000x16xf32, #tpu.memory_space<vmem_shared>> -> memref<624x16xf32, #tpu.memory_space<vmem_shared>>
      tpu.enqueue_dma source(%dma_start3A_75 : memref<624x16xf32, #tpu.memory_space<vmem_shared>>) target(%dma_start3A_73 : memref<624x16xf32, #tpu.memory_space<hbm>>) target_semaphore(%run_scoped3A_70 : memref<!tpu.dma_semaphore, #tpu.memory_space<semaphore_mem>>)
      %dma_wait3A_76 = arith.constant 0 : i32
      %dma_wait3A_77 = tpu.memref_slice %arg4[%arg0, %run_scoped3A, %mul3A_4, %dma_wait3A_76] : memref<2x2x10000x128xf32, #tpu.memory_space<hbm>> -> memref<1x1x624x16xf32, #tpu.memory_space<hbm>>
      %dma_wait3A_78 = tpu.memref_squeeze %dma_wait3A_77 : memref<1x1x624x16xf32, #tpu.memory_space<hbm>> -> memref<624x16xf32, #tpu.memory_space<hbm>>
      %dma_wait3A_79 = arith.constant 0 : i32
      %dma_wait3A_80 = tpu.memref_slice %arg8[%mul3A_4, %dma_wait3A_79] : memref<10000x16xf32, #tpu.memory_space<vmem_shared>> -> memref<624x16xf32, #tpu.memory_space<vmem_shared>>
      tpu.wait_dma2 semaphore(%run_scoped3A_70 : memref<!tpu.dma_semaphore, #tpu.memory_space<semaphore_mem>>) src(%dma_wait3A_80 : memref<624x16xf32, #tpu.memory_space<vmem_shared>>) dst(%dma_wait3A_78 : memref<624x16xf32, #tpu.memory_space<hbm>>)
      tpu.yield
    }) : () -> ()
    %run_scoped3A_64 = arith.constant 1 : i32
    "tpu.region"() ({
      %run_scoped3A_70 = tpu.sem_alloc : memref<!tpu.dma_semaphore, #tpu.memory_space<semaphore_mem>>
      %dma_start3A_71 = arith.constant 0 : i32
      %dma_start3A_72 = tpu.memref_slice %arg4[%arg0, %run_scoped3A_64, %mul3A_4, %dma_start3A_71] : memref<2x2x10000x128xf32, #tpu.memory_space<hbm>> -> memref<1x1x624x16xf32, #tpu.memory_space<hbm>>
      %dma_start3A_73 = tpu.memref_squeeze %dma_start3A_72 : memref<1x1x624x16xf32, #tpu.memory_space<hbm>> -> memref<624x16xf32, #tpu.memory_space<hbm>>
      %dma_start3A_74 = arith.constant 0 : i32
      %dma_start3A_75 = tpu.memref_slice %arg9[%mul3A_4, %dma_start3A_74] : memref<10000x16xf32, #tpu.memory_space<vmem_shared>> -> memref<624x16xf32, #tpu.memory_space<vmem_shared>>
      tpu.enqueue_dma source(%dma_start3A_75 : memref<624x16xf32, #tpu.memory_space<vmem_shared>>) target(%dma_start3A_73 : memref<624x16xf32, #tpu.memory_space<hbm>>) target_semaphore(%run_scoped3A_70 : memref<!tpu.dma_semaphore, #tpu.memory_space<semaphore_mem>>)
      %dma_wait3A_76 = arith.constant 0 : i32
      %dma_wait3A_77 = tpu.memref_slice %arg4[%arg0, %run_scoped3A_64, %mul3A_4, %dma_wait3A_76] : memref<2x2x10000x128xf32, #tpu.memory_space<hbm>> -> memref<1x1x624x16xf32, #tpu.memory_space<hbm>>
      %dma_wait3A_78 = tpu.memref_squeeze %dma_wait3A_77 : memref<1x1x624x16xf32, #tpu.memory_space<hbm>> -> memref<624x16xf32, #tpu.memory_space<hbm>>
      %dma_wait3A_79 = arith.constant 0 : i32
      %dma_wait3A_80 = tpu.memref_slice %arg9[%mul3A_4, %dma_wait3A_79] : memref<10000x16xf32, #tpu.memory_space<vmem_shared>> -> memref<624x16xf32, #tpu.memory_space<vmem_shared>>
      tpu.wait_dma2 semaphore(%run_scoped3A_70 : memref<!tpu.dma_semaphore, #tpu.memory_space<semaphore_mem>>) src(%dma_wait3A_80 : memref<624x16xf32, #tpu.memory_space<vmem_shared>>) dst(%dma_wait3A_78 : memref<624x16xf32, #tpu.memory_space<hbm>>)
      tpu.yield
    }) : () -> ()
    %eq3A_65 = arith.constant 0 : i32
    %eq3A_66 = arith.cmpi eq, %arg1, %eq3A_65 : i32
    %convert_element_type3A_67 = arith.extui %eq3A_66 : i1 to i32
    %cond3A_68 = arith.constant 0 : i32
    %cond3A_69 = arith.cmpi ne, %convert_element_type3A_67, %cond3A_68 : i32
    scf.if %cond3A_69 {
      %run_scoped3A_70 = arith.constant 0 : i32
      "tpu.region"() ({
        %run_scoped3A_72 = tpu.sem_alloc : memref<!tpu.dma_semaphore, #tpu.memory_space<semaphore_mem>>
        %dma_start3A_73 = arith.constant 9984 : i32
        %dma_start3A_74 = arith.constant 0 : i32
        %dma_start3A_75 = tpu.memref_slice %arg4[%arg0, %run_scoped3A_70, %dma_start3A_73, %dma_start3A_74] : memref<2x2x10000x128xf32, #tpu.memory_space<hbm>> -> memref<1x1x16x16xf32, #tpu.memory_space<hbm>>
        %dma_start3A_76 = tpu.memref_squeeze %dma_start3A_75 : memref<1x1x16x16xf32, #tpu.memory_space<hbm>> -> memref<16x16xf32, #tpu.memory_space<hbm>>
        %dma_start3A_77 = arith.constant 9984 : i32
        %dma_start3A_78 = arith.constant 0 : i32
        %dma_start3A_79 = tpu.memref_slice %arg8[%dma_start3A_77, %dma_start3A_78] : memref<10000x16xf32, #tpu.memory_space<vmem_shared>> -> memref<16x16xf32, #tpu.memory_space<vmem_shared>>
        tpu.enqueue_dma source(%dma_start3A_79 : memref<16x16xf32, #tpu.memory_space<vmem_shared>>) target(%dma_start3A_76 : memref<16x16xf32, #tpu.memory_space<hbm>>) target_semaphore(%run_scoped3A_72 : memref<!tpu.dma_semaphore, #tpu.memory_space<semaphore_mem>>)
        %dma_wait3A_80 = arith.constant 9984 : i32
        %dma_wait3A_81 = arith.constant 0 : i32
        %dma_wait3A_82 = tpu.memref_slice %arg4[%arg0, %run_scoped3A_70, %dma_wait3A_80, %dma_wait3A_81] : memref<2x2x10000x128xf32, #tpu.memory_space<hbm>> -> memref<1x1x16x16xf32, #tpu.memory_space<hbm>>
        %dma_wait3A_83 = tpu.memref_squeeze %dma_wait3A_82 : memref<1x1x16x16xf32, #tpu.memory_space<hbm>> -> memref<16x16xf32, #tpu.memory_space<hbm>>
        %dma_wait3A_84 = arith.constant 9984 : i32
        %dma_wait3A_85 = arith.constant 0 : i32
        %dma_wait3A_86 = tpu.memref_slice %arg8[%dma_wait3A_84, %dma_wait3A_85] : memref<10000x16xf32, #tpu.memory_space<vmem_shared>> -> memref<16x16xf32, #tpu.memory_space<vmem_shared>>
        tpu.wait_dma2 semaphore(%run_scoped3A_72 : memref<!tpu.dma_semaphore, #tpu.memory_space<semaphore_mem>>) src(%dma_wait3A_86 : memref<16x16xf32, #tpu.memory_space<vmem_shared>>) dst(%dma_wait3A_83 : memref<16x16xf32, #tpu.memory_space<hbm>>)
        tpu.yield
      }) : () -> ()
      %run_scoped3A_71 = arith.constant 1 : i32
      "tpu.region"() ({
        %run_scoped3A_72 = tpu.sem_alloc : memref<!tpu.dma_semaphore, #tpu.memory_space<semaphore_mem>>
        %dma_start3A_73 = arith.constant 9984 : i32
        %dma_start3A_74 = arith.constant 0 : i32
        %dma_start3A_75 = tpu.memref_slice %arg4[%arg0, %run_scoped3A_71, %dma_start3A_73, %dma_start3A_74] : memref<2x2x10000x128xf32, #tpu.memory_space<hbm>> -> memref<1x1x16x16xf32, #tpu.memory_space<hbm>>
        %dma_start3A_76 = tpu.memref_squeeze %dma_start3A_75 : memref<1x1x16x16xf32, #tpu.memory_space<hbm>> -> memref<16x16xf32, #tpu.memory_space<hbm>>
        %dma_start3A_77 = arith.constant 9984 : i32
        %dma_start3A_78 = arith.constant 0 : i32
        %dma_start3A_79 = tpu.memref_slice %arg9[%dma_start3A_77, %dma_start3A_78] : memref<10000x16xf32, #tpu.memory_space<vmem_shared>> -> memref<16x16xf32, #tpu.memory_space<vmem_shared>>
        tpu.enqueue_dma source(%dma_start3A_79 : memref<16x16xf32, #tpu.memory_space<vmem_shared>>) target(%dma_start3A_76 : memref<16x16xf32, #tpu.memory_space<hbm>>) target_semaphore(%run_scoped3A_72 : memref<!tpu.dma_semaphore, #tpu.memory_space<semaphore_mem>>)
        %dma_wait3A_80 = arith.constant 9984 : i32
        %dma_wait3A_81 = arith.constant 0 : i32
        %dma_wait3A_82 = tpu.memref_slice %arg4[%arg0, %run_scoped3A_71, %dma_wait3A_80, %dma_wait3A_81] : memref<2x2x10000x128xf32, #tpu.memory_space<hbm>> -> memref<1x1x16x16xf32, #tpu.memory_space<hbm>>
        %dma_wait3A_83 = tpu.memref_squeeze %dma_wait3A_82 : memref<1x1x16x16xf32, #tpu.memory_space<hbm>> -> memref<16x16xf32, #tpu.memory_space<hbm>>
        %dma_wait3A_84 = arith.constant 9984 : i32
        %dma_wait3A_85 = arith.constant 0 : i32
        %dma_wait3A_86 = tpu.memref_slice %arg9[%dma_wait3A_84, %dma_wait3A_85] : memref<10000x16xf32, #tpu.memory_space<vmem_shared>> -> memref<16x16xf32, #tpu.memory_space<vmem_shared>>
        tpu.wait_dma2 semaphore(%run_scoped3A_72 : memref<!tpu.dma_semaphore, #tpu.memory_space<semaphore_mem>>) src(%dma_wait3A_86 : memref<16x16xf32, #tpu.memory_space<vmem_shared>>) dst(%dma_wait3A_83 : memref<16x16xf32, #tpu.memory_space<hbm>>)
        tpu.yield
      }) : () -> ()
    } else {
    }
    return
  }
}

#map = affine_map<(d0, d1) -> (0, 0)>
#map1 = affine_map<(d0, d1) -> (0, 0, 0)>
module attributes {stable_mosaic.version = 14 : i64} {
  func.func @agg_kernel(%arg0: i32, %arg1: i32, %arg2: memref<10000x48xf32, #tpu.memory_space<hbm>>, %arg3: memref<2x3200x100xi32, #tpu.memory_space<hbm>>, %arg4: memref<10000x48xf32, #tpu.memory_space<hbm>>, %arg5: memref<2x10000x128xf32, #tpu.memory_space<hbm>>, %arg6: memref<100x100xi32, #tpu.memory_space<vmem>>, %arg7: memref<100x100xi32, #tpu.memory_space<vmem>>, %arg8: memref<100x48xf32, #tpu.memory_space<vmem>>, %arg9: memref<100x48xf32, #tpu.memory_space<vmem>>, %arg10: memref<100x48xf32, #tpu.memory_space<vmem>>, %arg11: memref<100x48xf32, #tpu.memory_space<vmem>>, %arg12: memref<10000x48xf32, #tpu.memory_space<vmem_shared>>, %arg13: memref<!tpu.dma_semaphore, #tpu.memory_space<semaphore_mem>>, %arg14: memref<!tpu.dma_semaphore, #tpu.memory_space<semaphore_mem>>, %arg15: memref<!tpu.dma_semaphore, #tpu.memory_space<semaphore_mem>>, %arg16: memref<!tpu.dma_semaphore, #tpu.memory_space<semaphore_mem>>, %arg17: memref<!tpu.dma_semaphore, #tpu.memory_space<semaphore_mem>>, %arg18: memref<!tpu.dma_semaphore, #tpu.memory_space<semaphore_mem>>, %arg19: memref<!tpu.dma_semaphore, #tpu.memory_space<semaphore_mem>>, %arg20: memref<!tpu.dma_semaphore, #tpu.memory_space<semaphore_mem>>, %arg21: memref<!tpu.dma_semaphore, #tpu.memory_space<semaphore_mem>>) attributes {dimension_semantics = [#tpu.dimension_semantics<core_parallel>, #tpu.dimension_semantics<subcore_parallel>], iteration_bounds = array<i64: 2, 16>, scalar_prefetch = 0 : i64, scratch_operands = 16 : i64, tpu.core_type = #tpu.core_type<sc_vector_subcore>, window_params = [{transform_indices = #map}, {transform_indices = #map1}, {transform_indices = #map}, {transform_indices = #map1}]} {
    %mul3A = arith.constant 16 : i32
    %mul3A_0 = arith.muli %arg0, %mul3A : i32
    %add3A = arith.addi %mul3A_0, %arg1 : i32
    %mul3A_1 = arith.constant 100 : i32
    %mul3A_2 = arith.muli %add3A, %mul3A_1 : i32
    %mul3A_3 = arith.constant 624 : i32
    %mul3A_4 = arith.muli %arg1, %mul3A_3 : i32
    %add3A_5 = arith.constant 0 : i32
    %add3A_6 = arith.addi %mul3A_2, %add3A_5 : i32
    %dma_start3A = arith.constant 0 : i32
    %dma_start3A_7 = tpu.memref_slice %arg12[%mul3A_4, %dma_start3A] : memref<10000x48xf32, #tpu.memory_space<vmem_shared>> -> memref<624x48xf32, #tpu.memory_space<vmem_shared>>
    %dma_start3A_8 = arith.constant 0 : i32
    %dma_start3A_9 = tpu.memref_slice %arg4[%mul3A_4, %dma_start3A_8] : memref<10000x48xf32, #tpu.memory_space<hbm>> -> memref<624x48xf32, #tpu.memory_space<hbm>>
    tpu.enqueue_dma source(%dma_start3A_9 : memref<624x48xf32, #tpu.memory_space<hbm>>) target(%dma_start3A_7 : memref<624x48xf32, #tpu.memory_space<vmem_shared>>) target_semaphore(%arg21 : memref<!tpu.dma_semaphore, #tpu.memory_space<semaphore_mem>>)
    %dma_start3A_10 = arith.constant 0 : i32
    %dma_start3A_11 = arith.constant 0 : i32
    %dma_start3A_12 = tpu.memref_slice %arg3[%dma_start3A_10, %add3A_6, %dma_start3A_11] : memref<2x3200x100xi32, #tpu.memory_space<hbm>> -> memref<1x100x100xi32, #tpu.memory_space<hbm>>
    %dma_start3A_13 = tpu.memref_squeeze %dma_start3A_12 : memref<1x100x100xi32, #tpu.memory_space<hbm>> -> memref<100x100xi32, #tpu.memory_space<hbm>>
    %dma_start3A_14 = arith.constant 0 : i32
    %dma_start3A_15 = tpu.memref_slice %arg3[%dma_start3A_10, %add3A_6, %dma_start3A_14] : memref<2x3200x100xi32, #tpu.memory_space<hbm>> -> memref<1x100x100xi32, #tpu.memory_space<hbm>>
    %dma_start3A_16 = tpu.memref_squeeze %dma_start3A_15 : memref<1x100x100xi32, #tpu.memory_space<hbm>> -> memref<100x100xi32, #tpu.memory_space<hbm>>
    tpu.enqueue_dma source(%dma_start3A_16 : memref<100x100xi32, #tpu.memory_space<hbm>>) target(%arg6 : memref<100x100xi32, #tpu.memory_space<vmem>>) target_semaphore(%arg21 : memref<!tpu.dma_semaphore, #tpu.memory_space<semaphore_mem>>)
    %dma_start3A_17 = arith.constant 1 : i32
    %dma_start3A_18 = arith.constant 0 : i32
    %dma_start3A_19 = tpu.memref_slice %arg3[%dma_start3A_17, %add3A_6, %dma_start3A_18] : memref<2x3200x100xi32, #tpu.memory_space<hbm>> -> memref<1x100x100xi32, #tpu.memory_space<hbm>>
    %dma_start3A_20 = tpu.memref_squeeze %dma_start3A_19 : memref<1x100x100xi32, #tpu.memory_space<hbm>> -> memref<100x100xi32, #tpu.memory_space<hbm>>
    %dma_start3A_21 = arith.constant 0 : i32
    %dma_start3A_22 = tpu.memref_slice %arg3[%dma_start3A_17, %add3A_6, %dma_start3A_21] : memref<2x3200x100xi32, #tpu.memory_space<hbm>> -> memref<1x100x100xi32, #tpu.memory_space<hbm>>
    %dma_start3A_23 = tpu.memref_squeeze %dma_start3A_22 : memref<1x100x100xi32, #tpu.memory_space<hbm>> -> memref<100x100xi32, #tpu.memory_space<hbm>>
    tpu.enqueue_dma source(%dma_start3A_23 : memref<100x100xi32, #tpu.memory_space<hbm>>) target(%arg7 : memref<100x100xi32, #tpu.memory_space<vmem>>) target_semaphore(%arg21 : memref<!tpu.dma_semaphore, #tpu.memory_space<semaphore_mem>>)
    %eq3A = arith.constant 0 : i32
    %eq3A_24 = arith.cmpi eq, %arg1, %eq3A : i32
    %convert_element_type3A = arith.extui %eq3A_24 : i1 to i32
    %cond3A = arith.constant 0 : i32
    %cond3A_25 = arith.cmpi ne, %convert_element_type3A, %cond3A : i32
    scf.if %cond3A_25 {
      "tpu.region"() ({
        %run_scoped3A = tpu.sem_alloc : memref<!tpu.dma_semaphore, #tpu.memory_space<semaphore_mem>>
        %dma_start3A_81 = arith.constant 9984 : i32
        %dma_start3A_82 = arith.constant 0 : i32
        %dma_start3A_83 = tpu.memref_slice %arg12[%dma_start3A_81, %dma_start3A_82] : memref<10000x48xf32, #tpu.memory_space<vmem_shared>> -> memref<16x48xf32, #tpu.memory_space<vmem_shared>>
        %dma_start3A_84 = arith.constant 9984 : i32
        %dma_start3A_85 = arith.constant 0 : i32
        %dma_start3A_86 = tpu.memref_slice %arg4[%dma_start3A_84, %dma_start3A_85] : memref<10000x48xf32, #tpu.memory_space<hbm>> -> memref<16x48xf32, #tpu.memory_space<hbm>>
        tpu.enqueue_dma source(%dma_start3A_86 : memref<16x48xf32, #tpu.memory_space<hbm>>) target(%dma_start3A_83 : memref<16x48xf32, #tpu.memory_space<vmem_shared>>) target_semaphore(%run_scoped3A : memref<!tpu.dma_semaphore, #tpu.memory_space<semaphore_mem>>)
        %dma_wait3A_87 = arith.constant 9984 : i32
        %dma_wait3A_88 = arith.constant 0 : i32
        %dma_wait3A_89 = tpu.memref_slice %arg12[%dma_wait3A_87, %dma_wait3A_88] : memref<10000x48xf32, #tpu.memory_space<vmem_shared>> -> memref<16x48xf32, #tpu.memory_space<vmem_shared>>
        %dma_wait3A_90 = arith.constant 9984 : i32
        %dma_wait3A_91 = arith.constant 0 : i32
        %dma_wait3A_92 = tpu.memref_slice %arg4[%dma_wait3A_90, %dma_wait3A_91] : memref<10000x48xf32, #tpu.memory_space<hbm>> -> memref<16x48xf32, #tpu.memory_space<hbm>>
        tpu.wait_dma2 semaphore(%run_scoped3A : memref<!tpu.dma_semaphore, #tpu.memory_space<semaphore_mem>>) src(%dma_wait3A_92 : memref<16x48xf32, #tpu.memory_space<hbm>>) dst(%dma_wait3A_89 : memref<16x48xf32, #tpu.memory_space<vmem_shared>>)
        tpu.yield
      }) : () -> ()
    } else {
    }
    %dma_wait3A = arith.constant 0 : i32
    %dma_wait3A_26 = tpu.memref_slice %arg12[%mul3A_4, %dma_wait3A] : memref<10000x48xf32, #tpu.memory_space<vmem_shared>> -> memref<624x48xf32, #tpu.memory_space<vmem_shared>>
    %dma_wait3A_27 = arith.constant 0 : i32
    %dma_wait3A_28 = tpu.memref_slice %arg4[%mul3A_4, %dma_wait3A_27] : memref<10000x48xf32, #tpu.memory_space<hbm>> -> memref<624x48xf32, #tpu.memory_space<hbm>>
    tpu.wait_dma2 semaphore(%arg21 : memref<!tpu.dma_semaphore, #tpu.memory_space<semaphore_mem>>) src(%dma_wait3A_28 : memref<624x48xf32, #tpu.memory_space<hbm>>) dst(%dma_wait3A_26 : memref<624x48xf32, #tpu.memory_space<vmem_shared>>)
    %dma_wait3A_29 = arith.constant 0 : i32
    %dma_wait3A_30 = arith.constant 0 : i32
    %dma_wait3A_31 = tpu.memref_slice %arg3[%dma_wait3A_29, %add3A_6, %dma_wait3A_30] : memref<2x3200x100xi32, #tpu.memory_space<hbm>> -> memref<1x100x100xi32, #tpu.memory_space<hbm>>
    %dma_wait3A_32 = tpu.memref_squeeze %dma_wait3A_31 : memref<1x100x100xi32, #tpu.memory_space<hbm>> -> memref<100x100xi32, #tpu.memory_space<hbm>>
    %dma_wait3A_33 = arith.constant 0 : i32
    %dma_wait3A_34 = tpu.memref_slice %arg3[%dma_wait3A_29, %add3A_6, %dma_wait3A_33] : memref<2x3200x100xi32, #tpu.memory_space<hbm>> -> memref<1x100x100xi32, #tpu.memory_space<hbm>>
    %dma_wait3A_35 = tpu.memref_squeeze %dma_wait3A_34 : memref<1x100x100xi32, #tpu.memory_space<hbm>> -> memref<100x100xi32, #tpu.memory_space<hbm>>
    tpu.wait_dma2 semaphore(%arg21 : memref<!tpu.dma_semaphore, #tpu.memory_space<semaphore_mem>>) src(%dma_wait3A_35 : memref<100x100xi32, #tpu.memory_space<hbm>>) dst(%arg6 : memref<100x100xi32, #tpu.memory_space<vmem>>)
    %dma_wait3A_36 = arith.constant 1 : i32
    %dma_wait3A_37 = arith.constant 0 : i32
    %dma_wait3A_38 = tpu.memref_slice %arg3[%dma_wait3A_36, %add3A_6, %dma_wait3A_37] : memref<2x3200x100xi32, #tpu.memory_space<hbm>> -> memref<1x100x100xi32, #tpu.memory_space<hbm>>
    %dma_wait3A_39 = tpu.memref_squeeze %dma_wait3A_38 : memref<1x100x100xi32, #tpu.memory_space<hbm>> -> memref<100x100xi32, #tpu.memory_space<hbm>>
    %dma_wait3A_40 = arith.constant 0 : i32
    %dma_wait3A_41 = tpu.memref_slice %arg3[%dma_wait3A_36, %add3A_6, %dma_wait3A_40] : memref<2x3200x100xi32, #tpu.memory_space<hbm>> -> memref<1x100x100xi32, #tpu.memory_space<hbm>>
    %dma_wait3A_42 = tpu.memref_squeeze %dma_wait3A_41 : memref<1x100x100xi32, #tpu.memory_space<hbm>> -> memref<100x100xi32, #tpu.memory_space<hbm>>
    tpu.wait_dma2 semaphore(%arg21 : memref<!tpu.dma_semaphore, #tpu.memory_space<semaphore_mem>>) src(%dma_wait3A_42 : memref<100x100xi32, #tpu.memory_space<hbm>>) dst(%arg7 : memref<100x100xi32, #tpu.memory_space<vmem>>)
    %barrier3A = arith.constant 0 : index
    tpu.barrier barrier_id(%barrier3A)
    %dma_start3A_43 = arith.constant 0 : i32
    %dma_start3A_44 = arith.constant 0 : i32
    %dma_start3A_45 = tpu.memref_slice %arg6[%dma_start3A_43, %dma_start3A_44] : memref<100x100xi32, #tpu.memory_space<vmem>> -> memref<1x100xi32, #tpu.memory_space<vmem>>
    %dma_start3A_46 = tpu.memref_squeeze %dma_start3A_45 : memref<1x100xi32, #tpu.memory_space<vmem>> -> memref<100xi32, #tpu.memory_space<vmem>>
    %dma_start3A_47 = arith.constant 0 : i32
    %dma_start3A_48 = arith.constant 0 : i32
    %dma_start3A_49 = tpu.memref_slice %arg2[%dma_start3A_47, %dma_start3A_48] : memref<10000x48xf32, #tpu.memory_space<hbm>> -> memref<10000x48xf32, #tpu.memory_space<hbm>>
    tpu.enqueue_indirect_dma source(%dma_start3A_49 : memref<10000x48xf32, #tpu.memory_space<hbm>>) target(%arg8 : memref<100x48xf32, #tpu.memory_space<vmem>>) offsets(%dma_start3A_46 : memref<100xi32, #tpu.memory_space<vmem>>) semaphore(%arg13 : memref<!tpu.dma_semaphore, #tpu.memory_space<semaphore_mem>>)
    %dma_start3A_50 = arith.constant 1 : i32
    %dma_start3A_51 = arith.constant 0 : i32
    %dma_start3A_52 = tpu.memref_slice %arg6[%dma_start3A_50, %dma_start3A_51] : memref<100x100xi32, #tpu.memory_space<vmem>> -> memref<1x100xi32, #tpu.memory_space<vmem>>
    %dma_start3A_53 = tpu.memref_squeeze %dma_start3A_52 : memref<1x100xi32, #tpu.memory_space<vmem>> -> memref<100xi32, #tpu.memory_space<vmem>>
    %dma_start3A_54 = arith.constant 0 : i32
    %dma_start3A_55 = arith.constant 0 : i32
    %dma_start3A_56 = tpu.memref_slice %arg2[%dma_start3A_54, %dma_start3A_55] : memref<10000x48xf32, #tpu.memory_space<hbm>> -> memref<10000x48xf32, #tpu.memory_space<hbm>>
    tpu.enqueue_indirect_dma source(%dma_start3A_56 : memref<10000x48xf32, #tpu.memory_space<hbm>>) target(%arg9 : memref<100x48xf32, #tpu.memory_space<vmem>>) offsets(%dma_start3A_53 : memref<100xi32, #tpu.memory_space<vmem>>) semaphore(%arg14 : memref<!tpu.dma_semaphore, #tpu.memory_space<semaphore_mem>>)
    %scan3A = arith.constant 0 : i32
    %scan3A_57 = arith.constant 25 : i32
    %scan3A_58 = arith.addi %scan3A, %scan3A_57 : i32
    %scan3A_59 = arith.constant 1 : i32
    scf.for %scan3A_81 = %scan3A to %scan3A_58 step %scan3A_59  : i32 {
      %mul3A_82 = arith.constant 1 : i32
      %mul3A_83 = arith.muli %scan3A_81, %mul3A_82 : i32
      %add3A_84 = arith.constant 0 : i32
      %add3A_85 = arith.addi %add3A_84, %mul3A_83 : i32
      %mul3A_86 = arith.constant 4 : i32
      %mul3A_87 = arith.muli %add3A_85, %mul3A_86 : i32
      %add3A_88 = arith.constant 0 : i32
      %add3A_89 = arith.addi %mul3A_87, %add3A_88 : i32
      %dma_wait3A_90 = arith.constant 0 : i32
      %dma_wait3A_91 = tpu.memref_slice %arg6[%add3A_89, %dma_wait3A_90] : memref<100x100xi32, #tpu.memory_space<vmem>> -> memref<1x100xi32, #tpu.memory_space<vmem>>
      %dma_wait3A_92 = tpu.memref_squeeze %dma_wait3A_91 : memref<1x100xi32, #tpu.memory_space<vmem>> -> memref<100xi32, #tpu.memory_space<vmem>>
      %dma_wait3A_93 = arith.constant 0 : i32
      %dma_wait3A_94 = arith.constant 0 : i32
      %dma_wait3A_95 = tpu.memref_slice %arg2[%dma_wait3A_93, %dma_wait3A_94] : memref<10000x48xf32, #tpu.memory_space<hbm>> -> memref<10000x48xf32, #tpu.memory_space<hbm>>
      tpu.wait_indirect_dma semaphore(%arg13 : memref<!tpu.dma_semaphore, #tpu.memory_space<semaphore_mem>>) src(%dma_wait3A_95 : memref<10000x48xf32, #tpu.memory_space<hbm>>) dst(%arg8 : memref<100x48xf32, #tpu.memory_space<vmem>>)
      %dma_start3A_96 = arith.constant 0 : i32
      %dma_start3A_97 = tpu.memref_slice %arg7[%add3A_89, %dma_start3A_96] : memref<100x100xi32, #tpu.memory_space<vmem>> -> memref<1x100xi32, #tpu.memory_space<vmem>>
      %dma_start3A_98 = tpu.memref_squeeze %dma_start3A_97 : memref<1x100xi32, #tpu.memory_space<vmem>> -> memref<100xi32, #tpu.memory_space<vmem>>
      %dma_start3A_99 = arith.constant 0 : i32
      %dma_start3A_100 = arith.constant 0 : i32
      %dma_start3A_101 = tpu.memref_slice %arg12[%dma_start3A_99, %dma_start3A_100] : memref<10000x48xf32, #tpu.memory_space<vmem_shared>> -> memref<10000x48xf32, #tpu.memory_space<vmem_shared>>
      tpu.enqueue_indirect_dma source(%arg8 : memref<100x48xf32, #tpu.memory_space<vmem>>) target(%dma_start3A_101 : memref<10000x48xf32, #tpu.memory_space<vmem_shared>>) offsets(%dma_start3A_98 : memref<100xi32, #tpu.memory_space<vmem>>) semaphore(%arg17 : memref<!tpu.dma_semaphore, #tpu.memory_space<semaphore_mem>>) {add = true}
      %add3A_102 = arith.constant 2 : i32
      %add3A_103 = arith.addi %add3A_89, %add3A_102 : i32
      %sub3A = arith.constant 4 : i32
      %sub3A_104 = arith.subi %add3A_103, %sub3A : i32
      %ge3A = arith.constant 0 : i32
      %ge3A_105 = arith.cmpi sge, %sub3A_104, %ge3A : i32
      %convert_element_type3A_106 = arith.extui %ge3A_105 : i1 to i32
      %cond3A_107 = arith.constant 0 : i32
      %cond3A_108 = arith.cmpi ne, %convert_element_type3A_106, %cond3A_107 : i32
      scf.if %cond3A_108 {
        %add3A_211 = arith.constant 2 : i32
        %add3A_212 = arith.addi %add3A_89, %add3A_211 : i32
        %sub3A_213 = arith.constant 4 : i32
        %sub3A_214 = arith.subi %add3A_212, %sub3A_213 : i32
        %max3A = arith.constant 0 : i32
        %max3A_215 = arith.maxsi %sub3A_214, %max3A : i32
        %dma_wait3A_216 = arith.constant 0 : i32
        %dma_wait3A_217 = tpu.memref_slice %arg7[%max3A_215, %dma_wait3A_216] : memref<100x100xi32, #tpu.memory_space<vmem>> -> memref<1x100xi32, #tpu.memory_space<vmem>>
        %dma_wait3A_218 = tpu.memref_squeeze %dma_wait3A_217 : memref<1x100xi32, #tpu.memory_space<vmem>> -> memref<100xi32, #tpu.memory_space<vmem>>
        %dma_wait3A_219 = arith.constant 0 : i32
        %dma_wait3A_220 = arith.constant 0 : i32
        %dma_wait3A_221 = tpu.memref_slice %arg12[%dma_wait3A_219, %dma_wait3A_220] : memref<10000x48xf32, #tpu.memory_space<vmem_shared>> -> memref<10000x48xf32, #tpu.memory_space<vmem_shared>>
        tpu.wait_indirect_dma semaphore(%arg19 : memref<!tpu.dma_semaphore, #tpu.memory_space<semaphore_mem>>) src(%arg10 : memref<100x48xf32, #tpu.memory_space<vmem>>) dst(%dma_wait3A_221 : memref<10000x48xf32, #tpu.memory_space<vmem_shared>>)
      } else {
      }
      %add3A_109 = arith.constant 2 : i32
      %add3A_110 = arith.addi %add3A_89, %add3A_109 : i32
      %lt3A = arith.constant 100 : i32
      %lt3A_111 = arith.cmpi slt, %add3A_110, %lt3A : i32
      %convert_element_type3A_112 = arith.extui %lt3A_111 : i1 to i32
      %cond3A_113 = arith.constant 0 : i32
      %cond3A_114 = arith.cmpi ne, %convert_element_type3A_112, %cond3A_113 : i32
      scf.if %cond3A_114 {
        %add3A_211 = arith.constant 2 : i32
        %add3A_212 = arith.addi %add3A_89, %add3A_211 : i32
        %min3A = arith.constant 99 : i32
        %min3A_213 = arith.minsi %add3A_212, %min3A : i32
        %dma_start3A_214 = arith.constant 0 : i32
        %dma_start3A_215 = tpu.memref_slice %arg6[%min3A_213, %dma_start3A_214] : memref<100x100xi32, #tpu.memory_space<vmem>> -> memref<1x100xi32, #tpu.memory_space<vmem>>
        %dma_start3A_216 = tpu.memref_squeeze %dma_start3A_215 : memref<1x100xi32, #tpu.memory_space<vmem>> -> memref<100xi32, #tpu.memory_space<vmem>>
        %dma_start3A_217 = arith.constant 0 : i32
        %dma_start3A_218 = arith.constant 0 : i32
        %dma_start3A_219 = tpu.memref_slice %arg2[%dma_start3A_217, %dma_start3A_218] : memref<10000x48xf32, #tpu.memory_space<hbm>> -> memref<10000x48xf32, #tpu.memory_space<hbm>>
        tpu.enqueue_indirect_dma source(%dma_start3A_219 : memref<10000x48xf32, #tpu.memory_space<hbm>>) target(%arg10 : memref<100x48xf32, #tpu.memory_space<vmem>>) offsets(%dma_start3A_216 : memref<100xi32, #tpu.memory_space<vmem>>) semaphore(%arg15 : memref<!tpu.dma_semaphore, #tpu.memory_space<semaphore_mem>>)
      } else {
      }
      %mul3A_115 = arith.constant 4 : i32
      %mul3A_116 = arith.muli %add3A_85, %mul3A_115 : i32
      %add3A_117 = arith.constant 1 : i32
      %add3A_118 = arith.addi %mul3A_116, %add3A_117 : i32
      %dma_wait3A_119 = arith.constant 0 : i32
      %dma_wait3A_120 = tpu.memref_slice %arg6[%add3A_118, %dma_wait3A_119] : memref<100x100xi32, #tpu.memory_space<vmem>> -> memref<1x100xi32, #tpu.memory_space<vmem>>
      %dma_wait3A_121 = tpu.memref_squeeze %dma_wait3A_120 : memref<1x100xi32, #tpu.memory_space<vmem>> -> memref<100xi32, #tpu.memory_space<vmem>>
      %dma_wait3A_122 = arith.constant 0 : i32
      %dma_wait3A_123 = arith.constant 0 : i32
      %dma_wait3A_124 = tpu.memref_slice %arg2[%dma_wait3A_122, %dma_wait3A_123] : memref<10000x48xf32, #tpu.memory_space<hbm>> -> memref<10000x48xf32, #tpu.memory_space<hbm>>
      tpu.wait_indirect_dma semaphore(%arg14 : memref<!tpu.dma_semaphore, #tpu.memory_space<semaphore_mem>>) src(%dma_wait3A_124 : memref<10000x48xf32, #tpu.memory_space<hbm>>) dst(%arg9 : memref<100x48xf32, #tpu.memory_space<vmem>>)
      %dma_start3A_125 = arith.constant 0 : i32
      %dma_start3A_126 = tpu.memref_slice %arg7[%add3A_118, %dma_start3A_125] : memref<100x100xi32, #tpu.memory_space<vmem>> -> memref<1x100xi32, #tpu.memory_space<vmem>>
      %dma_start3A_127 = tpu.memref_squeeze %dma_start3A_126 : memref<1x100xi32, #tpu.memory_space<vmem>> -> memref<100xi32, #tpu.memory_space<vmem>>
      %dma_start3A_128 = arith.constant 0 : i32
      %dma_start3A_129 = arith.constant 0 : i32
      %dma_start3A_130 = tpu.memref_slice %arg12[%dma_start3A_128, %dma_start3A_129] : memref<10000x48xf32, #tpu.memory_space<vmem_shared>> -> memref<10000x48xf32, #tpu.memory_space<vmem_shared>>
      tpu.enqueue_indirect_dma source(%arg9 : memref<100x48xf32, #tpu.memory_space<vmem>>) target(%dma_start3A_130 : memref<10000x48xf32, #tpu.memory_space<vmem_shared>>) offsets(%dma_start3A_127 : memref<100xi32, #tpu.memory_space<vmem>>) semaphore(%arg18 : memref<!tpu.dma_semaphore, #tpu.memory_space<semaphore_mem>>) {add = true}
      %add3A_131 = arith.constant 2 : i32
      %add3A_132 = arith.addi %add3A_118, %add3A_131 : i32
      %sub3A_133 = arith.constant 4 : i32
      %sub3A_134 = arith.subi %add3A_132, %sub3A_133 : i32
      %ge3A_135 = arith.constant 0 : i32
      %ge3A_136 = arith.cmpi sge, %sub3A_134, %ge3A_135 : i32
      %convert_element_type3A_137 = arith.extui %ge3A_136 : i1 to i32
      %cond3A_138 = arith.constant 0 : i32
      %cond3A_139 = arith.cmpi ne, %convert_element_type3A_137, %cond3A_138 : i32
      scf.if %cond3A_139 {
        %add3A_211 = arith.constant 2 : i32
        %add3A_212 = arith.addi %add3A_118, %add3A_211 : i32
        %sub3A_213 = arith.constant 4 : i32
        %sub3A_214 = arith.subi %add3A_212, %sub3A_213 : i32
        %max3A = arith.constant 0 : i32
        %max3A_215 = arith.maxsi %sub3A_214, %max3A : i32
        %dma_wait3A_216 = arith.constant 0 : i32
        %dma_wait3A_217 = tpu.memref_slice %arg7[%max3A_215, %dma_wait3A_216] : memref<100x100xi32, #tpu.memory_space<vmem>> -> memref<1x100xi32, #tpu.memory_space<vmem>>
        %dma_wait3A_218 = tpu.memref_squeeze %dma_wait3A_217 : memref<1x100xi32, #tpu.memory_space<vmem>> -> memref<100xi32, #tpu.memory_space<vmem>>
        %dma_wait3A_219 = arith.constant 0 : i32
        %dma_wait3A_220 = arith.constant 0 : i32
        %dma_wait3A_221 = tpu.memref_slice %arg12[%dma_wait3A_219, %dma_wait3A_220] : memref<10000x48xf32, #tpu.memory_space<vmem_shared>> -> memref<10000x48xf32, #tpu.memory_space<vmem_shared>>
        tpu.wait_indirect_dma semaphore(%arg20 : memref<!tpu.dma_semaphore, #tpu.memory_space<semaphore_mem>>) src(%arg11 : memref<100x48xf32, #tpu.memory_space<vmem>>) dst(%dma_wait3A_221 : memref<10000x48xf32, #tpu.memory_space<vmem_shared>>)
      } else {
      }
      %add3A_140 = arith.constant 2 : i32
      %add3A_141 = arith.addi %add3A_118, %add3A_140 : i32
      %lt3A_142 = arith.constant 100 : i32
      %lt3A_143 = arith.cmpi slt, %add3A_141, %lt3A_142 : i32
      %convert_element_type3A_144 = arith.extui %lt3A_143 : i1 to i32
      %cond3A_145 = arith.constant 0 : i32
      %cond3A_146 = arith.cmpi ne, %convert_element_type3A_144, %cond3A_145 : i32
      scf.if %cond3A_146 {
        %add3A_211 = arith.constant 2 : i32
        %add3A_212 = arith.addi %add3A_118, %add3A_211 : i32
        %min3A = arith.constant 99 : i32
        %min3A_213 = arith.minsi %add3A_212, %min3A : i32
        %dma_start3A_214 = arith.constant 0 : i32
        %dma_start3A_215 = tpu.memref_slice %arg6[%min3A_213, %dma_start3A_214] : memref<100x100xi32, #tpu.memory_space<vmem>> -> memref<1x100xi32, #tpu.memory_space<vmem>>
        %dma_start3A_216 = tpu.memref_squeeze %dma_start3A_215 : memref<1x100xi32, #tpu.memory_space<vmem>> -> memref<100xi32, #tpu.memory_space<vmem>>
        %dma_start3A_217 = arith.constant 0 : i32
        %dma_start3A_218 = arith.constant 0 : i32
        %dma_start3A_219 = tpu.memref_slice %arg2[%dma_start3A_217, %dma_start3A_218] : memref<10000x48xf32, #tpu.memory_space<hbm>> -> memref<10000x48xf32, #tpu.memory_space<hbm>>
        tpu.enqueue_indirect_dma source(%dma_start3A_219 : memref<10000x48xf32, #tpu.memory_space<hbm>>) target(%arg11 : memref<100x48xf32, #tpu.memory_space<vmem>>) offsets(%dma_start3A_216 : memref<100xi32, #tpu.memory_space<vmem>>) semaphore(%arg16 : memref<!tpu.dma_semaphore, #tpu.memory_space<semaphore_mem>>)
      } else {
      }
      %mul3A_147 = arith.constant 4 : i32
      %mul3A_148 = arith.muli %add3A_85, %mul3A_147 : i32
      %add3A_149 = arith.constant 2 : i32
      %add3A_150 = arith.addi %mul3A_148, %add3A_149 : i32
      %dma_wait3A_151 = arith.constant 0 : i32
      %dma_wait3A_152 = tpu.memref_slice %arg6[%add3A_150, %dma_wait3A_151] : memref<100x100xi32, #tpu.memory_space<vmem>> -> memref<1x100xi32, #tpu.memory_space<vmem>>
      %dma_wait3A_153 = tpu.memref_squeeze %dma_wait3A_152 : memref<1x100xi32, #tpu.memory_space<vmem>> -> memref<100xi32, #tpu.memory_space<vmem>>
      %dma_wait3A_154 = arith.constant 0 : i32
      %dma_wait3A_155 = arith.constant 0 : i32
      %dma_wait3A_156 = tpu.memref_slice %arg2[%dma_wait3A_154, %dma_wait3A_155] : memref<10000x48xf32, #tpu.memory_space<hbm>> -> memref<10000x48xf32, #tpu.memory_space<hbm>>
      tpu.wait_indirect_dma semaphore(%arg15 : memref<!tpu.dma_semaphore, #tpu.memory_space<semaphore_mem>>) src(%dma_wait3A_156 : memref<10000x48xf32, #tpu.memory_space<hbm>>) dst(%arg10 : memref<100x48xf32, #tpu.memory_space<vmem>>)
      %dma_start3A_157 = arith.constant 0 : i32
      %dma_start3A_158 = tpu.memref_slice %arg7[%add3A_150, %dma_start3A_157] : memref<100x100xi32, #tpu.memory_space<vmem>> -> memref<1x100xi32, #tpu.memory_space<vmem>>
      %dma_start3A_159 = tpu.memref_squeeze %dma_start3A_158 : memref<1x100xi32, #tpu.memory_space<vmem>> -> memref<100xi32, #tpu.memory_space<vmem>>
      %dma_start3A_160 = arith.constant 0 : i32
      %dma_start3A_161 = arith.constant 0 : i32
      %dma_start3A_162 = tpu.memref_slice %arg12[%dma_start3A_160, %dma_start3A_161] : memref<10000x48xf32, #tpu.memory_space<vmem_shared>> -> memref<10000x48xf32, #tpu.memory_space<vmem_shared>>
      tpu.enqueue_indirect_dma source(%arg10 : memref<100x48xf32, #tpu.memory_space<vmem>>) target(%dma_start3A_162 : memref<10000x48xf32, #tpu.memory_space<vmem_shared>>) offsets(%dma_start3A_159 : memref<100xi32, #tpu.memory_space<vmem>>) semaphore(%arg19 : memref<!tpu.dma_semaphore, #tpu.memory_space<semaphore_mem>>) {add = true}
      %add3A_163 = arith.constant 2 : i32
      %add3A_164 = arith.addi %add3A_150, %add3A_163 : i32
      %sub3A_165 = arith.constant 4 : i32
      %sub3A_166 = arith.subi %add3A_164, %sub3A_165 : i32
      %ge3A_167 = arith.constant 0 : i32
      %ge3A_168 = arith.cmpi sge, %sub3A_166, %ge3A_167 : i32
      %convert_element_type3A_169 = arith.extui %ge3A_168 : i1 to i32
      %cond3A_170 = arith.constant 0 : i32
      %cond3A_171 = arith.cmpi ne, %convert_element_type3A_169, %cond3A_170 : i32
      scf.if %cond3A_171 {
        %add3A_211 = arith.constant 2 : i32
        %add3A_212 = arith.addi %add3A_150, %add3A_211 : i32
        %sub3A_213 = arith.constant 4 : i32
        %sub3A_214 = arith.subi %add3A_212, %sub3A_213 : i32
        %max3A = arith.constant 0 : i32
        %max3A_215 = arith.maxsi %sub3A_214, %max3A : i32
        %dma_wait3A_216 = arith.constant 0 : i32
        %dma_wait3A_217 = tpu.memref_slice %arg7[%max3A_215, %dma_wait3A_216] : memref<100x100xi32, #tpu.memory_space<vmem>> -> memref<1x100xi32, #tpu.memory_space<vmem>>
        %dma_wait3A_218 = tpu.memref_squeeze %dma_wait3A_217 : memref<1x100xi32, #tpu.memory_space<vmem>> -> memref<100xi32, #tpu.memory_space<vmem>>
        %dma_wait3A_219 = arith.constant 0 : i32
        %dma_wait3A_220 = arith.constant 0 : i32
        %dma_wait3A_221 = tpu.memref_slice %arg12[%dma_wait3A_219, %dma_wait3A_220] : memref<10000x48xf32, #tpu.memory_space<vmem_shared>> -> memref<10000x48xf32, #tpu.memory_space<vmem_shared>>
        tpu.wait_indirect_dma semaphore(%arg17 : memref<!tpu.dma_semaphore, #tpu.memory_space<semaphore_mem>>) src(%arg8 : memref<100x48xf32, #tpu.memory_space<vmem>>) dst(%dma_wait3A_221 : memref<10000x48xf32, #tpu.memory_space<vmem_shared>>)
      } else {
      }
      %add3A_172 = arith.constant 2 : i32
      %add3A_173 = arith.addi %add3A_150, %add3A_172 : i32
      %lt3A_174 = arith.constant 100 : i32
      %lt3A_175 = arith.cmpi slt, %add3A_173, %lt3A_174 : i32
      %convert_element_type3A_176 = arith.extui %lt3A_175 : i1 to i32
      %cond3A_177 = arith.constant 0 : i32
      %cond3A_178 = arith.cmpi ne, %convert_element_type3A_176, %cond3A_177 : i32
      scf.if %cond3A_178 {
        %add3A_211 = arith.constant 2 : i32
        %add3A_212 = arith.addi %add3A_150, %add3A_211 : i32
        %min3A = arith.constant 99 : i32
        %min3A_213 = arith.minsi %add3A_212, %min3A : i32
        %dma_start3A_214 = arith.constant 0 : i32
        %dma_start3A_215 = tpu.memref_slice %arg6[%min3A_213, %dma_start3A_214] : memref<100x100xi32, #tpu.memory_space<vmem>> -> memref<1x100xi32, #tpu.memory_space<vmem>>
        %dma_start3A_216 = tpu.memref_squeeze %dma_start3A_215 : memref<1x100xi32, #tpu.memory_space<vmem>> -> memref<100xi32, #tpu.memory_space<vmem>>
        %dma_start3A_217 = arith.constant 0 : i32
        %dma_start3A_218 = arith.constant 0 : i32
        %dma_start3A_219 = tpu.memref_slice %arg2[%dma_start3A_217, %dma_start3A_218] : memref<10000x48xf32, #tpu.memory_space<hbm>> -> memref<10000x48xf32, #tpu.memory_space<hbm>>
        tpu.enqueue_indirect_dma source(%dma_start3A_219 : memref<10000x48xf32, #tpu.memory_space<hbm>>) target(%arg8 : memref<100x48xf32, #tpu.memory_space<vmem>>) offsets(%dma_start3A_216 : memref<100xi32, #tpu.memory_space<vmem>>) semaphore(%arg13 : memref<!tpu.dma_semaphore, #tpu.memory_space<semaphore_mem>>)
      } else {
      }
      %mul3A_179 = arith.constant 4 : i32
      %mul3A_180 = arith.muli %add3A_85, %mul3A_179 : i32
      %add3A_181 = arith.constant 3 : i32
      %add3A_182 = arith.addi %mul3A_180, %add3A_181 : i32
      %dma_wait3A_183 = arith.constant 0 : i32
      %dma_wait3A_184 = tpu.memref_slice %arg6[%add3A_182, %dma_wait3A_183] : memref<100x100xi32, #tpu.memory_space<vmem>> -> memref<1x100xi32, #tpu.memory_space<vmem>>
      %dma_wait3A_185 = tpu.memref_squeeze %dma_wait3A_184 : memref<1x100xi32, #tpu.memory_space<vmem>> -> memref<100xi32, #tpu.memory_space<vmem>>
      %dma_wait3A_186 = arith.constant 0 : i32
      %dma_wait3A_187 = arith.constant 0 : i32
      %dma_wait3A_188 = tpu.memref_slice %arg2[%dma_wait3A_186, %dma_wait3A_187] : memref<10000x48xf32, #tpu.memory_space<hbm>> -> memref<10000x48xf32, #tpu.memory_space<hbm>>
      tpu.wait_indirect_dma semaphore(%arg16 : memref<!tpu.dma_semaphore, #tpu.memory_space<semaphore_mem>>) src(%dma_wait3A_188 : memref<10000x48xf32, #tpu.memory_space<hbm>>) dst(%arg11 : memref<100x48xf32, #tpu.memory_space<vmem>>)
      %dma_start3A_189 = arith.constant 0 : i32
      %dma_start3A_190 = tpu.memref_slice %arg7[%add3A_182, %dma_start3A_189] : memref<100x100xi32, #tpu.memory_space<vmem>> -> memref<1x100xi32, #tpu.memory_space<vmem>>
      %dma_start3A_191 = tpu.memref_squeeze %dma_start3A_190 : memref<1x100xi32, #tpu.memory_space<vmem>> -> memref<100xi32, #tpu.memory_space<vmem>>
      %dma_start3A_192 = arith.constant 0 : i32
      %dma_start3A_193 = arith.constant 0 : i32
      %dma_start3A_194 = tpu.memref_slice %arg12[%dma_start3A_192, %dma_start3A_193] : memref<10000x48xf32, #tpu.memory_space<vmem_shared>> -> memref<10000x48xf32, #tpu.memory_space<vmem_shared>>
      tpu.enqueue_indirect_dma source(%arg11 : memref<100x48xf32, #tpu.memory_space<vmem>>) target(%dma_start3A_194 : memref<10000x48xf32, #tpu.memory_space<vmem_shared>>) offsets(%dma_start3A_191 : memref<100xi32, #tpu.memory_space<vmem>>) semaphore(%arg20 : memref<!tpu.dma_semaphore, #tpu.memory_space<semaphore_mem>>) {add = true}
      %add3A_195 = arith.constant 2 : i32
      %add3A_196 = arith.addi %add3A_182, %add3A_195 : i32
      %sub3A_197 = arith.constant 4 : i32
      %sub3A_198 = arith.subi %add3A_196, %sub3A_197 : i32
      %ge3A_199 = arith.constant 0 : i32
      %ge3A_200 = arith.cmpi sge, %sub3A_198, %ge3A_199 : i32
      %convert_element_type3A_201 = arith.extui %ge3A_200 : i1 to i32
      %cond3A_202 = arith.constant 0 : i32
      %cond3A_203 = arith.cmpi ne, %convert_element_type3A_201, %cond3A_202 : i32
      scf.if %cond3A_203 {
        %add3A_211 = arith.constant 2 : i32
        %add3A_212 = arith.addi %add3A_182, %add3A_211 : i32
        %sub3A_213 = arith.constant 4 : i32
        %sub3A_214 = arith.subi %add3A_212, %sub3A_213 : i32
        %max3A = arith.constant 0 : i32
        %max3A_215 = arith.maxsi %sub3A_214, %max3A : i32
        %dma_wait3A_216 = arith.constant 0 : i32
        %dma_wait3A_217 = tpu.memref_slice %arg7[%max3A_215, %dma_wait3A_216] : memref<100x100xi32, #tpu.memory_space<vmem>> -> memref<1x100xi32, #tpu.memory_space<vmem>>
        %dma_wait3A_218 = tpu.memref_squeeze %dma_wait3A_217 : memref<1x100xi32, #tpu.memory_space<vmem>> -> memref<100xi32, #tpu.memory_space<vmem>>
        %dma_wait3A_219 = arith.constant 0 : i32
        %dma_wait3A_220 = arith.constant 0 : i32
        %dma_wait3A_221 = tpu.memref_slice %arg12[%dma_wait3A_219, %dma_wait3A_220] : memref<10000x48xf32, #tpu.memory_space<vmem_shared>> -> memref<10000x48xf32, #tpu.memory_space<vmem_shared>>
        tpu.wait_indirect_dma semaphore(%arg18 : memref<!tpu.dma_semaphore, #tpu.memory_space<semaphore_mem>>) src(%arg9 : memref<100x48xf32, #tpu.memory_space<vmem>>) dst(%dma_wait3A_221 : memref<10000x48xf32, #tpu.memory_space<vmem_shared>>)
      } else {
      }
      %add3A_204 = arith.constant 2 : i32
      %add3A_205 = arith.addi %add3A_182, %add3A_204 : i32
      %lt3A_206 = arith.constant 100 : i32
      %lt3A_207 = arith.cmpi slt, %add3A_205, %lt3A_206 : i32
      %convert_element_type3A_208 = arith.extui %lt3A_207 : i1 to i32
      %cond3A_209 = arith.constant 0 : i32
      %cond3A_210 = arith.cmpi ne, %convert_element_type3A_208, %cond3A_209 : i32
      scf.if %cond3A_210 {
        %add3A_211 = arith.constant 2 : i32
        %add3A_212 = arith.addi %add3A_182, %add3A_211 : i32
        %min3A = arith.constant 99 : i32
        %min3A_213 = arith.minsi %add3A_212, %min3A : i32
        %dma_start3A_214 = arith.constant 0 : i32
        %dma_start3A_215 = tpu.memref_slice %arg6[%min3A_213, %dma_start3A_214] : memref<100x100xi32, #tpu.memory_space<vmem>> -> memref<1x100xi32, #tpu.memory_space<vmem>>
        %dma_start3A_216 = tpu.memref_squeeze %dma_start3A_215 : memref<1x100xi32, #tpu.memory_space<vmem>> -> memref<100xi32, #tpu.memory_space<vmem>>
        %dma_start3A_217 = arith.constant 0 : i32
        %dma_start3A_218 = arith.constant 0 : i32
        %dma_start3A_219 = tpu.memref_slice %arg2[%dma_start3A_217, %dma_start3A_218] : memref<10000x48xf32, #tpu.memory_space<hbm>> -> memref<10000x48xf32, #tpu.memory_space<hbm>>
        tpu.enqueue_indirect_dma source(%dma_start3A_219 : memref<10000x48xf32, #tpu.memory_space<hbm>>) target(%arg9 : memref<100x48xf32, #tpu.memory_space<vmem>>) offsets(%dma_start3A_216 : memref<100xi32, #tpu.memory_space<vmem>>) semaphore(%arg14 : memref<!tpu.dma_semaphore, #tpu.memory_space<semaphore_mem>>)
      } else {
      }
    }
    %scan3A_60 = arith.constant 25 : i32
    %dma_wait3A_61 = arith.constant 98 : i32
    %dma_wait3A_62 = arith.constant 0 : i32
    %dma_wait3A_63 = tpu.memref_slice %arg7[%dma_wait3A_61, %dma_wait3A_62] : memref<100x100xi32, #tpu.memory_space<vmem>> -> memref<1x100xi32, #tpu.memory_space<vmem>>
    %dma_wait3A_64 = tpu.memref_squeeze %dma_wait3A_63 : memref<1x100xi32, #tpu.memory_space<vmem>> -> memref<100xi32, #tpu.memory_space<vmem>>
    %dma_wait3A_65 = arith.constant 0 : i32
    %dma_wait3A_66 = arith.constant 0 : i32
    %dma_wait3A_67 = tpu.memref_slice %arg12[%dma_wait3A_65, %dma_wait3A_66] : memref<10000x48xf32, #tpu.memory_space<vmem_shared>> -> memref<10000x48xf32, #tpu.memory_space<vmem_shared>>
    tpu.wait_indirect_dma semaphore(%arg19 : memref<!tpu.dma_semaphore, #tpu.memory_space<semaphore_mem>>) src(%arg10 : memref<100x48xf32, #tpu.memory_space<vmem>>) dst(%dma_wait3A_67 : memref<10000x48xf32, #tpu.memory_space<vmem_shared>>)
    %dma_wait3A_68 = arith.constant 99 : i32
    %dma_wait3A_69 = arith.constant 0 : i32
    %dma_wait3A_70 = tpu.memref_slice %arg7[%dma_wait3A_68, %dma_wait3A_69] : memref<100x100xi32, #tpu.memory_space<vmem>> -> memref<1x100xi32, #tpu.memory_space<vmem>>
    %dma_wait3A_71 = tpu.memref_squeeze %dma_wait3A_70 : memref<1x100xi32, #tpu.memory_space<vmem>> -> memref<100xi32, #tpu.memory_space<vmem>>
    %dma_wait3A_72 = arith.constant 0 : i32
    %dma_wait3A_73 = arith.constant 0 : i32
    %dma_wait3A_74 = tpu.memref_slice %arg12[%dma_wait3A_72, %dma_wait3A_73] : memref<10000x48xf32, #tpu.memory_space<vmem_shared>> -> memref<10000x48xf32, #tpu.memory_space<vmem_shared>>
    tpu.wait_indirect_dma semaphore(%arg20 : memref<!tpu.dma_semaphore, #tpu.memory_space<semaphore_mem>>) src(%arg11 : memref<100x48xf32, #tpu.memory_space<vmem>>) dst(%dma_wait3A_74 : memref<10000x48xf32, #tpu.memory_space<vmem_shared>>)
    %barrier3A_75 = arith.constant 0 : index
    tpu.barrier barrier_id(%barrier3A_75)
    "tpu.region"() ({
      %run_scoped3A = tpu.sem_alloc : memref<!tpu.dma_semaphore, #tpu.memory_space<semaphore_mem>>
      %dma_start3A_81 = arith.constant 0 : i32
      %dma_start3A_82 = tpu.memref_slice %arg5[%arg0, %mul3A_4, %dma_start3A_81] : memref<2x10000x128xf32, #tpu.memory_space<hbm>> -> memref<1x624x48xf32, #tpu.memory_space<hbm>>
      %dma_start3A_83 = tpu.memref_squeeze %dma_start3A_82 : memref<1x624x48xf32, #tpu.memory_space<hbm>> -> memref<624x48xf32, #tpu.memory_space<hbm>>
      %dma_start3A_84 = arith.constant 0 : i32
      %dma_start3A_85 = tpu.memref_slice %arg12[%mul3A_4, %dma_start3A_84] : memref<10000x48xf32, #tpu.memory_space<vmem_shared>> -> memref<624x48xf32, #tpu.memory_space<vmem_shared>>
      tpu.enqueue_dma source(%dma_start3A_85 : memref<624x48xf32, #tpu.memory_space<vmem_shared>>) target(%dma_start3A_83 : memref<624x48xf32, #tpu.memory_space<hbm>>) target_semaphore(%run_scoped3A : memref<!tpu.dma_semaphore, #tpu.memory_space<semaphore_mem>>)
      %dma_wait3A_86 = arith.constant 0 : i32
      %dma_wait3A_87 = tpu.memref_slice %arg5[%arg0, %mul3A_4, %dma_wait3A_86] : memref<2x10000x128xf32, #tpu.memory_space<hbm>> -> memref<1x624x48xf32, #tpu.memory_space<hbm>>
      %dma_wait3A_88 = tpu.memref_squeeze %dma_wait3A_87 : memref<1x624x48xf32, #tpu.memory_space<hbm>> -> memref<624x48xf32, #tpu.memory_space<hbm>>
      %dma_wait3A_89 = arith.constant 0 : i32
      %dma_wait3A_90 = tpu.memref_slice %arg12[%mul3A_4, %dma_wait3A_89] : memref<10000x48xf32, #tpu.memory_space<vmem_shared>> -> memref<624x48xf32, #tpu.memory_space<vmem_shared>>
      tpu.wait_dma2 semaphore(%run_scoped3A : memref<!tpu.dma_semaphore, #tpu.memory_space<semaphore_mem>>) src(%dma_wait3A_90 : memref<624x48xf32, #tpu.memory_space<vmem_shared>>) dst(%dma_wait3A_88 : memref<624x48xf32, #tpu.memory_space<hbm>>)
      tpu.yield
    }) : () -> ()
    %eq3A_76 = arith.constant 0 : i32
    %eq3A_77 = arith.cmpi eq, %arg1, %eq3A_76 : i32
    %convert_element_type3A_78 = arith.extui %eq3A_77 : i1 to i32
    %cond3A_79 = arith.constant 0 : i32
    %cond3A_80 = arith.cmpi ne, %convert_element_type3A_78, %cond3A_79 : i32
    scf.if %cond3A_80 {
      "tpu.region"() ({
        %run_scoped3A = tpu.sem_alloc : memref<!tpu.dma_semaphore, #tpu.memory_space<semaphore_mem>>
        %dma_start3A_81 = arith.constant 9984 : i32
        %dma_start3A_82 = arith.constant 0 : i32
        %dma_start3A_83 = tpu.memref_slice %arg5[%arg0, %dma_start3A_81, %dma_start3A_82] : memref<2x10000x128xf32, #tpu.memory_space<hbm>> -> memref<1x16x48xf32, #tpu.memory_space<hbm>>
        %dma_start3A_84 = tpu.memref_squeeze %dma_start3A_83 : memref<1x16x48xf32, #tpu.memory_space<hbm>> -> memref<16x48xf32, #tpu.memory_space<hbm>>
        %dma_start3A_85 = arith.constant 9984 : i32
        %dma_start3A_86 = arith.constant 0 : i32
        %dma_start3A_87 = tpu.memref_slice %arg12[%dma_start3A_85, %dma_start3A_86] : memref<10000x48xf32, #tpu.memory_space<vmem_shared>> -> memref<16x48xf32, #tpu.memory_space<vmem_shared>>
        tpu.enqueue_dma source(%dma_start3A_87 : memref<16x48xf32, #tpu.memory_space<vmem_shared>>) target(%dma_start3A_84 : memref<16x48xf32, #tpu.memory_space<hbm>>) target_semaphore(%run_scoped3A : memref<!tpu.dma_semaphore, #tpu.memory_space<semaphore_mem>>)
        %dma_wait3A_88 = arith.constant 9984 : i32
        %dma_wait3A_89 = arith.constant 0 : i32
        %dma_wait3A_90 = tpu.memref_slice %arg5[%arg0, %dma_wait3A_88, %dma_wait3A_89] : memref<2x10000x128xf32, #tpu.memory_space<hbm>> -> memref<1x16x48xf32, #tpu.memory_space<hbm>>
        %dma_wait3A_91 = tpu.memref_squeeze %dma_wait3A_90 : memref<1x16x48xf32, #tpu.memory_space<hbm>> -> memref<16x48xf32, #tpu.memory_space<hbm>>
        %dma_wait3A_92 = arith.constant 9984 : i32
        %dma_wait3A_93 = arith.constant 0 : i32
        %dma_wait3A_94 = tpu.memref_slice %arg12[%dma_wait3A_92, %dma_wait3A_93] : memref<10000x48xf32, #tpu.memory_space<vmem_shared>> -> memref<16x48xf32, #tpu.memory_space<vmem_shared>>
        tpu.wait_dma2 semaphore(%run_scoped3A : memref<!tpu.dma_semaphore, #tpu.memory_space<semaphore_mem>>) src(%dma_wait3A_94 : memref<16x48xf32, #tpu.memory_space<vmem_shared>>) dst(%dma_wait3A_91 : memref<16x48xf32, #tpu.memory_space<hbm>>)
        tpu.yield
      }) : () -> ()
    } else {
    }
    return
  }
}

#map = affine_map<(d0, d1) -> (0, 0)>
#map1 = affine_map<(d0, d1) -> (0, 0, 0)>
module attributes {stable_mosaic.version = 14 : i64} {
  func.func @agg_kernel(%arg0: i32, %arg1: i32, %arg2: memref<10000x128xf32, #tpu.memory_space<hbm>>, %arg3: memref<2x3200x100xi32, #tpu.memory_space<hbm>>, %arg4: memref<10000x128xf32, #tpu.memory_space<hbm>>, %arg5: memref<2x10000x128xf32, #tpu.memory_space<hbm>>, %arg6: memref<50x100xi32, #tpu.memory_space<vmem>>, %arg7: memref<50x100xi32, #tpu.memory_space<vmem>>, %arg8: memref<100x128xf32, #tpu.memory_space<vmem>>, %arg9: memref<100x128xf32, #tpu.memory_space<vmem>>, %arg10: memref<100x128xf32, #tpu.memory_space<vmem>>, %arg11: memref<10000x128xf32, #tpu.memory_space<vmem_shared>>, %arg12: memref<!tpu.dma_semaphore, #tpu.memory_space<semaphore_mem>>, %arg13: memref<!tpu.dma_semaphore, #tpu.memory_space<semaphore_mem>>, %arg14: memref<!tpu.dma_semaphore, #tpu.memory_space<semaphore_mem>>, %arg15: memref<!tpu.dma_semaphore, #tpu.memory_space<semaphore_mem>>, %arg16: memref<!tpu.dma_semaphore, #tpu.memory_space<semaphore_mem>>, %arg17: memref<!tpu.dma_semaphore, #tpu.memory_space<semaphore_mem>>, %arg18: memref<!tpu.dma_semaphore, #tpu.memory_space<semaphore_mem>>) attributes {dimension_semantics = [#tpu.dimension_semantics<core_parallel>, #tpu.dimension_semantics<subcore_parallel>], iteration_bounds = array<i64: 2, 16>, scalar_prefetch = 0 : i64, scratch_operands = 13 : i64, tpu.core_type = #tpu.core_type<sc_vector_subcore>, window_params = [{transform_indices = #map}, {transform_indices = #map1}, {transform_indices = #map}, {transform_indices = #map1}]} {
    %mul3A = arith.constant 16 : i32
    %mul3A_0 = arith.muli %arg0, %mul3A : i32
    %add3A = arith.addi %mul3A_0, %arg1 : i32
    %mul3A_1 = arith.constant 100 : i32
    %mul3A_2 = arith.muli %add3A, %mul3A_1 : i32
    %mul3A_3 = arith.constant 624 : i32
    %mul3A_4 = arith.muli %arg1, %mul3A_3 : i32
    %add3A_5 = arith.constant 0 : i32
    %add3A_6 = arith.addi %mul3A_2, %add3A_5 : i32
    %dma_start3A = arith.constant 0 : i32
    %dma_start3A_7 = tpu.memref_slice %arg11[%mul3A_4, %dma_start3A] : memref<10000x128xf32, #tpu.memory_space<vmem_shared>> -> memref<624x128xf32, #tpu.memory_space<vmem_shared>>
    %dma_start3A_8 = arith.constant 0 : i32
    %dma_start3A_9 = tpu.memref_slice %arg4[%mul3A_4, %dma_start3A_8] : memref<10000x128xf32, #tpu.memory_space<hbm>> -> memref<624x128xf32, #tpu.memory_space<hbm>>
    tpu.enqueue_dma source(%dma_start3A_9 : memref<624x128xf32, #tpu.memory_space<hbm>>) target(%dma_start3A_7 : memref<624x128xf32, #tpu.memory_space<vmem_shared>>) target_semaphore(%arg18 : memref<!tpu.dma_semaphore, #tpu.memory_space<semaphore_mem>>)
    %dma_start3A_10 = arith.constant 0 : i32
    %dma_start3A_11 = arith.constant 0 : i32
    %dma_start3A_12 = tpu.memref_slice %arg3[%dma_start3A_10, %add3A_6, %dma_start3A_11] : memref<2x3200x100xi32, #tpu.memory_space<hbm>> -> memref<1x50x100xi32, #tpu.memory_space<hbm>>
    %dma_start3A_13 = tpu.memref_squeeze %dma_start3A_12 : memref<1x50x100xi32, #tpu.memory_space<hbm>> -> memref<50x100xi32, #tpu.memory_space<hbm>>
    %dma_start3A_14 = arith.constant 0 : i32
    %dma_start3A_15 = tpu.memref_slice %arg3[%dma_start3A_10, %add3A_6, %dma_start3A_14] : memref<2x3200x100xi32, #tpu.memory_space<hbm>> -> memref<1x50x100xi32, #tpu.memory_space<hbm>>
    %dma_start3A_16 = tpu.memref_squeeze %dma_start3A_15 : memref<1x50x100xi32, #tpu.memory_space<hbm>> -> memref<50x100xi32, #tpu.memory_space<hbm>>
    tpu.enqueue_dma source(%dma_start3A_16 : memref<50x100xi32, #tpu.memory_space<hbm>>) target(%arg6 : memref<50x100xi32, #tpu.memory_space<vmem>>) target_semaphore(%arg18 : memref<!tpu.dma_semaphore, #tpu.memory_space<semaphore_mem>>)
    %dma_start3A_17 = arith.constant 1 : i32
    %dma_start3A_18 = arith.constant 0 : i32
    %dma_start3A_19 = tpu.memref_slice %arg3[%dma_start3A_17, %add3A_6, %dma_start3A_18] : memref<2x3200x100xi32, #tpu.memory_space<hbm>> -> memref<1x50x100xi32, #tpu.memory_space<hbm>>
    %dma_start3A_20 = tpu.memref_squeeze %dma_start3A_19 : memref<1x50x100xi32, #tpu.memory_space<hbm>> -> memref<50x100xi32, #tpu.memory_space<hbm>>
    %dma_start3A_21 = arith.constant 0 : i32
    %dma_start3A_22 = tpu.memref_slice %arg3[%dma_start3A_17, %add3A_6, %dma_start3A_21] : memref<2x3200x100xi32, #tpu.memory_space<hbm>> -> memref<1x50x100xi32, #tpu.memory_space<hbm>>
    %dma_start3A_23 = tpu.memref_squeeze %dma_start3A_22 : memref<1x50x100xi32, #tpu.memory_space<hbm>> -> memref<50x100xi32, #tpu.memory_space<hbm>>
    tpu.enqueue_dma source(%dma_start3A_23 : memref<50x100xi32, #tpu.memory_space<hbm>>) target(%arg7 : memref<50x100xi32, #tpu.memory_space<vmem>>) target_semaphore(%arg18 : memref<!tpu.dma_semaphore, #tpu.memory_space<semaphore_mem>>)
    %eq3A = arith.constant 0 : i32
    %eq3A_24 = arith.cmpi eq, %arg1, %eq3A : i32
    %convert_element_type3A = arith.extui %eq3A_24 : i1 to i32
    %cond3A = arith.constant 0 : i32
    %cond3A_25 = arith.cmpi ne, %convert_element_type3A, %cond3A : i32
    scf.if %cond3A_25 {
      "tpu.region"() ({
        %run_scoped3A_201 = tpu.sem_alloc : memref<!tpu.dma_semaphore, #tpu.memory_space<semaphore_mem>>
        %dma_start3A_202 = arith.constant 9984 : i32
        %dma_start3A_203 = arith.constant 0 : i32
        %dma_start3A_204 = tpu.memref_slice %arg11[%dma_start3A_202, %dma_start3A_203] : memref<10000x128xf32, #tpu.memory_space<vmem_shared>> -> memref<16x128xf32, #tpu.memory_space<vmem_shared>>
        %dma_start3A_205 = arith.constant 9984 : i32
        %dma_start3A_206 = arith.constant 0 : i32
        %dma_start3A_207 = tpu.memref_slice %arg4[%dma_start3A_205, %dma_start3A_206] : memref<10000x128xf32, #tpu.memory_space<hbm>> -> memref<16x128xf32, #tpu.memory_space<hbm>>
        tpu.enqueue_dma source(%dma_start3A_207 : memref<16x128xf32, #tpu.memory_space<hbm>>) target(%dma_start3A_204 : memref<16x128xf32, #tpu.memory_space<vmem_shared>>) target_semaphore(%run_scoped3A_201 : memref<!tpu.dma_semaphore, #tpu.memory_space<semaphore_mem>>)
        %dma_wait3A_208 = arith.constant 9984 : i32
        %dma_wait3A_209 = arith.constant 0 : i32
        %dma_wait3A_210 = tpu.memref_slice %arg11[%dma_wait3A_208, %dma_wait3A_209] : memref<10000x128xf32, #tpu.memory_space<vmem_shared>> -> memref<16x128xf32, #tpu.memory_space<vmem_shared>>
        %dma_wait3A_211 = arith.constant 9984 : i32
        %dma_wait3A_212 = arith.constant 0 : i32
        %dma_wait3A_213 = tpu.memref_slice %arg4[%dma_wait3A_211, %dma_wait3A_212] : memref<10000x128xf32, #tpu.memory_space<hbm>> -> memref<16x128xf32, #tpu.memory_space<hbm>>
        tpu.wait_dma2 semaphore(%run_scoped3A_201 : memref<!tpu.dma_semaphore, #tpu.memory_space<semaphore_mem>>) src(%dma_wait3A_213 : memref<16x128xf32, #tpu.memory_space<hbm>>) dst(%dma_wait3A_210 : memref<16x128xf32, #tpu.memory_space<vmem_shared>>)
        tpu.yield
      }) : () -> ()
    } else {
    }
    %dma_wait3A = arith.constant 0 : i32
    %dma_wait3A_26 = tpu.memref_slice %arg11[%mul3A_4, %dma_wait3A] : memref<10000x128xf32, #tpu.memory_space<vmem_shared>> -> memref<624x128xf32, #tpu.memory_space<vmem_shared>>
    %dma_wait3A_27 = arith.constant 0 : i32
    %dma_wait3A_28 = tpu.memref_slice %arg4[%mul3A_4, %dma_wait3A_27] : memref<10000x128xf32, #tpu.memory_space<hbm>> -> memref<624x128xf32, #tpu.memory_space<hbm>>
    tpu.wait_dma2 semaphore(%arg18 : memref<!tpu.dma_semaphore, #tpu.memory_space<semaphore_mem>>) src(%dma_wait3A_28 : memref<624x128xf32, #tpu.memory_space<hbm>>) dst(%dma_wait3A_26 : memref<624x128xf32, #tpu.memory_space<vmem_shared>>)
    %dma_wait3A_29 = arith.constant 0 : i32
    %dma_wait3A_30 = arith.constant 0 : i32
    %dma_wait3A_31 = tpu.memref_slice %arg3[%dma_wait3A_29, %add3A_6, %dma_wait3A_30] : memref<2x3200x100xi32, #tpu.memory_space<hbm>> -> memref<1x50x100xi32, #tpu.memory_space<hbm>>
    %dma_wait3A_32 = tpu.memref_squeeze %dma_wait3A_31 : memref<1x50x100xi32, #tpu.memory_space<hbm>> -> memref<50x100xi32, #tpu.memory_space<hbm>>
    %dma_wait3A_33 = arith.constant 0 : i32
    %dma_wait3A_34 = tpu.memref_slice %arg3[%dma_wait3A_29, %add3A_6, %dma_wait3A_33] : memref<2x3200x100xi32, #tpu.memory_space<hbm>> -> memref<1x50x100xi32, #tpu.memory_space<hbm>>
    %dma_wait3A_35 = tpu.memref_squeeze %dma_wait3A_34 : memref<1x50x100xi32, #tpu.memory_space<hbm>> -> memref<50x100xi32, #tpu.memory_space<hbm>>
    tpu.wait_dma2 semaphore(%arg18 : memref<!tpu.dma_semaphore, #tpu.memory_space<semaphore_mem>>) src(%dma_wait3A_35 : memref<50x100xi32, #tpu.memory_space<hbm>>) dst(%arg6 : memref<50x100xi32, #tpu.memory_space<vmem>>)
    %dma_wait3A_36 = arith.constant 1 : i32
    %dma_wait3A_37 = arith.constant 0 : i32
    %dma_wait3A_38 = tpu.memref_slice %arg3[%dma_wait3A_36, %add3A_6, %dma_wait3A_37] : memref<2x3200x100xi32, #tpu.memory_space<hbm>> -> memref<1x50x100xi32, #tpu.memory_space<hbm>>
    %dma_wait3A_39 = tpu.memref_squeeze %dma_wait3A_38 : memref<1x50x100xi32, #tpu.memory_space<hbm>> -> memref<50x100xi32, #tpu.memory_space<hbm>>
    %dma_wait3A_40 = arith.constant 0 : i32
    %dma_wait3A_41 = tpu.memref_slice %arg3[%dma_wait3A_36, %add3A_6, %dma_wait3A_40] : memref<2x3200x100xi32, #tpu.memory_space<hbm>> -> memref<1x50x100xi32, #tpu.memory_space<hbm>>
    %dma_wait3A_42 = tpu.memref_squeeze %dma_wait3A_41 : memref<1x50x100xi32, #tpu.memory_space<hbm>> -> memref<50x100xi32, #tpu.memory_space<hbm>>
    tpu.wait_dma2 semaphore(%arg18 : memref<!tpu.dma_semaphore, #tpu.memory_space<semaphore_mem>>) src(%dma_wait3A_42 : memref<50x100xi32, #tpu.memory_space<hbm>>) dst(%arg7 : memref<50x100xi32, #tpu.memory_space<vmem>>)
    %barrier3A = arith.constant 0 : index
    tpu.barrier barrier_id(%barrier3A)
    %dma_start3A_43 = arith.constant 0 : i32
    %dma_start3A_44 = arith.constant 0 : i32
    %dma_start3A_45 = tpu.memref_slice %arg6[%dma_start3A_43, %dma_start3A_44] : memref<50x100xi32, #tpu.memory_space<vmem>> -> memref<1x100xi32, #tpu.memory_space<vmem>>
    %dma_start3A_46 = tpu.memref_squeeze %dma_start3A_45 : memref<1x100xi32, #tpu.memory_space<vmem>> -> memref<100xi32, #tpu.memory_space<vmem>>
    %dma_start3A_47 = arith.constant 0 : i32
    %dma_start3A_48 = arith.constant 0 : i32
    %dma_start3A_49 = tpu.memref_slice %arg2[%dma_start3A_47, %dma_start3A_48] : memref<10000x128xf32, #tpu.memory_space<hbm>> -> memref<10000x128xf32, #tpu.memory_space<hbm>>
    tpu.enqueue_indirect_dma source(%dma_start3A_49 : memref<10000x128xf32, #tpu.memory_space<hbm>>) target(%arg8 : memref<100x128xf32, #tpu.memory_space<vmem>>) offsets(%dma_start3A_46 : memref<100xi32, #tpu.memory_space<vmem>>) semaphore(%arg12 : memref<!tpu.dma_semaphore, #tpu.memory_space<semaphore_mem>>)
    %scan3A = arith.constant 0 : i32
    %scan3A_50 = arith.constant 16 : i32
    %scan3A_51 = arith.addi %scan3A, %scan3A_50 : i32
    %scan3A_52 = arith.constant 1 : i32
    scf.for %scan3A_201 = %scan3A to %scan3A_51 step %scan3A_52  : i32 {
      %mul3A_202 = arith.constant 1 : i32
      %mul3A_203 = arith.muli %scan3A_201, %mul3A_202 : i32
      %add3A_204 = arith.constant 0 : i32
      %add3A_205 = arith.addi %add3A_204, %mul3A_203 : i32
      %mul3A_206 = arith.constant 3 : i32
      %mul3A_207 = arith.muli %add3A_205, %mul3A_206 : i32
      %add3A_208 = arith.constant 0 : i32
      %add3A_209 = arith.addi %mul3A_207, %add3A_208 : i32
      %dma_wait3A_210 = arith.constant 0 : i32
      %dma_wait3A_211 = tpu.memref_slice %arg6[%add3A_209, %dma_wait3A_210] : memref<50x100xi32, #tpu.memory_space<vmem>> -> memref<1x100xi32, #tpu.memory_space<vmem>>
      %dma_wait3A_212 = tpu.memref_squeeze %dma_wait3A_211 : memref<1x100xi32, #tpu.memory_space<vmem>> -> memref<100xi32, #tpu.memory_space<vmem>>
      %dma_wait3A_213 = arith.constant 0 : i32
      %dma_wait3A_214 = arith.constant 0 : i32
      %dma_wait3A_215 = tpu.memref_slice %arg2[%dma_wait3A_213, %dma_wait3A_214] : memref<10000x128xf32, #tpu.memory_space<hbm>> -> memref<10000x128xf32, #tpu.memory_space<hbm>>
      tpu.wait_indirect_dma semaphore(%arg12 : memref<!tpu.dma_semaphore, #tpu.memory_space<semaphore_mem>>) src(%dma_wait3A_215 : memref<10000x128xf32, #tpu.memory_space<hbm>>) dst(%arg8 : memref<100x128xf32, #tpu.memory_space<vmem>>)
      %dma_start3A_216 = arith.constant 0 : i32
      %dma_start3A_217 = tpu.memref_slice %arg7[%add3A_209, %dma_start3A_216] : memref<50x100xi32, #tpu.memory_space<vmem>> -> memref<1x100xi32, #tpu.memory_space<vmem>>
      %dma_start3A_218 = tpu.memref_squeeze %dma_start3A_217 : memref<1x100xi32, #tpu.memory_space<vmem>> -> memref<100xi32, #tpu.memory_space<vmem>>
      %dma_start3A_219 = arith.constant 0 : i32
      %dma_start3A_220 = arith.constant 0 : i32
      %dma_start3A_221 = tpu.memref_slice %arg11[%dma_start3A_219, %dma_start3A_220] : memref<10000x128xf32, #tpu.memory_space<vmem_shared>> -> memref<10000x128xf32, #tpu.memory_space<vmem_shared>>
      tpu.enqueue_indirect_dma source(%arg8 : memref<100x128xf32, #tpu.memory_space<vmem>>) target(%dma_start3A_221 : memref<10000x128xf32, #tpu.memory_space<vmem_shared>>) offsets(%dma_start3A_218 : memref<100xi32, #tpu.memory_space<vmem>>) semaphore(%arg15 : memref<!tpu.dma_semaphore, #tpu.memory_space<semaphore_mem>>) {add = true}
      %add3A_222 = arith.constant 1 : i32
      %add3A_223 = arith.addi %add3A_209, %add3A_222 : i32
      %sub3A = arith.constant 3 : i32
      %sub3A_224 = arith.subi %add3A_223, %sub3A : i32
      %ge3A = arith.constant 0 : i32
      %ge3A_225 = arith.cmpi sge, %sub3A_224, %ge3A : i32
      %convert_element_type3A_226 = arith.extui %ge3A_225 : i1 to i32
      %cond3A_227 = arith.constant 0 : i32
      %cond3A_228 = arith.cmpi ne, %convert_element_type3A_226, %cond3A_227 : i32
      scf.if %cond3A_228 {
        %add3A_299 = arith.constant 1 : i32
        %add3A_300 = arith.addi %add3A_209, %add3A_299 : i32
        %sub3A_301 = arith.constant 3 : i32
        %sub3A_302 = arith.subi %add3A_300, %sub3A_301 : i32
        %max3A = arith.constant 0 : i32
        %max3A_303 = arith.maxsi %sub3A_302, %max3A : i32
        %dma_wait3A_304 = arith.constant 0 : i32
        %dma_wait3A_305 = tpu.memref_slice %arg7[%max3A_303, %dma_wait3A_304] : memref<50x100xi32, #tpu.memory_space<vmem>> -> memref<1x100xi32, #tpu.memory_space<vmem>>
        %dma_wait3A_306 = tpu.memref_squeeze %dma_wait3A_305 : memref<1x100xi32, #tpu.memory_space<vmem>> -> memref<100xi32, #tpu.memory_space<vmem>>
        %dma_wait3A_307 = arith.constant 0 : i32
        %dma_wait3A_308 = arith.constant 0 : i32
        %dma_wait3A_309 = tpu.memref_slice %arg11[%dma_wait3A_307, %dma_wait3A_308] : memref<10000x128xf32, #tpu.memory_space<vmem_shared>> -> memref<10000x128xf32, #tpu.memory_space<vmem_shared>>
        tpu.wait_indirect_dma semaphore(%arg16 : memref<!tpu.dma_semaphore, #tpu.memory_space<semaphore_mem>>) src(%arg9 : memref<100x128xf32, #tpu.memory_space<vmem>>) dst(%dma_wait3A_309 : memref<10000x128xf32, #tpu.memory_space<vmem_shared>>)
      } else {
      }
      %add3A_229 = arith.constant 1 : i32
      %add3A_230 = arith.addi %add3A_209, %add3A_229 : i32
      %lt3A = arith.constant 50 : i32
      %lt3A_231 = arith.cmpi slt, %add3A_230, %lt3A : i32
      %convert_element_type3A_232 = arith.extui %lt3A_231 : i1 to i32
      %cond3A_233 = arith.constant 0 : i32
      %cond3A_234 = arith.cmpi ne, %convert_element_type3A_232, %cond3A_233 : i32
      scf.if %cond3A_234 {
        %add3A_299 = arith.constant 1 : i32
        %add3A_300 = arith.addi %add3A_209, %add3A_299 : i32
        %min3A = arith.constant 49 : i32
        %min3A_301 = arith.minsi %add3A_300, %min3A : i32
        %dma_start3A_302 = arith.constant 0 : i32
        %dma_start3A_303 = tpu.memref_slice %arg6[%min3A_301, %dma_start3A_302] : memref<50x100xi32, #tpu.memory_space<vmem>> -> memref<1x100xi32, #tpu.memory_space<vmem>>
        %dma_start3A_304 = tpu.memref_squeeze %dma_start3A_303 : memref<1x100xi32, #tpu.memory_space<vmem>> -> memref<100xi32, #tpu.memory_space<vmem>>
        %dma_start3A_305 = arith.constant 0 : i32
        %dma_start3A_306 = arith.constant 0 : i32
        %dma_start3A_307 = tpu.memref_slice %arg2[%dma_start3A_305, %dma_start3A_306] : memref<10000x128xf32, #tpu.memory_space<hbm>> -> memref<10000x128xf32, #tpu.memory_space<hbm>>
        tpu.enqueue_indirect_dma source(%dma_start3A_307 : memref<10000x128xf32, #tpu.memory_space<hbm>>) target(%arg9 : memref<100x128xf32, #tpu.memory_space<vmem>>) offsets(%dma_start3A_304 : memref<100xi32, #tpu.memory_space<vmem>>) semaphore(%arg13 : memref<!tpu.dma_semaphore, #tpu.memory_space<semaphore_mem>>)
      } else {
      }
      %mul3A_235 = arith.constant 3 : i32
      %mul3A_236 = arith.muli %add3A_205, %mul3A_235 : i32
      %add3A_237 = arith.constant 1 : i32
      %add3A_238 = arith.addi %mul3A_236, %add3A_237 : i32
      %dma_wait3A_239 = arith.constant 0 : i32
      %dma_wait3A_240 = tpu.memref_slice %arg6[%add3A_238, %dma_wait3A_239] : memref<50x100xi32, #tpu.memory_space<vmem>> -> memref<1x100xi32, #tpu.memory_space<vmem>>
      %dma_wait3A_241 = tpu.memref_squeeze %dma_wait3A_240 : memref<1x100xi32, #tpu.memory_space<vmem>> -> memref<100xi32, #tpu.memory_space<vmem>>
      %dma_wait3A_242 = arith.constant 0 : i32
      %dma_wait3A_243 = arith.constant 0 : i32
      %dma_wait3A_244 = tpu.memref_slice %arg2[%dma_wait3A_242, %dma_wait3A_243] : memref<10000x128xf32, #tpu.memory_space<hbm>> -> memref<10000x128xf32, #tpu.memory_space<hbm>>
      tpu.wait_indirect_dma semaphore(%arg13 : memref<!tpu.dma_semaphore, #tpu.memory_space<semaphore_mem>>) src(%dma_wait3A_244 : memref<10000x128xf32, #tpu.memory_space<hbm>>) dst(%arg9 : memref<100x128xf32, #tpu.memory_space<vmem>>)
      %dma_start3A_245 = arith.constant 0 : i32
      %dma_start3A_246 = tpu.memref_slice %arg7[%add3A_238, %dma_start3A_245] : memref<50x100xi32, #tpu.memory_space<vmem>> -> memref<1x100xi32, #tpu.memory_space<vmem>>
      %dma_start3A_247 = tpu.memref_squeeze %dma_start3A_246 : memref<1x100xi32, #tpu.memory_space<vmem>> -> memref<100xi32, #tpu.memory_space<vmem>>
      %dma_start3A_248 = arith.constant 0 : i32
      %dma_start3A_249 = arith.constant 0 : i32
      %dma_start3A_250 = tpu.memref_slice %arg11[%dma_start3A_248, %dma_start3A_249] : memref<10000x128xf32, #tpu.memory_space<vmem_shared>> -> memref<10000x128xf32, #tpu.memory_space<vmem_shared>>
      tpu.enqueue_indirect_dma source(%arg9 : memref<100x128xf32, #tpu.memory_space<vmem>>) target(%dma_start3A_250 : memref<10000x128xf32, #tpu.memory_space<vmem_shared>>) offsets(%dma_start3A_247 : memref<100xi32, #tpu.memory_space<vmem>>) semaphore(%arg16 : memref<!tpu.dma_semaphore, #tpu.memory_space<semaphore_mem>>) {add = true}
      %add3A_251 = arith.constant 1 : i32
      %add3A_252 = arith.addi %add3A_238, %add3A_251 : i32
      %sub3A_253 = arith.constant 3 : i32
      %sub3A_254 = arith.subi %add3A_252, %sub3A_253 : i32
      %ge3A_255 = arith.constant 0 : i32
      %ge3A_256 = arith.cmpi sge, %sub3A_254, %ge3A_255 : i32
      %convert_element_type3A_257 = arith.extui %ge3A_256 : i1 to i32
      %cond3A_258 = arith.constant 0 : i32
      %cond3A_259 = arith.cmpi ne, %convert_element_type3A_257, %cond3A_258 : i32
      scf.if %cond3A_259 {
        %add3A_299 = arith.constant 1 : i32
        %add3A_300 = arith.addi %add3A_238, %add3A_299 : i32
        %sub3A_301 = arith.constant 3 : i32
        %sub3A_302 = arith.subi %add3A_300, %sub3A_301 : i32
        %max3A = arith.constant 0 : i32
        %max3A_303 = arith.maxsi %sub3A_302, %max3A : i32
        %dma_wait3A_304 = arith.constant 0 : i32
        %dma_wait3A_305 = tpu.memref_slice %arg7[%max3A_303, %dma_wait3A_304] : memref<50x100xi32, #tpu.memory_space<vmem>> -> memref<1x100xi32, #tpu.memory_space<vmem>>
        %dma_wait3A_306 = tpu.memref_squeeze %dma_wait3A_305 : memref<1x100xi32, #tpu.memory_space<vmem>> -> memref<100xi32, #tpu.memory_space<vmem>>
        %dma_wait3A_307 = arith.constant 0 : i32
        %dma_wait3A_308 = arith.constant 0 : i32
        %dma_wait3A_309 = tpu.memref_slice %arg11[%dma_wait3A_307, %dma_wait3A_308] : memref<10000x128xf32, #tpu.memory_space<vmem_shared>> -> memref<10000x128xf32, #tpu.memory_space<vmem_shared>>
        tpu.wait_indirect_dma semaphore(%arg17 : memref<!tpu.dma_semaphore, #tpu.memory_space<semaphore_mem>>) src(%arg10 : memref<100x128xf32, #tpu.memory_space<vmem>>) dst(%dma_wait3A_309 : memref<10000x128xf32, #tpu.memory_space<vmem_shared>>)
      } else {
      }
      %add3A_260 = arith.constant 1 : i32
      %add3A_261 = arith.addi %add3A_238, %add3A_260 : i32
      %lt3A_262 = arith.constant 50 : i32
      %lt3A_263 = arith.cmpi slt, %add3A_261, %lt3A_262 : i32
      %convert_element_type3A_264 = arith.extui %lt3A_263 : i1 to i32
      %cond3A_265 = arith.constant 0 : i32
      %cond3A_266 = arith.cmpi ne, %convert_element_type3A_264, %cond3A_265 : i32
      scf.if %cond3A_266 {
        %add3A_299 = arith.constant 1 : i32
        %add3A_300 = arith.addi %add3A_238, %add3A_299 : i32
        %min3A = arith.constant 49 : i32
        %min3A_301 = arith.minsi %add3A_300, %min3A : i32
        %dma_start3A_302 = arith.constant 0 : i32
        %dma_start3A_303 = tpu.memref_slice %arg6[%min3A_301, %dma_start3A_302] : memref<50x100xi32, #tpu.memory_space<vmem>> -> memref<1x100xi32, #tpu.memory_space<vmem>>
        %dma_start3A_304 = tpu.memref_squeeze %dma_start3A_303 : memref<1x100xi32, #tpu.memory_space<vmem>> -> memref<100xi32, #tpu.memory_space<vmem>>
        %dma_start3A_305 = arith.constant 0 : i32
        %dma_start3A_306 = arith.constant 0 : i32
        %dma_start3A_307 = tpu.memref_slice %arg2[%dma_start3A_305, %dma_start3A_306] : memref<10000x128xf32, #tpu.memory_space<hbm>> -> memref<10000x128xf32, #tpu.memory_space<hbm>>
        tpu.enqueue_indirect_dma source(%dma_start3A_307 : memref<10000x128xf32, #tpu.memory_space<hbm>>) target(%arg10 : memref<100x128xf32, #tpu.memory_space<vmem>>) offsets(%dma_start3A_304 : memref<100xi32, #tpu.memory_space<vmem>>) semaphore(%arg14 : memref<!tpu.dma_semaphore, #tpu.memory_space<semaphore_mem>>)
      } else {
      }
      %mul3A_267 = arith.constant 3 : i32
      %mul3A_268 = arith.muli %add3A_205, %mul3A_267 : i32
      %add3A_269 = arith.constant 2 : i32
      %add3A_270 = arith.addi %mul3A_268, %add3A_269 : i32
      %dma_wait3A_271 = arith.constant 0 : i32
      %dma_wait3A_272 = tpu.memref_slice %arg6[%add3A_270, %dma_wait3A_271] : memref<50x100xi32, #tpu.memory_space<vmem>> -> memref<1x100xi32, #tpu.memory_space<vmem>>
      %dma_wait3A_273 = tpu.memref_squeeze %dma_wait3A_272 : memref<1x100xi32, #tpu.memory_space<vmem>> -> memref<100xi32, #tpu.memory_space<vmem>>
      %dma_wait3A_274 = arith.constant 0 : i32
      %dma_wait3A_275 = arith.constant 0 : i32
      %dma_wait3A_276 = tpu.memref_slice %arg2[%dma_wait3A_274, %dma_wait3A_275] : memref<10000x128xf32, #tpu.memory_space<hbm>> -> memref<10000x128xf32, #tpu.memory_space<hbm>>
      tpu.wait_indirect_dma semaphore(%arg14 : memref<!tpu.dma_semaphore, #tpu.memory_space<semaphore_mem>>) src(%dma_wait3A_276 : memref<10000x128xf32, #tpu.memory_space<hbm>>) dst(%arg10 : memref<100x128xf32, #tpu.memory_space<vmem>>)
      %dma_start3A_277 = arith.constant 0 : i32
      %dma_start3A_278 = tpu.memref_slice %arg7[%add3A_270, %dma_start3A_277] : memref<50x100xi32, #tpu.memory_space<vmem>> -> memref<1x100xi32, #tpu.memory_space<vmem>>
      %dma_start3A_279 = tpu.memref_squeeze %dma_start3A_278 : memref<1x100xi32, #tpu.memory_space<vmem>> -> memref<100xi32, #tpu.memory_space<vmem>>
      %dma_start3A_280 = arith.constant 0 : i32
      %dma_start3A_281 = arith.constant 0 : i32
      %dma_start3A_282 = tpu.memref_slice %arg11[%dma_start3A_280, %dma_start3A_281] : memref<10000x128xf32, #tpu.memory_space<vmem_shared>> -> memref<10000x128xf32, #tpu.memory_space<vmem_shared>>
      tpu.enqueue_indirect_dma source(%arg10 : memref<100x128xf32, #tpu.memory_space<vmem>>) target(%dma_start3A_282 : memref<10000x128xf32, #tpu.memory_space<vmem_shared>>) offsets(%dma_start3A_279 : memref<100xi32, #tpu.memory_space<vmem>>) semaphore(%arg17 : memref<!tpu.dma_semaphore, #tpu.memory_space<semaphore_mem>>) {add = true}
      %add3A_283 = arith.constant 1 : i32
      %add3A_284 = arith.addi %add3A_270, %add3A_283 : i32
      %sub3A_285 = arith.constant 3 : i32
      %sub3A_286 = arith.subi %add3A_284, %sub3A_285 : i32
      %ge3A_287 = arith.constant 0 : i32
      %ge3A_288 = arith.cmpi sge, %sub3A_286, %ge3A_287 : i32
      %convert_element_type3A_289 = arith.extui %ge3A_288 : i1 to i32
      %cond3A_290 = arith.constant 0 : i32
      %cond3A_291 = arith.cmpi ne, %convert_element_type3A_289, %cond3A_290 : i32
      scf.if %cond3A_291 {
        %add3A_299 = arith.constant 1 : i32
        %add3A_300 = arith.addi %add3A_270, %add3A_299 : i32
        %sub3A_301 = arith.constant 3 : i32
        %sub3A_302 = arith.subi %add3A_300, %sub3A_301 : i32
        %max3A = arith.constant 0 : i32
        %max3A_303 = arith.maxsi %sub3A_302, %max3A : i32
        %dma_wait3A_304 = arith.constant 0 : i32
        %dma_wait3A_305 = tpu.memref_slice %arg7[%max3A_303, %dma_wait3A_304] : memref<50x100xi32, #tpu.memory_space<vmem>> -> memref<1x100xi32, #tpu.memory_space<vmem>>
        %dma_wait3A_306 = tpu.memref_squeeze %dma_wait3A_305 : memref<1x100xi32, #tpu.memory_space<vmem>> -> memref<100xi32, #tpu.memory_space<vmem>>
        %dma_wait3A_307 = arith.constant 0 : i32
        %dma_wait3A_308 = arith.constant 0 : i32
        %dma_wait3A_309 = tpu.memref_slice %arg11[%dma_wait3A_307, %dma_wait3A_308] : memref<10000x128xf32, #tpu.memory_space<vmem_shared>> -> memref<10000x128xf32, #tpu.memory_space<vmem_shared>>
        tpu.wait_indirect_dma semaphore(%arg15 : memref<!tpu.dma_semaphore, #tpu.memory_space<semaphore_mem>>) src(%arg8 : memref<100x128xf32, #tpu.memory_space<vmem>>) dst(%dma_wait3A_309 : memref<10000x128xf32, #tpu.memory_space<vmem_shared>>)
      } else {
      }
      %add3A_292 = arith.constant 1 : i32
      %add3A_293 = arith.addi %add3A_270, %add3A_292 : i32
      %lt3A_294 = arith.constant 50 : i32
      %lt3A_295 = arith.cmpi slt, %add3A_293, %lt3A_294 : i32
      %convert_element_type3A_296 = arith.extui %lt3A_295 : i1 to i32
      %cond3A_297 = arith.constant 0 : i32
      %cond3A_298 = arith.cmpi ne, %convert_element_type3A_296, %cond3A_297 : i32
      scf.if %cond3A_298 {
        %add3A_299 = arith.constant 1 : i32
        %add3A_300 = arith.addi %add3A_270, %add3A_299 : i32
        %min3A = arith.constant 49 : i32
        %min3A_301 = arith.minsi %add3A_300, %min3A : i32
        %dma_start3A_302 = arith.constant 0 : i32
        %dma_start3A_303 = tpu.memref_slice %arg6[%min3A_301, %dma_start3A_302] : memref<50x100xi32, #tpu.memory_space<vmem>> -> memref<1x100xi32, #tpu.memory_space<vmem>>
        %dma_start3A_304 = tpu.memref_squeeze %dma_start3A_303 : memref<1x100xi32, #tpu.memory_space<vmem>> -> memref<100xi32, #tpu.memory_space<vmem>>
        %dma_start3A_305 = arith.constant 0 : i32
        %dma_start3A_306 = arith.constant 0 : i32
        %dma_start3A_307 = tpu.memref_slice %arg2[%dma_start3A_305, %dma_start3A_306] : memref<10000x128xf32, #tpu.memory_space<hbm>> -> memref<10000x128xf32, #tpu.memory_space<hbm>>
        tpu.enqueue_indirect_dma source(%dma_start3A_307 : memref<10000x128xf32, #tpu.memory_space<hbm>>) target(%arg8 : memref<100x128xf32, #tpu.memory_space<vmem>>) offsets(%dma_start3A_304 : memref<100xi32, #tpu.memory_space<vmem>>) semaphore(%arg12 : memref<!tpu.dma_semaphore, #tpu.memory_space<semaphore_mem>>)
      } else {
      }
    }
    %scan3A_53 = arith.constant 16 : i32
    %dma_wait3A_54 = arith.constant 48 : i32
    %dma_wait3A_55 = arith.constant 0 : i32
    %dma_wait3A_56 = tpu.memref_slice %arg6[%dma_wait3A_54, %dma_wait3A_55] : memref<50x100xi32, #tpu.memory_space<vmem>> -> memref<1x100xi32, #tpu.memory_space<vmem>>
    %dma_wait3A_57 = tpu.memref_squeeze %dma_wait3A_56 : memref<1x100xi32, #tpu.memory_space<vmem>> -> memref<100xi32, #tpu.memory_space<vmem>>
    %dma_wait3A_58 = arith.constant 0 : i32
    %dma_wait3A_59 = arith.constant 0 : i32
    %dma_wait3A_60 = tpu.memref_slice %arg2[%dma_wait3A_58, %dma_wait3A_59] : memref<10000x128xf32, #tpu.memory_space<hbm>> -> memref<10000x128xf32, #tpu.memory_space<hbm>>
    tpu.wait_indirect_dma semaphore(%arg12 : memref<!tpu.dma_semaphore, #tpu.memory_space<semaphore_mem>>) src(%dma_wait3A_60 : memref<10000x128xf32, #tpu.memory_space<hbm>>) dst(%arg8 : memref<100x128xf32, #tpu.memory_space<vmem>>)
    %dma_start3A_61 = arith.constant 48 : i32
    %dma_start3A_62 = arith.constant 0 : i32
    %dma_start3A_63 = tpu.memref_slice %arg7[%dma_start3A_61, %dma_start3A_62] : memref<50x100xi32, #tpu.memory_space<vmem>> -> memref<1x100xi32, #tpu.memory_space<vmem>>
    %dma_start3A_64 = tpu.memref_squeeze %dma_start3A_63 : memref<1x100xi32, #tpu.memory_space<vmem>> -> memref<100xi32, #tpu.memory_space<vmem>>
    %dma_start3A_65 = arith.constant 0 : i32
    %dma_start3A_66 = arith.constant 0 : i32
    %dma_start3A_67 = tpu.memref_slice %arg11[%dma_start3A_65, %dma_start3A_66] : memref<10000x128xf32, #tpu.memory_space<vmem_shared>> -> memref<10000x128xf32, #tpu.memory_space<vmem_shared>>
    tpu.enqueue_indirect_dma source(%arg8 : memref<100x128xf32, #tpu.memory_space<vmem>>) target(%dma_start3A_67 : memref<10000x128xf32, #tpu.memory_space<vmem_shared>>) offsets(%dma_start3A_64 : memref<100xi32, #tpu.memory_space<vmem>>) semaphore(%arg15 : memref<!tpu.dma_semaphore, #tpu.memory_space<semaphore_mem>>) {add = true}
    %dma_wait3A_68 = arith.constant 46 : i32
    %dma_wait3A_69 = arith.constant 0 : i32
    %dma_wait3A_70 = tpu.memref_slice %arg7[%dma_wait3A_68, %dma_wait3A_69] : memref<50x100xi32, #tpu.memory_space<vmem>> -> memref<1x100xi32, #tpu.memory_space<vmem>>
    %dma_wait3A_71 = tpu.memref_squeeze %dma_wait3A_70 : memref<1x100xi32, #tpu.memory_space<vmem>> -> memref<100xi32, #tpu.memory_space<vmem>>
    %dma_wait3A_72 = arith.constant 0 : i32
    %dma_wait3A_73 = arith.constant 0 : i32
    %dma_wait3A_74 = tpu.memref_slice %arg11[%dma_wait3A_72, %dma_wait3A_73] : memref<10000x128xf32, #tpu.memory_space<vmem_shared>> -> memref<10000x128xf32, #tpu.memory_space<vmem_shared>>
    tpu.wait_indirect_dma semaphore(%arg16 : memref<!tpu.dma_semaphore, #tpu.memory_space<semaphore_mem>>) src(%arg9 : memref<100x128xf32, #tpu.memory_space<vmem>>) dst(%dma_wait3A_74 : memref<10000x128xf32, #tpu.memory_space<vmem_shared>>)
    %dma_start3A_75 = arith.constant 49 : i32
    %dma_start3A_76 = arith.constant 0 : i32
    %dma_start3A_77 = tpu.memref_slice %arg6[%dma_start3A_75, %dma_start3A_76] : memref<50x100xi32, #tpu.memory_space<vmem>> -> memref<1x100xi32, #tpu.memory_space<vmem>>
    %dma_start3A_78 = tpu.memref_squeeze %dma_start3A_77 : memref<1x100xi32, #tpu.memory_space<vmem>> -> memref<100xi32, #tpu.memory_space<vmem>>
    %dma_start3A_79 = arith.constant 0 : i32
    %dma_start3A_80 = arith.constant 0 : i32
    %dma_start3A_81 = tpu.memref_slice %arg2[%dma_start3A_79, %dma_start3A_80] : memref<10000x128xf32, #tpu.memory_space<hbm>> -> memref<10000x128xf32, #tpu.memory_space<hbm>>
    tpu.enqueue_indirect_dma source(%dma_start3A_81 : memref<10000x128xf32, #tpu.memory_space<hbm>>) target(%arg9 : memref<100x128xf32, #tpu.memory_space<vmem>>) offsets(%dma_start3A_78 : memref<100xi32, #tpu.memory_space<vmem>>) semaphore(%arg13 : memref<!tpu.dma_semaphore, #tpu.memory_space<semaphore_mem>>)
    %dma_wait3A_82 = arith.constant 49 : i32
    %dma_wait3A_83 = arith.constant 0 : i32
    %dma_wait3A_84 = tpu.memref_slice %arg6[%dma_wait3A_82, %dma_wait3A_83] : memref<50x100xi32, #tpu.memory_space<vmem>> -> memref<1x100xi32, #tpu.memory_space<vmem>>
    %dma_wait3A_85 = tpu.memref_squeeze %dma_wait3A_84 : memref<1x100xi32, #tpu.memory_space<vmem>> -> memref<100xi32, #tpu.memory_space<vmem>>
    %dma_wait3A_86 = arith.constant 0 : i32
    %dma_wait3A_87 = arith.constant 0 : i32
    %dma_wait3A_88 = tpu.memref_slice %arg2[%dma_wait3A_86, %dma_wait3A_87] : memref<10000x128xf32, #tpu.memory_space<hbm>> -> memref<10000x128xf32, #tpu.memory_space<hbm>>
    tpu.wait_indirect_dma semaphore(%arg13 : memref<!tpu.dma_semaphore, #tpu.memory_space<semaphore_mem>>) src(%dma_wait3A_88 : memref<10000x128xf32, #tpu.memory_space<hbm>>) dst(%arg9 : memref<100x128xf32, #tpu.memory_space<vmem>>)
    %dma_start3A_89 = arith.constant 49 : i32
    %dma_start3A_90 = arith.constant 0 : i32
    %dma_start3A_91 = tpu.memref_slice %arg7[%dma_start3A_89, %dma_start3A_90] : memref<50x100xi32, #tpu.memory_space<vmem>> -> memref<1x100xi32, #tpu.memory_space<vmem>>
    %dma_start3A_92 = tpu.memref_squeeze %dma_start3A_91 : memref<1x100xi32, #tpu.memory_space<vmem>> -> memref<100xi32, #tpu.memory_space<vmem>>
    %dma_start3A_93 = arith.constant 0 : i32
    %dma_start3A_94 = arith.constant 0 : i32
    %dma_start3A_95 = tpu.memref_slice %arg11[%dma_start3A_93, %dma_start3A_94] : memref<10000x128xf32, #tpu.memory_space<vmem_shared>> -> memref<10000x128xf32, #tpu.memory_space<vmem_shared>>
    tpu.enqueue_indirect_dma source(%arg9 : memref<100x128xf32, #tpu.memory_space<vmem>>) target(%dma_start3A_95 : memref<10000x128xf32, #tpu.memory_space<vmem_shared>>) offsets(%dma_start3A_92 : memref<100xi32, #tpu.memory_space<vmem>>) semaphore(%arg16 : memref<!tpu.dma_semaphore, #tpu.memory_space<semaphore_mem>>) {add = true}
    %dma_wait3A_96 = arith.constant 47 : i32
    %dma_wait3A_97 = arith.constant 0 : i32
    %dma_wait3A_98 = tpu.memref_slice %arg7[%dma_wait3A_96, %dma_wait3A_97] : memref<50x100xi32, #tpu.memory_space<vmem>> -> memref<1x100xi32, #tpu.memory_space<vmem>>
    %dma_wait3A_99 = tpu.memref_squeeze %dma_wait3A_98 : memref<1x100xi32, #tpu.memory_space<vmem>> -> memref<100xi32, #tpu.memory_space<vmem>>
    %dma_wait3A_100 = arith.constant 0 : i32
    %dma_wait3A_101 = arith.constant 0 : i32
    %dma_wait3A_102 = tpu.memref_slice %arg11[%dma_wait3A_100, %dma_wait3A_101] : memref<10000x128xf32, #tpu.memory_space<vmem_shared>> -> memref<10000x128xf32, #tpu.memory_space<vmem_shared>>
    tpu.wait_indirect_dma semaphore(%arg17 : memref<!tpu.dma_semaphore, #tpu.memory_space<semaphore_mem>>) src(%arg10 : memref<100x128xf32, #tpu.memory_space<vmem>>) dst(%dma_wait3A_102 : memref<10000x128xf32, #tpu.memory_space<vmem_shared>>)
    %dma_wait3A_103 = arith.constant 48 : i32
    %dma_wait3A_104 = arith.constant 0 : i32
    %dma_wait3A_105 = tpu.memref_slice %arg7[%dma_wait3A_103, %dma_wait3A_104] : memref<50x100xi32, #tpu.memory_space<vmem>> -> memref<1x100xi32, #tpu.memory_space<vmem>>
    %dma_wait3A_106 = tpu.memref_squeeze %dma_wait3A_105 : memref<1x100xi32, #tpu.memory_space<vmem>> -> memref<100xi32, #tpu.memory_space<vmem>>
    %dma_wait3A_107 = arith.constant 0 : i32
    %dma_wait3A_108 = arith.constant 0 : i32
    %dma_wait3A_109 = tpu.memref_slice %arg11[%dma_wait3A_107, %dma_wait3A_108] : memref<10000x128xf32, #tpu.memory_space<vmem_shared>> -> memref<10000x128xf32, #tpu.memory_space<vmem_shared>>
    tpu.wait_indirect_dma semaphore(%arg15 : memref<!tpu.dma_semaphore, #tpu.memory_space<semaphore_mem>>) src(%arg8 : memref<100x128xf32, #tpu.memory_space<vmem>>) dst(%dma_wait3A_109 : memref<10000x128xf32, #tpu.memory_space<vmem_shared>>)
    %dma_wait3A_110 = arith.constant 49 : i32
    %dma_wait3A_111 = arith.constant 0 : i32
    %dma_wait3A_112 = tpu.memref_slice %arg7[%dma_wait3A_110, %dma_wait3A_111] : memref<50x100xi32, #tpu.memory_space<vmem>> -> memref<1x100xi32, #tpu.memory_space<vmem>>
    %dma_wait3A_113 = tpu.memref_squeeze %dma_wait3A_112 : memref<1x100xi32, #tpu.memory_space<vmem>> -> memref<100xi32, #tpu.memory_space<vmem>>
    %dma_wait3A_114 = arith.constant 0 : i32
    %dma_wait3A_115 = arith.constant 0 : i32
    %dma_wait3A_116 = tpu.memref_slice %arg11[%dma_wait3A_114, %dma_wait3A_115] : memref<10000x128xf32, #tpu.memory_space<vmem_shared>> -> memref<10000x128xf32, #tpu.memory_space<vmem_shared>>
    tpu.wait_indirect_dma semaphore(%arg16 : memref<!tpu.dma_semaphore, #tpu.memory_space<semaphore_mem>>) src(%arg9 : memref<100x128xf32, #tpu.memory_space<vmem>>) dst(%dma_wait3A_116 : memref<10000x128xf32, #tpu.memory_space<vmem_shared>>)
    %add3A_117 = arith.constant 50 : i32
    %add3A_118 = arith.addi %mul3A_2, %add3A_117 : i32
    %run_scoped3A = arith.constant 0 : i32
    "tpu.region"() ({
      %run_scoped3A_201 = tpu.sem_alloc : memref<!tpu.dma_semaphore, #tpu.memory_space<semaphore_mem>>
      %dma_start3A_202 = arith.constant 0 : i32
      %dma_start3A_203 = tpu.memref_slice %arg3[%run_scoped3A, %add3A_118, %dma_start3A_202] : memref<2x3200x100xi32, #tpu.memory_space<hbm>> -> memref<1x50x100xi32, #tpu.memory_space<hbm>>
      %dma_start3A_204 = tpu.memref_squeeze %dma_start3A_203 : memref<1x50x100xi32, #tpu.memory_space<hbm>> -> memref<50x100xi32, #tpu.memory_space<hbm>>
      %dma_start3A_205 = arith.constant 0 : i32
      %dma_start3A_206 = tpu.memref_slice %arg3[%run_scoped3A, %add3A_118, %dma_start3A_205] : memref<2x3200x100xi32, #tpu.memory_space<hbm>> -> memref<1x50x100xi32, #tpu.memory_space<hbm>>
      %dma_start3A_207 = tpu.memref_squeeze %dma_start3A_206 : memref<1x50x100xi32, #tpu.memory_space<hbm>> -> memref<50x100xi32, #tpu.memory_space<hbm>>
      tpu.enqueue_dma source(%dma_start3A_207 : memref<50x100xi32, #tpu.memory_space<hbm>>) target(%arg6 : memref<50x100xi32, #tpu.memory_space<vmem>>) target_semaphore(%run_scoped3A_201 : memref<!tpu.dma_semaphore, #tpu.memory_space<semaphore_mem>>)
      %dma_wait3A_208 = arith.constant 0 : i32
      %dma_wait3A_209 = tpu.memref_slice %arg3[%run_scoped3A, %add3A_118, %dma_wait3A_208] : memref<2x3200x100xi32, #tpu.memory_space<hbm>> -> memref<1x50x100xi32, #tpu.memory_space<hbm>>
      %dma_wait3A_210 = tpu.memref_squeeze %dma_wait3A_209 : memref<1x50x100xi32, #tpu.memory_space<hbm>> -> memref<50x100xi32, #tpu.memory_space<hbm>>
      %dma_wait3A_211 = arith.constant 0 : i32
      %dma_wait3A_212 = tpu.memref_slice %arg3[%run_scoped3A, %add3A_118, %dma_wait3A_211] : memref<2x3200x100xi32, #tpu.memory_space<hbm>> -> memref<1x50x100xi32, #tpu.memory_space<hbm>>
      %dma_wait3A_213 = tpu.memref_squeeze %dma_wait3A_212 : memref<1x50x100xi32, #tpu.memory_space<hbm>> -> memref<50x100xi32, #tpu.memory_space<hbm>>
      tpu.wait_dma2 semaphore(%run_scoped3A_201 : memref<!tpu.dma_semaphore, #tpu.memory_space<semaphore_mem>>) src(%dma_wait3A_213 : memref<50x100xi32, #tpu.memory_space<hbm>>) dst(%arg6 : memref<50x100xi32, #tpu.memory_space<vmem>>)
      tpu.yield
    }) : () -> ()
    %run_scoped3A_119 = arith.constant 1 : i32
    "tpu.region"() ({
      %run_scoped3A_201 = tpu.sem_alloc : memref<!tpu.dma_semaphore, #tpu.memory_space<semaphore_mem>>
      %dma_start3A_202 = arith.constant 0 : i32
      %dma_start3A_203 = tpu.memref_slice %arg3[%run_scoped3A_119, %add3A_118, %dma_start3A_202] : memref<2x3200x100xi32, #tpu.memory_space<hbm>> -> memref<1x50x100xi32, #tpu.memory_space<hbm>>
      %dma_start3A_204 = tpu.memref_squeeze %dma_start3A_203 : memref<1x50x100xi32, #tpu.memory_space<hbm>> -> memref<50x100xi32, #tpu.memory_space<hbm>>
      %dma_start3A_205 = arith.constant 0 : i32
      %dma_start3A_206 = tpu.memref_slice %arg3[%run_scoped3A_119, %add3A_118, %dma_start3A_205] : memref<2x3200x100xi32, #tpu.memory_space<hbm>> -> memref<1x50x100xi32, #tpu.memory_space<hbm>>
      %dma_start3A_207 = tpu.memref_squeeze %dma_start3A_206 : memref<1x50x100xi32, #tpu.memory_space<hbm>> -> memref<50x100xi32, #tpu.memory_space<hbm>>
      tpu.enqueue_dma source(%dma_start3A_207 : memref<50x100xi32, #tpu.memory_space<hbm>>) target(%arg7 : memref<50x100xi32, #tpu.memory_space<vmem>>) target_semaphore(%run_scoped3A_201 : memref<!tpu.dma_semaphore, #tpu.memory_space<semaphore_mem>>)
      %dma_wait3A_208 = arith.constant 0 : i32
      %dma_wait3A_209 = tpu.memref_slice %arg3[%run_scoped3A_119, %add3A_118, %dma_wait3A_208] : memref<2x3200x100xi32, #tpu.memory_space<hbm>> -> memref<1x50x100xi32, #tpu.memory_space<hbm>>
      %dma_wait3A_210 = tpu.memref_squeeze %dma_wait3A_209 : memref<1x50x100xi32, #tpu.memory_space<hbm>> -> memref<50x100xi32, #tpu.memory_space<hbm>>
      %dma_wait3A_211 = arith.constant 0 : i32
      %dma_wait3A_212 = tpu.memref_slice %arg3[%run_scoped3A_119, %add3A_118, %dma_wait3A_211] : memref<2x3200x100xi32, #tpu.memory_space<hbm>> -> memref<1x50x100xi32, #tpu.memory_space<hbm>>
      %dma_wait3A_213 = tpu.memref_squeeze %dma_wait3A_212 : memref<1x50x100xi32, #tpu.memory_space<hbm>> -> memref<50x100xi32, #tpu.memory_space<hbm>>
      tpu.wait_dma2 semaphore(%run_scoped3A_201 : memref<!tpu.dma_semaphore, #tpu.memory_space<semaphore_mem>>) src(%dma_wait3A_213 : memref<50x100xi32, #tpu.memory_space<hbm>>) dst(%arg7 : memref<50x100xi32, #tpu.memory_space<vmem>>)
      tpu.yield
    }) : () -> ()
    %dma_start3A_120 = arith.constant 0 : i32
    %dma_start3A_121 = arith.constant 0 : i32
    %dma_start3A_122 = tpu.memref_slice %arg6[%dma_start3A_120, %dma_start3A_121] : memref<50x100xi32, #tpu.memory_space<vmem>> -> memref<1x100xi32, #tpu.memory_space<vmem>>
    %dma_start3A_123 = tpu.memref_squeeze %dma_start3A_122 : memref<1x100xi32, #tpu.memory_space<vmem>> -> memref<100xi32, #tpu.memory_space<vmem>>
    %dma_start3A_124 = arith.constant 0 : i32
    %dma_start3A_125 = arith.constant 0 : i32
    %dma_start3A_126 = tpu.memref_slice %arg2[%dma_start3A_124, %dma_start3A_125] : memref<10000x128xf32, #tpu.memory_space<hbm>> -> memref<10000x128xf32, #tpu.memory_space<hbm>>
    tpu.enqueue_indirect_dma source(%dma_start3A_126 : memref<10000x128xf32, #tpu.memory_space<hbm>>) target(%arg8 : memref<100x128xf32, #tpu.memory_space<vmem>>) offsets(%dma_start3A_123 : memref<100xi32, #tpu.memory_space<vmem>>) semaphore(%arg12 : memref<!tpu.dma_semaphore, #tpu.memory_space<semaphore_mem>>)
    %scan3A_127 = arith.constant 0 : i32
    %scan3A_128 = arith.constant 16 : i32
    %scan3A_129 = arith.addi %scan3A_127, %scan3A_128 : i32
    %scan3A_130 = arith.constant 1 : i32
    scf.for %scan3A_201 = %scan3A_127 to %scan3A_129 step %scan3A_130  : i32 {
      %mul3A_202 = arith.constant 1 : i32
      %mul3A_203 = arith.muli %scan3A_201, %mul3A_202 : i32
      %add3A_204 = arith.constant 0 : i32
      %add3A_205 = arith.addi %add3A_204, %mul3A_203 : i32
      %mul3A_206 = arith.constant 3 : i32
      %mul3A_207 = arith.muli %add3A_205, %mul3A_206 : i32
      %add3A_208 = arith.constant 0 : i32
      %add3A_209 = arith.addi %mul3A_207, %add3A_208 : i32
      %dma_wait3A_210 = arith.constant 0 : i32
      %dma_wait3A_211 = tpu.memref_slice %arg6[%add3A_209, %dma_wait3A_210] : memref<50x100xi32, #tpu.memory_space<vmem>> -> memref<1x100xi32, #tpu.memory_space<vmem>>
      %dma_wait3A_212 = tpu.memref_squeeze %dma_wait3A_211 : memref<1x100xi32, #tpu.memory_space<vmem>> -> memref<100xi32, #tpu.memory_space<vmem>>
      %dma_wait3A_213 = arith.constant 0 : i32
      %dma_wait3A_214 = arith.constant 0 : i32
      %dma_wait3A_215 = tpu.memref_slice %arg2[%dma_wait3A_213, %dma_wait3A_214] : memref<10000x128xf32, #tpu.memory_space<hbm>> -> memref<10000x128xf32, #tpu.memory_space<hbm>>
      tpu.wait_indirect_dma semaphore(%arg12 : memref<!tpu.dma_semaphore, #tpu.memory_space<semaphore_mem>>) src(%dma_wait3A_215 : memref<10000x128xf32, #tpu.memory_space<hbm>>) dst(%arg8 : memref<100x128xf32, #tpu.memory_space<vmem>>)
      %dma_start3A_216 = arith.constant 0 : i32
      %dma_start3A_217 = tpu.memref_slice %arg7[%add3A_209, %dma_start3A_216] : memref<50x100xi32, #tpu.memory_space<vmem>> -> memref<1x100xi32, #tpu.memory_space<vmem>>
      %dma_start3A_218 = tpu.memref_squeeze %dma_start3A_217 : memref<1x100xi32, #tpu.memory_space<vmem>> -> memref<100xi32, #tpu.memory_space<vmem>>
      %dma_start3A_219 = arith.constant 0 : i32
      %dma_start3A_220 = arith.constant 0 : i32
      %dma_start3A_221 = tpu.memref_slice %arg11[%dma_start3A_219, %dma_start3A_220] : memref<10000x128xf32, #tpu.memory_space<vmem_shared>> -> memref<10000x128xf32, #tpu.memory_space<vmem_shared>>
      tpu.enqueue_indirect_dma source(%arg8 : memref<100x128xf32, #tpu.memory_space<vmem>>) target(%dma_start3A_221 : memref<10000x128xf32, #tpu.memory_space<vmem_shared>>) offsets(%dma_start3A_218 : memref<100xi32, #tpu.memory_space<vmem>>) semaphore(%arg15 : memref<!tpu.dma_semaphore, #tpu.memory_space<semaphore_mem>>) {add = true}
      %add3A_222 = arith.constant 1 : i32
      %add3A_223 = arith.addi %add3A_209, %add3A_222 : i32
      %sub3A = arith.constant 3 : i32
      %sub3A_224 = arith.subi %add3A_223, %sub3A : i32
      %ge3A = arith.constant 0 : i32
      %ge3A_225 = arith.cmpi sge, %sub3A_224, %ge3A : i32
      %convert_element_type3A_226 = arith.extui %ge3A_225 : i1 to i32
      %cond3A_227 = arith.constant 0 : i32
      %cond3A_228 = arith.cmpi ne, %convert_element_type3A_226, %cond3A_227 : i32
      scf.if %cond3A_228 {
        %add3A_299 = arith.constant 1 : i32
        %add3A_300 = arith.addi %add3A_209, %add3A_299 : i32
        %sub3A_301 = arith.constant 3 : i32
        %sub3A_302 = arith.subi %add3A_300, %sub3A_301 : i32
        %max3A = arith.constant 0 : i32
        %max3A_303 = arith.maxsi %sub3A_302, %max3A : i32
        %dma_wait3A_304 = arith.constant 0 : i32
        %dma_wait3A_305 = tpu.memref_slice %arg7[%max3A_303, %dma_wait3A_304] : memref<50x100xi32, #tpu.memory_space<vmem>> -> memref<1x100xi32, #tpu.memory_space<vmem>>
        %dma_wait3A_306 = tpu.memref_squeeze %dma_wait3A_305 : memref<1x100xi32, #tpu.memory_space<vmem>> -> memref<100xi32, #tpu.memory_space<vmem>>
        %dma_wait3A_307 = arith.constant 0 : i32
        %dma_wait3A_308 = arith.constant 0 : i32
        %dma_wait3A_309 = tpu.memref_slice %arg11[%dma_wait3A_307, %dma_wait3A_308] : memref<10000x128xf32, #tpu.memory_space<vmem_shared>> -> memref<10000x128xf32, #tpu.memory_space<vmem_shared>>
        tpu.wait_indirect_dma semaphore(%arg16 : memref<!tpu.dma_semaphore, #tpu.memory_space<semaphore_mem>>) src(%arg9 : memref<100x128xf32, #tpu.memory_space<vmem>>) dst(%dma_wait3A_309 : memref<10000x128xf32, #tpu.memory_space<vmem_shared>>)
      } else {
      }
      %add3A_229 = arith.constant 1 : i32
      %add3A_230 = arith.addi %add3A_209, %add3A_229 : i32
      %lt3A = arith.constant 50 : i32
      %lt3A_231 = arith.cmpi slt, %add3A_230, %lt3A : i32
      %convert_element_type3A_232 = arith.extui %lt3A_231 : i1 to i32
      %cond3A_233 = arith.constant 0 : i32
      %cond3A_234 = arith.cmpi ne, %convert_element_type3A_232, %cond3A_233 : i32
      scf.if %cond3A_234 {
        %add3A_299 = arith.constant 1 : i32
        %add3A_300 = arith.addi %add3A_209, %add3A_299 : i32
        %min3A = arith.constant 49 : i32
        %min3A_301 = arith.minsi %add3A_300, %min3A : i32
        %dma_start3A_302 = arith.constant 0 : i32
        %dma_start3A_303 = tpu.memref_slice %arg6[%min3A_301, %dma_start3A_302] : memref<50x100xi32, #tpu.memory_space<vmem>> -> memref<1x100xi32, #tpu.memory_space<vmem>>
        %dma_start3A_304 = tpu.memref_squeeze %dma_start3A_303 : memref<1x100xi32, #tpu.memory_space<vmem>> -> memref<100xi32, #tpu.memory_space<vmem>>
        %dma_start3A_305 = arith.constant 0 : i32
        %dma_start3A_306 = arith.constant 0 : i32
        %dma_start3A_307 = tpu.memref_slice %arg2[%dma_start3A_305, %dma_start3A_306] : memref<10000x128xf32, #tpu.memory_space<hbm>> -> memref<10000x128xf32, #tpu.memory_space<hbm>>
        tpu.enqueue_indirect_dma source(%dma_start3A_307 : memref<10000x128xf32, #tpu.memory_space<hbm>>) target(%arg9 : memref<100x128xf32, #tpu.memory_space<vmem>>) offsets(%dma_start3A_304 : memref<100xi32, #tpu.memory_space<vmem>>) semaphore(%arg13 : memref<!tpu.dma_semaphore, #tpu.memory_space<semaphore_mem>>)
      } else {
      }
      %mul3A_235 = arith.constant 3 : i32
      %mul3A_236 = arith.muli %add3A_205, %mul3A_235 : i32
      %add3A_237 = arith.constant 1 : i32
      %add3A_238 = arith.addi %mul3A_236, %add3A_237 : i32
      %dma_wait3A_239 = arith.constant 0 : i32
      %dma_wait3A_240 = tpu.memref_slice %arg6[%add3A_238, %dma_wait3A_239] : memref<50x100xi32, #tpu.memory_space<vmem>> -> memref<1x100xi32, #tpu.memory_space<vmem>>
      %dma_wait3A_241 = tpu.memref_squeeze %dma_wait3A_240 : memref<1x100xi32, #tpu.memory_space<vmem>> -> memref<100xi32, #tpu.memory_space<vmem>>
      %dma_wait3A_242 = arith.constant 0 : i32
      %dma_wait3A_243 = arith.constant 0 : i32
      %dma_wait3A_244 = tpu.memref_slice %arg2[%dma_wait3A_242, %dma_wait3A_243] : memref<10000x128xf32, #tpu.memory_space<hbm>> -> memref<10000x128xf32, #tpu.memory_space<hbm>>
      tpu.wait_indirect_dma semaphore(%arg13 : memref<!tpu.dma_semaphore, #tpu.memory_space<semaphore_mem>>) src(%dma_wait3A_244 : memref<10000x128xf32, #tpu.memory_space<hbm>>) dst(%arg9 : memref<100x128xf32, #tpu.memory_space<vmem>>)
      %dma_start3A_245 = arith.constant 0 : i32
      %dma_start3A_246 = tpu.memref_slice %arg7[%add3A_238, %dma_start3A_245] : memref<50x100xi32, #tpu.memory_space<vmem>> -> memref<1x100xi32, #tpu.memory_space<vmem>>
      %dma_start3A_247 = tpu.memref_squeeze %dma_start3A_246 : memref<1x100xi32, #tpu.memory_space<vmem>> -> memref<100xi32, #tpu.memory_space<vmem>>
      %dma_start3A_248 = arith.constant 0 : i32
      %dma_start3A_249 = arith.constant 0 : i32
      %dma_start3A_250 = tpu.memref_slice %arg11[%dma_start3A_248, %dma_start3A_249] : memref<10000x128xf32, #tpu.memory_space<vmem_shared>> -> memref<10000x128xf32, #tpu.memory_space<vmem_shared>>
      tpu.enqueue_indirect_dma source(%arg9 : memref<100x128xf32, #tpu.memory_space<vmem>>) target(%dma_start3A_250 : memref<10000x128xf32, #tpu.memory_space<vmem_shared>>) offsets(%dma_start3A_247 : memref<100xi32, #tpu.memory_space<vmem>>) semaphore(%arg16 : memref<!tpu.dma_semaphore, #tpu.memory_space<semaphore_mem>>) {add = true}
      %add3A_251 = arith.constant 1 : i32
      %add3A_252 = arith.addi %add3A_238, %add3A_251 : i32
      %sub3A_253 = arith.constant 3 : i32
      %sub3A_254 = arith.subi %add3A_252, %sub3A_253 : i32
      %ge3A_255 = arith.constant 0 : i32
      %ge3A_256 = arith.cmpi sge, %sub3A_254, %ge3A_255 : i32
      %convert_element_type3A_257 = arith.extui %ge3A_256 : i1 to i32
      %cond3A_258 = arith.constant 0 : i32
      %cond3A_259 = arith.cmpi ne, %convert_element_type3A_257, %cond3A_258 : i32
      scf.if %cond3A_259 {
        %add3A_299 = arith.constant 1 : i32
        %add3A_300 = arith.addi %add3A_238, %add3A_299 : i32
        %sub3A_301 = arith.constant 3 : i32
        %sub3A_302 = arith.subi %add3A_300, %sub3A_301 : i32
        %max3A = arith.constant 0 : i32
        %max3A_303 = arith.maxsi %sub3A_302, %max3A : i32
        %dma_wait3A_304 = arith.constant 0 : i32
        %dma_wait3A_305 = tpu.memref_slice %arg7[%max3A_303, %dma_wait3A_304] : memref<50x100xi32, #tpu.memory_space<vmem>> -> memref<1x100xi32, #tpu.memory_space<vmem>>
        %dma_wait3A_306 = tpu.memref_squeeze %dma_wait3A_305 : memref<1x100xi32, #tpu.memory_space<vmem>> -> memref<100xi32, #tpu.memory_space<vmem>>
        %dma_wait3A_307 = arith.constant 0 : i32
        %dma_wait3A_308 = arith.constant 0 : i32
        %dma_wait3A_309 = tpu.memref_slice %arg11[%dma_wait3A_307, %dma_wait3A_308] : memref<10000x128xf32, #tpu.memory_space<vmem_shared>> -> memref<10000x128xf32, #tpu.memory_space<vmem_shared>>
        tpu.wait_indirect_dma semaphore(%arg17 : memref<!tpu.dma_semaphore, #tpu.memory_space<semaphore_mem>>) src(%arg10 : memref<100x128xf32, #tpu.memory_space<vmem>>) dst(%dma_wait3A_309 : memref<10000x128xf32, #tpu.memory_space<vmem_shared>>)
      } else {
      }
      %add3A_260 = arith.constant 1 : i32
      %add3A_261 = arith.addi %add3A_238, %add3A_260 : i32
      %lt3A_262 = arith.constant 50 : i32
      %lt3A_263 = arith.cmpi slt, %add3A_261, %lt3A_262 : i32
      %convert_element_type3A_264 = arith.extui %lt3A_263 : i1 to i32
      %cond3A_265 = arith.constant 0 : i32
      %cond3A_266 = arith.cmpi ne, %convert_element_type3A_264, %cond3A_265 : i32
      scf.if %cond3A_266 {
        %add3A_299 = arith.constant 1 : i32
        %add3A_300 = arith.addi %add3A_238, %add3A_299 : i32
        %min3A = arith.constant 49 : i32
        %min3A_301 = arith.minsi %add3A_300, %min3A : i32
        %dma_start3A_302 = arith.constant 0 : i32
        %dma_start3A_303 = tpu.memref_slice %arg6[%min3A_301, %dma_start3A_302] : memref<50x100xi32, #tpu.memory_space<vmem>> -> memref<1x100xi32, #tpu.memory_space<vmem>>
        %dma_start3A_304 = tpu.memref_squeeze %dma_start3A_303 : memref<1x100xi32, #tpu.memory_space<vmem>> -> memref<100xi32, #tpu.memory_space<vmem>>
        %dma_start3A_305 = arith.constant 0 : i32
        %dma_start3A_306 = arith.constant 0 : i32
        %dma_start3A_307 = tpu.memref_slice %arg2[%dma_start3A_305, %dma_start3A_306] : memref<10000x128xf32, #tpu.memory_space<hbm>> -> memref<10000x128xf32, #tpu.memory_space<hbm>>
        tpu.enqueue_indirect_dma source(%dma_start3A_307 : memref<10000x128xf32, #tpu.memory_space<hbm>>) target(%arg10 : memref<100x128xf32, #tpu.memory_space<vmem>>) offsets(%dma_start3A_304 : memref<100xi32, #tpu.memory_space<vmem>>) semaphore(%arg14 : memref<!tpu.dma_semaphore, #tpu.memory_space<semaphore_mem>>)
      } else {
      }
      %mul3A_267 = arith.constant 3 : i32
      %mul3A_268 = arith.muli %add3A_205, %mul3A_267 : i32
      %add3A_269 = arith.constant 2 : i32
      %add3A_270 = arith.addi %mul3A_268, %add3A_269 : i32
      %dma_wait3A_271 = arith.constant 0 : i32
      %dma_wait3A_272 = tpu.memref_slice %arg6[%add3A_270, %dma_wait3A_271] : memref<50x100xi32, #tpu.memory_space<vmem>> -> memref<1x100xi32, #tpu.memory_space<vmem>>
      %dma_wait3A_273 = tpu.memref_squeeze %dma_wait3A_272 : memref<1x100xi32, #tpu.memory_space<vmem>> -> memref<100xi32, #tpu.memory_space<vmem>>
      %dma_wait3A_274 = arith.constant 0 : i32
      %dma_wait3A_275 = arith.constant 0 : i32
      %dma_wait3A_276 = tpu.memref_slice %arg2[%dma_wait3A_274, %dma_wait3A_275] : memref<10000x128xf32, #tpu.memory_space<hbm>> -> memref<10000x128xf32, #tpu.memory_space<hbm>>
      tpu.wait_indirect_dma semaphore(%arg14 : memref<!tpu.dma_semaphore, #tpu.memory_space<semaphore_mem>>) src(%dma_wait3A_276 : memref<10000x128xf32, #tpu.memory_space<hbm>>) dst(%arg10 : memref<100x128xf32, #tpu.memory_space<vmem>>)
      %dma_start3A_277 = arith.constant 0 : i32
      %dma_start3A_278 = tpu.memref_slice %arg7[%add3A_270, %dma_start3A_277] : memref<50x100xi32, #tpu.memory_space<vmem>> -> memref<1x100xi32, #tpu.memory_space<vmem>>
      %dma_start3A_279 = tpu.memref_squeeze %dma_start3A_278 : memref<1x100xi32, #tpu.memory_space<vmem>> -> memref<100xi32, #tpu.memory_space<vmem>>
      %dma_start3A_280 = arith.constant 0 : i32
      %dma_start3A_281 = arith.constant 0 : i32
      %dma_start3A_282 = tpu.memref_slice %arg11[%dma_start3A_280, %dma_start3A_281] : memref<10000x128xf32, #tpu.memory_space<vmem_shared>> -> memref<10000x128xf32, #tpu.memory_space<vmem_shared>>
      tpu.enqueue_indirect_dma source(%arg10 : memref<100x128xf32, #tpu.memory_space<vmem>>) target(%dma_start3A_282 : memref<10000x128xf32, #tpu.memory_space<vmem_shared>>) offsets(%dma_start3A_279 : memref<100xi32, #tpu.memory_space<vmem>>) semaphore(%arg17 : memref<!tpu.dma_semaphore, #tpu.memory_space<semaphore_mem>>) {add = true}
      %add3A_283 = arith.constant 1 : i32
      %add3A_284 = arith.addi %add3A_270, %add3A_283 : i32
      %sub3A_285 = arith.constant 3 : i32
      %sub3A_286 = arith.subi %add3A_284, %sub3A_285 : i32
      %ge3A_287 = arith.constant 0 : i32
      %ge3A_288 = arith.cmpi sge, %sub3A_286, %ge3A_287 : i32
      %convert_element_type3A_289 = arith.extui %ge3A_288 : i1 to i32
      %cond3A_290 = arith.constant 0 : i32
      %cond3A_291 = arith.cmpi ne, %convert_element_type3A_289, %cond3A_290 : i32
      scf.if %cond3A_291 {
        %add3A_299 = arith.constant 1 : i32
        %add3A_300 = arith.addi %add3A_270, %add3A_299 : i32
        %sub3A_301 = arith.constant 3 : i32
        %sub3A_302 = arith.subi %add3A_300, %sub3A_301 : i32
        %max3A = arith.constant 0 : i32
        %max3A_303 = arith.maxsi %sub3A_302, %max3A : i32
        %dma_wait3A_304 = arith.constant 0 : i32
        %dma_wait3A_305 = tpu.memref_slice %arg7[%max3A_303, %dma_wait3A_304] : memref<50x100xi32, #tpu.memory_space<vmem>> -> memref<1x100xi32, #tpu.memory_space<vmem>>
        %dma_wait3A_306 = tpu.memref_squeeze %dma_wait3A_305 : memref<1x100xi32, #tpu.memory_space<vmem>> -> memref<100xi32, #tpu.memory_space<vmem>>
        %dma_wait3A_307 = arith.constant 0 : i32
        %dma_wait3A_308 = arith.constant 0 : i32
        %dma_wait3A_309 = tpu.memref_slice %arg11[%dma_wait3A_307, %dma_wait3A_308] : memref<10000x128xf32, #tpu.memory_space<vmem_shared>> -> memref<10000x128xf32, #tpu.memory_space<vmem_shared>>
        tpu.wait_indirect_dma semaphore(%arg15 : memref<!tpu.dma_semaphore, #tpu.memory_space<semaphore_mem>>) src(%arg8 : memref<100x128xf32, #tpu.memory_space<vmem>>) dst(%dma_wait3A_309 : memref<10000x128xf32, #tpu.memory_space<vmem_shared>>)
      } else {
      }
      %add3A_292 = arith.constant 1 : i32
      %add3A_293 = arith.addi %add3A_270, %add3A_292 : i32
      %lt3A_294 = arith.constant 50 : i32
      %lt3A_295 = arith.cmpi slt, %add3A_293, %lt3A_294 : i32
      %convert_element_type3A_296 = arith.extui %lt3A_295 : i1 to i32
      %cond3A_297 = arith.constant 0 : i32
      %cond3A_298 = arith.cmpi ne, %convert_element_type3A_296, %cond3A_297 : i32
      scf.if %cond3A_298 {
        %add3A_299 = arith.constant 1 : i32
        %add3A_300 = arith.addi %add3A_270, %add3A_299 : i32
        %min3A = arith.constant 49 : i32
        %min3A_301 = arith.minsi %add3A_300, %min3A : i32
        %dma_start3A_302 = arith.constant 0 : i32
        %dma_start3A_303 = tpu.memref_slice %arg6[%min3A_301, %dma_start3A_302] : memref<50x100xi32, #tpu.memory_space<vmem>> -> memref<1x100xi32, #tpu.memory_space<vmem>>
        %dma_start3A_304 = tpu.memref_squeeze %dma_start3A_303 : memref<1x100xi32, #tpu.memory_space<vmem>> -> memref<100xi32, #tpu.memory_space<vmem>>
        %dma_start3A_305 = arith.constant 0 : i32
        %dma_start3A_306 = arith.constant 0 : i32
        %dma_start3A_307 = tpu.memref_slice %arg2[%dma_start3A_305, %dma_start3A_306] : memref<10000x128xf32, #tpu.memory_space<hbm>> -> memref<10000x128xf32, #tpu.memory_space<hbm>>
        tpu.enqueue_indirect_dma source(%dma_start3A_307 : memref<10000x128xf32, #tpu.memory_space<hbm>>) target(%arg8 : memref<100x128xf32, #tpu.memory_space<vmem>>) offsets(%dma_start3A_304 : memref<100xi32, #tpu.memory_space<vmem>>) semaphore(%arg12 : memref<!tpu.dma_semaphore, #tpu.memory_space<semaphore_mem>>)
      } else {
      }
    }
    %scan3A_131 = arith.constant 16 : i32
    %dma_wait3A_132 = arith.constant 48 : i32
    %dma_wait3A_133 = arith.constant 0 : i32
    %dma_wait3A_134 = tpu.memref_slice %arg6[%dma_wait3A_132, %dma_wait3A_133] : memref<50x100xi32, #tpu.memory_space<vmem>> -> memref<1x100xi32, #tpu.memory_space<vmem>>
    %dma_wait3A_135 = tpu.memref_squeeze %dma_wait3A_134 : memref<1x100xi32, #tpu.memory_space<vmem>> -> memref<100xi32, #tpu.memory_space<vmem>>
    %dma_wait3A_136 = arith.constant 0 : i32
    %dma_wait3A_137 = arith.constant 0 : i32
    %dma_wait3A_138 = tpu.memref_slice %arg2[%dma_wait3A_136, %dma_wait3A_137] : memref<10000x128xf32, #tpu.memory_space<hbm>> -> memref<10000x128xf32, #tpu.memory_space<hbm>>
    tpu.wait_indirect_dma semaphore(%arg12 : memref<!tpu.dma_semaphore, #tpu.memory_space<semaphore_mem>>) src(%dma_wait3A_138 : memref<10000x128xf32, #tpu.memory_space<hbm>>) dst(%arg8 : memref<100x128xf32, #tpu.memory_space<vmem>>)
    %dma_start3A_139 = arith.constant 48 : i32
    %dma_start3A_140 = arith.constant 0 : i32
    %dma_start3A_141 = tpu.memref_slice %arg7[%dma_start3A_139, %dma_start3A_140] : memref<50x100xi32, #tpu.memory_space<vmem>> -> memref<1x100xi32, #tpu.memory_space<vmem>>
    %dma_start3A_142 = tpu.memref_squeeze %dma_start3A_141 : memref<1x100xi32, #tpu.memory_space<vmem>> -> memref<100xi32, #tpu.memory_space<vmem>>
    %dma_start3A_143 = arith.constant 0 : i32
    %dma_start3A_144 = arith.constant 0 : i32
    %dma_start3A_145 = tpu.memref_slice %arg11[%dma_start3A_143, %dma_start3A_144] : memref<10000x128xf32, #tpu.memory_space<vmem_shared>> -> memref<10000x128xf32, #tpu.memory_space<vmem_shared>>
    tpu.enqueue_indirect_dma source(%arg8 : memref<100x128xf32, #tpu.memory_space<vmem>>) target(%dma_start3A_145 : memref<10000x128xf32, #tpu.memory_space<vmem_shared>>) offsets(%dma_start3A_142 : memref<100xi32, #tpu.memory_space<vmem>>) semaphore(%arg15 : memref<!tpu.dma_semaphore, #tpu.memory_space<semaphore_mem>>) {add = true}
    %dma_wait3A_146 = arith.constant 46 : i32
    %dma_wait3A_147 = arith.constant 0 : i32
    %dma_wait3A_148 = tpu.memref_slice %arg7[%dma_wait3A_146, %dma_wait3A_147] : memref<50x100xi32, #tpu.memory_space<vmem>> -> memref<1x100xi32, #tpu.memory_space<vmem>>
    %dma_wait3A_149 = tpu.memref_squeeze %dma_wait3A_148 : memref<1x100xi32, #tpu.memory_space<vmem>> -> memref<100xi32, #tpu.memory_space<vmem>>
    %dma_wait3A_150 = arith.constant 0 : i32
    %dma_wait3A_151 = arith.constant 0 : i32
    %dma_wait3A_152 = tpu.memref_slice %arg11[%dma_wait3A_150, %dma_wait3A_151] : memref<10000x128xf32, #tpu.memory_space<vmem_shared>> -> memref<10000x128xf32, #tpu.memory_space<vmem_shared>>
    tpu.wait_indirect_dma semaphore(%arg16 : memref<!tpu.dma_semaphore, #tpu.memory_space<semaphore_mem>>) src(%arg9 : memref<100x128xf32, #tpu.memory_space<vmem>>) dst(%dma_wait3A_152 : memref<10000x128xf32, #tpu.memory_space<vmem_shared>>)
    %dma_start3A_153 = arith.constant 49 : i32
    %dma_start3A_154 = arith.constant 0 : i32
    %dma_start3A_155 = tpu.memref_slice %arg6[%dma_start3A_153, %dma_start3A_154] : memref<50x100xi32, #tpu.memory_space<vmem>> -> memref<1x100xi32, #tpu.memory_space<vmem>>
    %dma_start3A_156 = tpu.memref_squeeze %dma_start3A_155 : memref<1x100xi32, #tpu.memory_space<vmem>> -> memref<100xi32, #tpu.memory_space<vmem>>
    %dma_start3A_157 = arith.constant 0 : i32
    %dma_start3A_158 = arith.constant 0 : i32
    %dma_start3A_159 = tpu.memref_slice %arg2[%dma_start3A_157, %dma_start3A_158] : memref<10000x128xf32, #tpu.memory_space<hbm>> -> memref<10000x128xf32, #tpu.memory_space<hbm>>
    tpu.enqueue_indirect_dma source(%dma_start3A_159 : memref<10000x128xf32, #tpu.memory_space<hbm>>) target(%arg9 : memref<100x128xf32, #tpu.memory_space<vmem>>) offsets(%dma_start3A_156 : memref<100xi32, #tpu.memory_space<vmem>>) semaphore(%arg13 : memref<!tpu.dma_semaphore, #tpu.memory_space<semaphore_mem>>)
    %dma_wait3A_160 = arith.constant 49 : i32
    %dma_wait3A_161 = arith.constant 0 : i32
    %dma_wait3A_162 = tpu.memref_slice %arg6[%dma_wait3A_160, %dma_wait3A_161] : memref<50x100xi32, #tpu.memory_space<vmem>> -> memref<1x100xi32, #tpu.memory_space<vmem>>
    %dma_wait3A_163 = tpu.memref_squeeze %dma_wait3A_162 : memref<1x100xi32, #tpu.memory_space<vmem>> -> memref<100xi32, #tpu.memory_space<vmem>>
    %dma_wait3A_164 = arith.constant 0 : i32
    %dma_wait3A_165 = arith.constant 0 : i32
    %dma_wait3A_166 = tpu.memref_slice %arg2[%dma_wait3A_164, %dma_wait3A_165] : memref<10000x128xf32, #tpu.memory_space<hbm>> -> memref<10000x128xf32, #tpu.memory_space<hbm>>
    tpu.wait_indirect_dma semaphore(%arg13 : memref<!tpu.dma_semaphore, #tpu.memory_space<semaphore_mem>>) src(%dma_wait3A_166 : memref<10000x128xf32, #tpu.memory_space<hbm>>) dst(%arg9 : memref<100x128xf32, #tpu.memory_space<vmem>>)
    %dma_start3A_167 = arith.constant 49 : i32
    %dma_start3A_168 = arith.constant 0 : i32
    %dma_start3A_169 = tpu.memref_slice %arg7[%dma_start3A_167, %dma_start3A_168] : memref<50x100xi32, #tpu.memory_space<vmem>> -> memref<1x100xi32, #tpu.memory_space<vmem>>
    %dma_start3A_170 = tpu.memref_squeeze %dma_start3A_169 : memref<1x100xi32, #tpu.memory_space<vmem>> -> memref<100xi32, #tpu.memory_space<vmem>>
    %dma_start3A_171 = arith.constant 0 : i32
    %dma_start3A_172 = arith.constant 0 : i32
    %dma_start3A_173 = tpu.memref_slice %arg11[%dma_start3A_171, %dma_start3A_172] : memref<10000x128xf32, #tpu.memory_space<vmem_shared>> -> memref<10000x128xf32, #tpu.memory_space<vmem_shared>>
    tpu.enqueue_indirect_dma source(%arg9 : memref<100x128xf32, #tpu.memory_space<vmem>>) target(%dma_start3A_173 : memref<10000x128xf32, #tpu.memory_space<vmem_shared>>) offsets(%dma_start3A_170 : memref<100xi32, #tpu.memory_space<vmem>>) semaphore(%arg16 : memref<!tpu.dma_semaphore, #tpu.memory_space<semaphore_mem>>) {add = true}
    %dma_wait3A_174 = arith.constant 47 : i32
    %dma_wait3A_175 = arith.constant 0 : i32
    %dma_wait3A_176 = tpu.memref_slice %arg7[%dma_wait3A_174, %dma_wait3A_175] : memref<50x100xi32, #tpu.memory_space<vmem>> -> memref<1x100xi32, #tpu.memory_space<vmem>>
    %dma_wait3A_177 = tpu.memref_squeeze %dma_wait3A_176 : memref<1x100xi32, #tpu.memory_space<vmem>> -> memref<100xi32, #tpu.memory_space<vmem>>
    %dma_wait3A_178 = arith.constant 0 : i32
    %dma_wait3A_179 = arith.constant 0 : i32
    %dma_wait3A_180 = tpu.memref_slice %arg11[%dma_wait3A_178, %dma_wait3A_179] : memref<10000x128xf32, #tpu.memory_space<vmem_shared>> -> memref<10000x128xf32, #tpu.memory_space<vmem_shared>>
    tpu.wait_indirect_dma semaphore(%arg17 : memref<!tpu.dma_semaphore, #tpu.memory_space<semaphore_mem>>) src(%arg10 : memref<100x128xf32, #tpu.memory_space<vmem>>) dst(%dma_wait3A_180 : memref<10000x128xf32, #tpu.memory_space<vmem_shared>>)
    %dma_wait3A_181 = arith.constant 48 : i32
    %dma_wait3A_182 = arith.constant 0 : i32
    %dma_wait3A_183 = tpu.memref_slice %arg7[%dma_wait3A_181, %dma_wait3A_182] : memref<50x100xi32, #tpu.memory_space<vmem>> -> memref<1x100xi32, #tpu.memory_space<vmem>>
    %dma_wait3A_184 = tpu.memref_squeeze %dma_wait3A_183 : memref<1x100xi32, #tpu.memory_space<vmem>> -> memref<100xi32, #tpu.memory_space<vmem>>
    %dma_wait3A_185 = arith.constant 0 : i32
    %dma_wait3A_186 = arith.constant 0 : i32
    %dma_wait3A_187 = tpu.memref_slice %arg11[%dma_wait3A_185, %dma_wait3A_186] : memref<10000x128xf32, #tpu.memory_space<vmem_shared>> -> memref<10000x128xf32, #tpu.memory_space<vmem_shared>>
    tpu.wait_indirect_dma semaphore(%arg15 : memref<!tpu.dma_semaphore, #tpu.memory_space<semaphore_mem>>) src(%arg8 : memref<100x128xf32, #tpu.memory_space<vmem>>) dst(%dma_wait3A_187 : memref<10000x128xf32, #tpu.memory_space<vmem_shared>>)
    %dma_wait3A_188 = arith.constant 49 : i32
    %dma_wait3A_189 = arith.constant 0 : i32
    %dma_wait3A_190 = tpu.memref_slice %arg7[%dma_wait3A_188, %dma_wait3A_189] : memref<50x100xi32, #tpu.memory_space<vmem>> -> memref<1x100xi32, #tpu.memory_space<vmem>>
    %dma_wait3A_191 = tpu.memref_squeeze %dma_wait3A_190 : memref<1x100xi32, #tpu.memory_space<vmem>> -> memref<100xi32, #tpu.memory_space<vmem>>
    %dma_wait3A_192 = arith.constant 0 : i32
    %dma_wait3A_193 = arith.constant 0 : i32
    %dma_wait3A_194 = tpu.memref_slice %arg11[%dma_wait3A_192, %dma_wait3A_193] : memref<10000x128xf32, #tpu.memory_space<vmem_shared>> -> memref<10000x128xf32, #tpu.memory_space<vmem_shared>>
    tpu.wait_indirect_dma semaphore(%arg16 : memref<!tpu.dma_semaphore, #tpu.memory_space<semaphore_mem>>) src(%arg9 : memref<100x128xf32, #tpu.memory_space<vmem>>) dst(%dma_wait3A_194 : memref<10000x128xf32, #tpu.memory_space<vmem_shared>>)
    %barrier3A_195 = arith.constant 0 : index
    tpu.barrier barrier_id(%barrier3A_195)
    "tpu.region"() ({
      %run_scoped3A_201 = tpu.sem_alloc : memref<!tpu.dma_semaphore, #tpu.memory_space<semaphore_mem>>
      %dma_start3A_202 = arith.constant 0 : i32
      %dma_start3A_203 = tpu.memref_slice %arg5[%arg0, %mul3A_4, %dma_start3A_202] : memref<2x10000x128xf32, #tpu.memory_space<hbm>> -> memref<1x624x128xf32, #tpu.memory_space<hbm>>
      %dma_start3A_204 = tpu.memref_squeeze %dma_start3A_203 : memref<1x624x128xf32, #tpu.memory_space<hbm>> -> memref<624x128xf32, #tpu.memory_space<hbm>>
      %dma_start3A_205 = arith.constant 0 : i32
      %dma_start3A_206 = tpu.memref_slice %arg11[%mul3A_4, %dma_start3A_205] : memref<10000x128xf32, #tpu.memory_space<vmem_shared>> -> memref<624x128xf32, #tpu.memory_space<vmem_shared>>
      tpu.enqueue_dma source(%dma_start3A_206 : memref<624x128xf32, #tpu.memory_space<vmem_shared>>) target(%dma_start3A_204 : memref<624x128xf32, #tpu.memory_space<hbm>>) target_semaphore(%run_scoped3A_201 : memref<!tpu.dma_semaphore, #tpu.memory_space<semaphore_mem>>)
      %dma_wait3A_207 = arith.constant 0 : i32
      %dma_wait3A_208 = tpu.memref_slice %arg5[%arg0, %mul3A_4, %dma_wait3A_207] : memref<2x10000x128xf32, #tpu.memory_space<hbm>> -> memref<1x624x128xf32, #tpu.memory_space<hbm>>
      %dma_wait3A_209 = tpu.memref_squeeze %dma_wait3A_208 : memref<1x624x128xf32, #tpu.memory_space<hbm>> -> memref<624x128xf32, #tpu.memory_space<hbm>>
      %dma_wait3A_210 = arith.constant 0 : i32
      %dma_wait3A_211 = tpu.memref_slice %arg11[%mul3A_4, %dma_wait3A_210] : memref<10000x128xf32, #tpu.memory_space<vmem_shared>> -> memref<624x128xf32, #tpu.memory_space<vmem_shared>>
      tpu.wait_dma2 semaphore(%run_scoped3A_201 : memref<!tpu.dma_semaphore, #tpu.memory_space<semaphore_mem>>) src(%dma_wait3A_211 : memref<624x128xf32, #tpu.memory_space<vmem_shared>>) dst(%dma_wait3A_209 : memref<624x128xf32, #tpu.memory_space<hbm>>)
      tpu.yield
    }) : () -> ()
    %eq3A_196 = arith.constant 0 : i32
    %eq3A_197 = arith.cmpi eq, %arg1, %eq3A_196 : i32
    %convert_element_type3A_198 = arith.extui %eq3A_197 : i1 to i32
    %cond3A_199 = arith.constant 0 : i32
    %cond3A_200 = arith.cmpi ne, %convert_element_type3A_198, %cond3A_199 : i32
    scf.if %cond3A_200 {
      "tpu.region"() ({
        %run_scoped3A_201 = tpu.sem_alloc : memref<!tpu.dma_semaphore, #tpu.memory_space<semaphore_mem>>
        %dma_start3A_202 = arith.constant 9984 : i32
        %dma_start3A_203 = arith.constant 0 : i32
        %dma_start3A_204 = tpu.memref_slice %arg5[%arg0, %dma_start3A_202, %dma_start3A_203] : memref<2x10000x128xf32, #tpu.memory_space<hbm>> -> memref<1x16x128xf32, #tpu.memory_space<hbm>>
        %dma_start3A_205 = tpu.memref_squeeze %dma_start3A_204 : memref<1x16x128xf32, #tpu.memory_space<hbm>> -> memref<16x128xf32, #tpu.memory_space<hbm>>
        %dma_start3A_206 = arith.constant 9984 : i32
        %dma_start3A_207 = arith.constant 0 : i32
        %dma_start3A_208 = tpu.memref_slice %arg11[%dma_start3A_206, %dma_start3A_207] : memref<10000x128xf32, #tpu.memory_space<vmem_shared>> -> memref<16x128xf32, #tpu.memory_space<vmem_shared>>
        tpu.enqueue_dma source(%dma_start3A_208 : memref<16x128xf32, #tpu.memory_space<vmem_shared>>) target(%dma_start3A_205 : memref<16x128xf32, #tpu.memory_space<hbm>>) target_semaphore(%run_scoped3A_201 : memref<!tpu.dma_semaphore, #tpu.memory_space<semaphore_mem>>)
        %dma_wait3A_209 = arith.constant 9984 : i32
        %dma_wait3A_210 = arith.constant 0 : i32
        %dma_wait3A_211 = tpu.memref_slice %arg5[%arg0, %dma_wait3A_209, %dma_wait3A_210] : memref<2x10000x128xf32, #tpu.memory_space<hbm>> -> memref<1x16x128xf32, #tpu.memory_space<hbm>>
        %dma_wait3A_212 = tpu.memref_squeeze %dma_wait3A_211 : memref<1x16x128xf32, #tpu.memory_space<hbm>> -> memref<16x128xf32, #tpu.memory_space<hbm>>
        %dma_wait3A_213 = arith.constant 9984 : i32
        %dma_wait3A_214 = arith.constant 0 : i32
        %dma_wait3A_215 = tpu.memref_slice %arg11[%dma_wait3A_213, %dma_wait3A_214] : memref<10000x128xf32, #tpu.memory_space<vmem_shared>> -> memref<16x128xf32, #tpu.memory_space<vmem_shared>>
        tpu.wait_dma2 semaphore(%run_scoped3A_201 : memref<!tpu.dma_semaphore, #tpu.memory_space<semaphore_mem>>) src(%dma_wait3A_215 : memref<16x128xf32, #tpu.memory_space<vmem_shared>>) dst(%dma_wait3A_212 : memref<16x128xf32, #tpu.memory_space<hbm>>)
        tpu.yield
      }) : () -> ()
    } else {
    }
    return
  }
}

module attributes {stable_mosaic.version = 14 : i64} {
  func.func @body(%arg0: i32, %arg1: memref<2000x128xf32, #tpu.memory_space<vmem>>, %arg2: memref<128x128xf32, #tpu.memory_space<vmem>>, %arg3: memref<2000x128xf32, #tpu.memory_space<vmem>>) attributes {dimension_semantics = [#tpu.dimension_semantics<arbitrary>], iteration_bounds = array<i64: 5>, scalar_prefetch = 0 : i64, scratch_operands = 0 : i64, tpu.core_type = #tpu.core_type<tc>, window_params = [{transform_indices = @transform_0, window_bounds = array<i64: 2000, 128>}, {pipeline_mode = #tpu.pipeline_mode<synchronous>, transform_indices = @transform_1, window_bounds = array<i64: 128, 128>}, {transform_indices = @transform_2, window_bounds = array<i64: 2000, 128>}]} {
    %get3A = arith.constant 0 : index
    %get3A_0 = arith.constant 0 : index
    %get3A_1 = vector.load %arg1[%get3A, %get3A_0] : memref<2000x128xf32, #tpu.memory_space<vmem>>, vector<2000x128xf32>
    %get3A_2 = arith.constant 0 : index
    %get3A_3 = arith.constant 0 : index
    %get3A_4 = vector.load %arg2[%get3A_2, %get3A_3] : memref<128x128xf32, #tpu.memory_space<vmem>>, vector<128x128xf32>
    %dot_general3A = arith.constant dense<0.000000e+00> : vector<2000x128xf32>
    %dot_general3A_5 = tpu.matmul %get3A_1, %get3A_4, %dot_general3A {dimension_numbers = #tpu.dot_dimension_numbers<[1], [0], [0], [1], [0, 0, 1, 1], [], []>, transpose_lhs_hint = false} : vector<2000x128xf32>, vector<128x128xf32>, vector<2000x128xf32> -> vector<2000x128xf32>
    %swap3A = arith.constant 0 : index
    %swap3A_6 = arith.constant 0 : index
    %swap3A_7 = vector.load %arg3[%swap3A, %swap3A_6] : memref<2000x128xf32, #tpu.memory_space<vmem>>, vector<2000x128xf32>
    tpu.vector_store %arg3[%swap3A, %swap3A_6], %dot_general3A_5 {strides = array<i32>} : memref<2000x128xf32, #tpu.memory_space<vmem>>, vector<2000x128xf32>,
    return
  }
  func.func @transform_0(%arg0: i32) -> (i32, i32) {
    %c0_i32 = arith.constant 0 : i32
    %c0_i32_0 = arith.constant 0 : i32
    return %arg0, %c0_i32 : i32, i32
  }
  func.func @transform_1(%arg0: i32) -> (i32, i32) {
    %c0_i32 = arith.constant 0 : i32
    %c0_i32_0 = arith.constant 0 : i32
    %c0_i32_1 = arith.constant 0 : i32
    return %c0_i32, %c0_i32_0 : i32, i32
  }
  func.func @transform_2(%arg0: i32) -> (i32, i32) {
    %c0_i32 = arith.constant 0 : i32
    %c0_i32_0 = arith.constant 0 : i32
    return %arg0, %c0_i32 : i32, i32
  }
}

module attributes {stable_mosaic.version = 14 : i64} {
  func.func @body(%arg0: i32, %arg1: memref<2000x128xf32, #tpu.memory_space<vmem>>, %arg2: memref<2x2x2000x128xf32, #tpu.memory_space<vmem>>, %arg3: memref<2000x128xf32, #tpu.memory_space<vmem>>, %arg4: memref<2x2000x16xf32, #tpu.memory_space<vmem>>) attributes {dimension_semantics = [#tpu.dimension_semantics<arbitrary>], iteration_bounds = array<i64: 5>, scalar_prefetch = 0 : i64, scratch_operands = 0 : i64, tpu.core_type = #tpu.core_type<tc>, window_params = [{transform_indices = @transform_0, window_bounds = array<i64: 2000, 128>}, {transform_indices = @transform_1, window_bounds = array<i64: 2, 2, 2000, 128>}, {transform_indices = @transform_2, window_bounds = array<i64: 2000, 128>}, {transform_indices = @transform_3, window_bounds = array<i64: 2, 2000, 16>}]} {
    %get3A = arith.constant 0 : index
    %get3A_0 = arith.constant 0 : index
    %get3A_1 = arith.constant 0 : index
    %get3A_2 = arith.constant 0 : index
    %get3A_3 = vector.load %arg2[%get3A, %get3A_0, %get3A_1, %get3A_2] : memref<2x2x2000x128xf32, #tpu.memory_space<vmem>>, vector<2x2x2000x128xf32>
    %slice3A = vector.extract_strided_slice %get3A_3 {offsets = [0, 0, 0, 0], sizes = [2, 2, 2000, 16], strides = [1, 1, 1, 1]} : vector<2x2x2000x128xf32> to vector<2x2x2000x16xf32>
    %slice3A_4 = vector.extract_strided_slice %slice3A {offsets = [0, 0, 0, 0], sizes = [1, 2, 2000, 16], strides = [1, 1, 1, 1]} : vector<2x2x2000x16xf32> to vector<1x2x2000x16xf32>
    %squeeze3A = vector.shape_cast %slice3A_4 : vector<1x2x2000x16xf32> to vector<2x2000x16xf32>
    %slice3A_5 = vector.extract_strided_slice %slice3A {offsets = [1, 0, 0, 0], sizes = [1, 2, 2000, 16], strides = [1, 1, 1, 1]} : vector<2x2x2000x16xf32> to vector<1x2x2000x16xf32>
    %squeeze3A_6 = vector.shape_cast %slice3A_5 : vector<1x2x2000x16xf32> to vector<2x2000x16xf32>
    %add3A = arith.addf %squeeze3A, %squeeze3A_6 : vector<2x2000x16xf32>
    %swap3A = arith.constant 0 : index
    %swap3A_7 = arith.constant 0 : index
    %swap3A_8 = arith.constant 0 : index
    %swap3A_9 = vector.load %arg4[%swap3A, %swap3A_7, %swap3A_8] : memref<2x2000x16xf32, #tpu.memory_space<vmem>>, vector<2x2000x16xf32>
    tpu.vector_store %arg4[%swap3A, %swap3A_7, %swap3A_8], %add3A {strides = array<i32>} : memref<2x2000x16xf32, #tpu.memory_space<vmem>>, vector<2x2000x16xf32>,
    %slice3A_10 = vector.extract_strided_slice %add3A {offsets = [0, 0, 0], sizes = [1, 2000, 16], strides = [1, 1, 1]} : vector<2x2000x16xf32> to vector<1x2000x16xf32>
    %squeeze3A_11 = vector.shape_cast %slice3A_10 : vector<1x2000x16xf32> to vector<2000x16xf32>
    %slice3A_12 = vector.extract_strided_slice %squeeze3A_11 {offsets = [0, 0], sizes = [2000, 1], strides = [1, 1]} : vector<2000x16xf32> to vector<2000x1xf32>
    %gt3A = arith.constant 0.000000e+00 : f32
    %gt3A_13 = vector.broadcast %gt3A : f32 to vector<2000x1xf32>
    %gt3A_14 = arith.cmpf ogt, %slice3A_12, %gt3A_13 : vector<2000x1xf32>
    %max3A = arith.constant 1.000000e-30 : f32
    %max3A_15 = vector.broadcast %max3A : f32 to vector<2000x1xf32>
    %max3A_16 = arith.maximumf %slice3A_12, %max3A_15 : vector<2000x1xf32>
    %rsqrt3A = math.rsqrt %max3A_16 : vector<2000x1xf32>
    %jit3A = arith.constant 0.000000e+00 : f32
    %broadcast_in_dim3A = vector.broadcast %jit3A : f32 to vector<2000x1xf32>
    %select_n3A = arith.select %gt3A_14, %rsqrt3A, %broadcast_in_dim3A : vector<2000x1xi1>, vector<2000x1xf32>
    %get3A_17 = arith.constant 0 : index
    %get3A_18 = arith.constant 0 : index
    %get3A_19 = vector.load %arg1[%get3A_17, %get3A_18] : memref<2000x128xf32, #tpu.memory_space<vmem>>, vector<2000x128xf32>
    %mul3A = vector.broadcast %select_n3A : vector<2000x1xf32> to vector<2000x128xf32>
    %mul3A_20 = arith.mulf %get3A_19, %mul3A : vector<2000x128xf32>
    %swap3A_21 = arith.constant 0 : index
    %swap3A_22 = arith.constant 0 : index
    %swap3A_23 = vector.load %arg3[%swap3A_21, %swap3A_22] : memref<2000x128xf32, #tpu.memory_space<vmem>>, vector<2000x128xf32>
    tpu.vector_store %arg3[%swap3A_21, %swap3A_22], %mul3A_20 {strides = array<i32>} : memref<2000x128xf32, #tpu.memory_space<vmem>>, vector<2000x128xf32>,
    return
  }
  func.func @transform_0(%arg0: i32) -> (i32, i32) {
    %c0_i32 = arith.constant 0 : i32
    %c0_i32_0 = arith.constant 0 : i32
    return %arg0, %c0_i32 : i32, i32
  }
  func.func @transform_1(%arg0: i32) -> (i32, i32, i32, i32) {
    %c0_i32 = arith.constant 0 : i32
    %c0_i32_0 = arith.constant 0 : i32
    %c0_i32_1 = arith.constant 0 : i32
    %c0_i32_2 = arith.constant 0 : i32
    return %c0_i32, %c0_i32_0, %arg0, %c0_i32_1 : i32, i32, i32, i32
  }
  func.func @transform_2(%arg0: i32) -> (i32, i32) {
    %c0_i32 = arith.constant 0 : i32
    %c0_i32_0 = arith.constant 0 : i32
    return %arg0, %c0_i32 : i32, i32
  }
  func.func @transform_3(%arg0: i32) -> (i32, i32, i32) {
    %c0_i32 = arith.constant 0 : i32
    %c0_i32_0 = arith.constant 0 : i32
    %c0_i32_1 = arith.constant 0 : i32
    return %c0_i32, %arg0, %c0_i32_0 : i32, i32, i32
  }
}

module attributes {stable_mosaic.version = 14 : i64} {
  func.func @body(%arg0: i32, %arg1: memref<2x2000x128xf32, #tpu.memory_space<vmem>>, %arg2: memref<2x2000x16xf32, #tpu.memory_space<vmem>>, %arg3: memref<1x128xf32, #tpu.memory_space<vmem>>, %arg4: memref<1x128xf32, #tpu.memory_space<vmem>>, %arg5: memref<1x128xf32, #tpu.memory_space<vmem>>, %arg6: memref<128x48xf32, #tpu.memory_space<vmem>>, %arg7: memref<2000x48xf32, #tpu.memory_space<vmem>>, %arg8: memref<10000x128xf32, #tpu.memory_space<vmem>>, %arg9: memref<8x128xf32, #tpu.memory_space<vmem>>) attributes {dimension_semantics = [#tpu.dimension_semantics<arbitrary>], iteration_bounds = array<i64: 10>, scalar_prefetch = 0 : i64, scratch_operands = 2 : i64, tpu.core_type = #tpu.core_type<tc>, window_params = [{transform_indices = @transform_0, window_bounds = array<i64: 2, 2000, 128>}, {transform_indices = @transform_1, window_bounds = array<i64: 2, 2000, 16>}, {pipeline_mode = #tpu.pipeline_mode<synchronous>, transform_indices = @transform_2, window_bounds = array<i64: 1, 128>}, {pipeline_mode = #tpu.pipeline_mode<synchronous>, transform_indices = @transform_3, window_bounds = array<i64: 1, 128>}, {pipeline_mode = #tpu.pipeline_mode<synchronous>, transform_indices = @transform_4, window_bounds = array<i64: 1, 128>}, {pipeline_mode = #tpu.pipeline_mode<synchronous>, transform_indices = @transform_5, window_bounds = array<i64: 128, 48>}, {transform_indices = @transform_6, window_bounds = array<i64: 2000, 48>}]} {
    %eq3A = arith.constant 0 : i32
    %eq3A_0 = arith.cmpi eq, %arg0, %eq3A : i32
    %convert_element_type3A = arith.extui %eq3A_0 : i1 to i32
    %cond3A = arith.constant 0 : i32
    %cond3A_1 = arith.cmpi ne, %convert_element_type3A, %cond3A : i32
    scf.if %cond3A_1 {
      %broadcast_in_dim3A = arith.constant 0.000000e+00 : f32
      %broadcast_in_dim3A_10 = vector.broadcast %broadcast_in_dim3A : f32 to vector<8x128xf32>
      %swap3A = arith.constant 0 : index
      %swap3A_11 = arith.constant 0 : index
      %swap3A_12 = vector.load %arg9[%swap3A, %swap3A_11] : memref<8x128xf32, #tpu.memory_space<vmem>>, vector<8x128xf32>
      tpu.vector_store %arg9[%swap3A, %swap3A_11], %broadcast_in_dim3A_10 {strides = array<i32>} : memref<8x128xf32, #tpu.memory_space<vmem>>, vector<8x128xf32>,
    } else {
    }
    %lt3A = arith.constant 5 : i32
    %lt3A_2 = arith.cmpi slt, %arg0, %lt3A : i32
    %convert_element_type3A_3 = arith.extui %lt3A_2 : i1 to i32
    %cond3A_4 = arith.constant 0 : i32
    %cond3A_5 = arith.cmpi ne, %convert_element_type3A_3, %cond3A_4 : i32
    scf.if %cond3A_5 {
      %get3A = arith.constant 1 : index
      %get3A_10 = arith.constant 0 : index
      %get3A_11 = arith.constant 0 : index
      %get3A_12 = vector.load %arg2[%get3A, %get3A_10, %get3A_11] : memref<2x2000x16xf32, #tpu.memory_space<vmem>>, vector<1x2000x16xf32>
      %get3A_13 = vector.shape_cast %get3A_12 : vector<1x2000x16xf32> to vector<2000x16xf32>
      %slice3A = vector.extract_strided_slice %get3A_13 {offsets = [0, 0], sizes = [2000, 1], strides = [1, 1]} : vector<2000x16xf32> to vector<2000x1xf32>
      %gt3A = arith.constant 0.000000e+00 : f32
      %gt3A_14 = vector.broadcast %gt3A : f32 to vector<2000x1xf32>
      %gt3A_15 = arith.cmpf ogt, %slice3A, %gt3A_14 : vector<2000x1xf32>
      %max3A = arith.constant 1.000000e-30 : f32
      %max3A_16 = vector.broadcast %max3A : f32 to vector<2000x1xf32>
      %max3A_17 = arith.maximumf %slice3A, %max3A_16 : vector<2000x1xf32>
      %rsqrt3A = math.rsqrt %max3A_17 : vector<2000x1xf32>
      %jit3A = arith.constant 0.000000e+00 : f32
      %broadcast_in_dim3A = vector.broadcast %jit3A : f32 to vector<2000x1xf32>
      %select_n3A = arith.select %gt3A_15, %rsqrt3A, %broadcast_in_dim3A : vector<2000x1xi1>, vector<2000x1xf32>
      %get3A_18 = arith.constant 0 : index
      %get3A_19 = arith.constant 0 : index
      %get3A_20 = arith.constant 0 : index
      %get3A_21 = vector.load %arg1[%get3A_18, %get3A_19, %get3A_20] : memref<2x2000x128xf32, #tpu.memory_space<vmem>>, vector<1x2000x128xf32>
      %get3A_22 = vector.shape_cast %get3A_21 : vector<1x2000x128xf32> to vector<2000x128xf32>
      %get3A_23 = arith.constant 1 : index
      %get3A_24 = arith.constant 0 : index
      %get3A_25 = arith.constant 0 : index
      %get3A_26 = vector.load %arg1[%get3A_23, %get3A_24, %get3A_25] : memref<2x2000x128xf32, #tpu.memory_space<vmem>>, vector<1x2000x128xf32>
      %get3A_27 = vector.shape_cast %get3A_26 : vector<1x2000x128xf32> to vector<2000x128xf32>
      %add3A = arith.addf %get3A_22, %get3A_27 : vector<2000x128xf32>
      %mul3A = vector.broadcast %select_n3A : vector<2000x1xf32> to vector<2000x128xf32>
      %mul3A_28 = arith.mulf %add3A, %mul3A : vector<2000x128xf32>
      %get3A_29 = arith.constant 0 : index
      %get3A_30 = arith.constant 0 : index
      %get3A_31 = vector.load %arg3[%get3A_29, %get3A_30] : memref<1x128xf32, #tpu.memory_space<vmem>>, vector<1x128xf32>
      %add3A_32 = vector.broadcast %get3A_31 : vector<1x128xf32> to vector<2000x128xf32>
      %add3A_33 = arith.addf %mul3A_28, %add3A_32 : vector<2000x128xf32>
      %mul3A_34 = arith.constant 2000 : i32
      %mul3A_35 = arith.muli %arg0, %mul3A_34 : i32
      %swap3A = arith.index_cast %mul3A_35 : i32 to index
      %swap3A_36 = arith.constant 0 : index
      %swap3A_37 = vector.load %arg8[%swap3A, %swap3A_36] : memref<10000x128xf32, #tpu.memory_space<vmem>>, vector<2000x128xf32>
      tpu.vector_store %arg8[%swap3A, %swap3A_36], %add3A_33 {strides = array<i32>} : memref<10000x128xf32, #tpu.memory_space<vmem>>, vector<2000x128xf32>,
      %get3A_38 = arith.constant 0 : index
      %get3A_39 = arith.constant 0 : index
      %get3A_40 = vector.load %arg9[%get3A_38, %get3A_39] : memref<8x128xf32, #tpu.memory_space<vmem>>, vector<1x128xf32>
      %reduce_sum3A = arith.constant dense<0.000000e+00> : vector<128xf32>
      %reduce_sum3A_41 = vector.multi_reduction <add>, %add3A_33, %reduce_sum3A [0] : vector<2000x128xf32> to vector<128xf32>
      %broadcast_in_dim3A_42 = vector.shape_cast %reduce_sum3A_41 : vector<128xf32> to vector<1x128xf32>
      %add3A_43 = arith.addf %get3A_40, %broadcast_in_dim3A_42 : vector<1x128xf32>
      %swap3A_44 = arith.constant 0 : index
      %swap3A_45 = arith.constant 0 : index
      %swap3A_46 = vector.load %arg9[%swap3A_44, %swap3A_45] : memref<8x128xf32, #tpu.memory_space<vmem>>, vector<1x128xf32>
      tpu.vector_store %arg9[%swap3A_44, %swap3A_45], %add3A_43 {strides = array<i32>} : memref<8x128xf32, #tpu.memory_space<vmem>>, vector<1x128xf32>,
      %get3A_47 = arith.constant 1 : index
      %get3A_48 = arith.constant 0 : index
      %get3A_49 = vector.load %arg9[%get3A_47, %get3A_48] : memref<8x128xf32, #tpu.memory_space<vmem>>, vector<1x128xf32>
      %mul3A_50 = arith.mulf %add3A_33, %add3A_33 : vector<2000x128xf32>
      %reduce_sum3A_51 = arith.constant dense<0.000000e+00> : vector<128xf32>
      %reduce_sum3A_52 = vector.multi_reduction <add>, %mul3A_50, %reduce_sum3A_51 [0] : vector<2000x128xf32> to vector<128xf32>
      %broadcast_in_dim3A_53 = vector.shape_cast %reduce_sum3A_52 : vector<128xf32> to vector<1x128xf32>
      %add3A_54 = arith.addf %get3A_49, %broadcast_in_dim3A_53 : vector<1x128xf32>
      %swap3A_55 = arith.constant 1 : index
      %swap3A_56 = arith.constant 0 : index
      %swap3A_57 = vector.load %arg9[%swap3A_55, %swap3A_56] : memref<8x128xf32, #tpu.memory_space<vmem>>, vector<1x128xf32>
      tpu.vector_store %arg9[%swap3A_55, %swap3A_56], %add3A_54 {strides = array<i32>} : memref<8x128xf32, #tpu.memory_space<vmem>>, vector<1x128xf32>,
    } else {
    }
    %ge3A = arith.constant 5 : i32
    %ge3A_6 = arith.cmpi sge, %arg0, %ge3A : i32
    %convert_element_type3A_7 = arith.extui %ge3A_6 : i1 to i32
    %cond3A_8 = arith.constant 0 : i32
    %cond3A_9 = arith.cmpi ne, %convert_element_type3A_7, %cond3A_8 : i32
    scf.if %cond3A_9 {
      %sub3A = arith.constant 5 : i32
      %sub3A_10 = arith.subi %arg0, %sub3A : i32
      %get3A = arith.constant 0 : index
      %get3A_11 = arith.constant 0 : index
      %get3A_12 = vector.load %arg9[%get3A, %get3A_11] : memref<8x128xf32, #tpu.memory_space<vmem>>, vector<1x128xf32>
      %mul3A = arith.constant 9.99999974E-5 : f32
      %mul3A_13 = vector.broadcast %mul3A : f32 to vector<1x128xf32>
      %mul3A_14 = arith.mulf %get3A_12, %mul3A_13 : vector<1x128xf32>
      %get3A_15 = arith.constant 1 : index
      %get3A_16 = arith.constant 0 : index
      %get3A_17 = vector.load %arg9[%get3A_15, %get3A_16] : memref<8x128xf32, #tpu.memory_space<vmem>>, vector<1x128xf32>
      %mul3A_18 = arith.constant 9.99999974E-5 : f32
      %mul3A_19 = vector.broadcast %mul3A_18 : f32 to vector<1x128xf32>
      %mul3A_20 = arith.mulf %get3A_17, %mul3A_19 : vector<1x128xf32>
      %mul3A_21 = arith.mulf %mul3A_14, %mul3A_14 : vector<1x128xf32>
      %sub3A_22 = arith.subf %mul3A_20, %mul3A_21 : vector<1x128xf32>
      %get3A_23 = arith.constant 0 : index
      %get3A_24 = arith.constant 0 : index
      %get3A_25 = vector.load %arg4[%get3A_23, %get3A_24] : memref<1x128xf32, #tpu.memory_space<vmem>>, vector<1x128xf32>
      %add3A = arith.constant 9.99999974E-6 : f32
      %add3A_26 = vector.broadcast %add3A : f32 to vector<1x128xf32>
      %add3A_27 = arith.addf %sub3A_22, %add3A_26 : vector<1x128xf32>
      %rsqrt3A = math.rsqrt %add3A_27 : vector<1x128xf32>
      %mul3A_28 = arith.mulf %get3A_25, %rsqrt3A : vector<1x128xf32>
      %mul3A_29 = arith.constant 2000 : i32
      %mul3A_30 = arith.muli %sub3A_10, %mul3A_29 : i32
      %get3A_31 = arith.index_cast %mul3A_30 : i32 to index
      %get3A_32 = arith.constant 0 : index
      %get3A_33 = vector.load %arg8[%get3A_31, %get3A_32] : memref<10000x128xf32, #tpu.memory_space<vmem>>, vector<2000x128xf32>
      %sub3A_34 = vector.broadcast %mul3A_14 : vector<1x128xf32> to vector<2000x128xf32>
      %sub3A_35 = arith.subf %get3A_33, %sub3A_34 : vector<2000x128xf32>
      %mul3A_36 = vector.broadcast %mul3A_28 : vector<1x128xf32> to vector<2000x128xf32>
      %mul3A_37 = arith.mulf %sub3A_35, %mul3A_36 : vector<2000x128xf32>
      %get3A_38 = arith.constant 0 : index
      %get3A_39 = arith.constant 0 : index
      %get3A_40 = vector.load %arg5[%get3A_38, %get3A_39] : memref<1x128xf32, #tpu.memory_space<vmem>>, vector<1x128xf32>
      %add3A_41 = vector.broadcast %get3A_40 : vector<1x128xf32> to vector<2000x128xf32>
      %add3A_42 = arith.addf %mul3A_37, %add3A_41 : vector<2000x128xf32>
      %max3A = arith.constant 0.000000e+00 : f32
      %max3A_43 = vector.broadcast %max3A : f32 to vector<2000x128xf32>
      %max3A_44 = arith.maximumf %add3A_42, %max3A_43 : vector<2000x128xf32>
      %get3A_45 = arith.constant 0 : index
      %get3A_46 = arith.constant 0 : index
      %get3A_47 = arith.constant 0 : index
      %get3A_48 = vector.load %arg2[%get3A_45, %get3A_46, %get3A_47] : memref<2x2000x16xf32, #tpu.memory_space<vmem>>, vector<1x2000x16xf32>
      %get3A_49 = vector.shape_cast %get3A_48 : vector<1x2000x16xf32> to vector<2000x16xf32>
      %slice3A = vector.extract_strided_slice %get3A_49 {offsets = [0, 0], sizes = [2000, 1], strides = [1, 1]} : vector<2000x16xf32> to vector<2000x1xf32>
      %gt3A = arith.constant 0.000000e+00 : f32
      %gt3A_50 = vector.broadcast %gt3A : f32 to vector<2000x1xf32>
      %gt3A_51 = arith.cmpf ogt, %slice3A, %gt3A_50 : vector<2000x1xf32>
      %max3A_52 = arith.constant 1.000000e-30 : f32
      %max3A_53 = vector.broadcast %max3A_52 : f32 to vector<2000x1xf32>
      %max3A_54 = arith.maximumf %slice3A, %max3A_53 : vector<2000x1xf32>
      %rsqrt3A_55 = math.rsqrt %max3A_54 : vector<2000x1xf32>
      %jit3A = arith.constant 0.000000e+00 : f32
      %broadcast_in_dim3A = vector.broadcast %jit3A : f32 to vector<2000x1xf32>
      %select_n3A = arith.select %gt3A_51, %rsqrt3A_55, %broadcast_in_dim3A : vector<2000x1xi1>, vector<2000x1xf32>
      %get3A_56 = arith.constant 0 : index
      %get3A_57 = arith.constant 0 : index
      %get3A_58 = vector.load %arg6[%get3A_56, %get3A_57] : memref<128x48xf32, #tpu.memory_space<vmem>>, vector<128x48xf32>
      %dot_general3A = arith.constant dense<0.000000e+00> : vector<2000x48xf32>
      %dot_general3A_59 = tpu.matmul %max3A_44, %get3A_58, %dot_general3A {dimension_numbers = #tpu.dot_dimension_numbers<[1], [0], [0], [1], [0, 0, 1, 1], [], []>, transpose_lhs_hint = false} : vector<2000x128xf32>, vector<128x48xf32>, vector<2000x48xf32> -> vector<2000x48xf32>
      %mul3A_60 = vector.broadcast %select_n3A : vector<2000x1xf32> to vector<2000x48xf32>
      %mul3A_61 = arith.mulf %dot_general3A_59, %mul3A_60 : vector<2000x48xf32>
      %swap3A = arith.constant 0 : index
      %swap3A_62 = arith.constant 0 : index
      %swap3A_63 = vector.load %arg7[%swap3A, %swap3A_62] : memref<2000x48xf32, #tpu.memory_space<vmem>>, vector<2000x48xf32>
      tpu.vector_store %arg7[%swap3A, %swap3A_62], %mul3A_61 {strides = array<i32>} : memref<2000x48xf32, #tpu.memory_space<vmem>>, vector<2000x48xf32>,
    } else {
    }
    return
  }
  func.func @transform_0(%arg0: i32) -> (i32, i32, i32) {
    %lt3A = arith.constant 5 : i32
    %lt3A_0 = arith.cmpi slt, %arg0, %lt3A : i32
    %sub3A = arith.constant 5 : i32
    %sub3A_1 = arith.subi %arg0, %sub3A : i32
    %select_n3A = arith.select %lt3A_0, %arg0, %sub3A_1 : i32
    %c0_i32 = arith.constant 0 : i32
    %c0_i32_2 = arith.constant 0 : i32
    %c0_i32_3 = arith.constant 0 : i32
    return %c0_i32, %select_n3A, %c0_i32_2 : i32, i32, i32
  }
  func.func @transform_1(%arg0: i32) -> (i32, i32, i32) {
    %lt3A = arith.constant 5 : i32
    %lt3A_0 = arith.cmpi slt, %arg0, %lt3A : i32
    %sub3A = arith.constant 5 : i32
    %sub3A_1 = arith.subi %arg0, %sub3A : i32
    %select_n3A = arith.select %lt3A_0, %arg0, %sub3A_1 : i32
    %c0_i32 = arith.constant 0 : i32
    %c0_i32_2 = arith.constant 0 : i32
    %c0_i32_3 = arith.constant 0 : i32
    return %c0_i32, %select_n3A, %c0_i32_2 : i32, i32, i32
  }
  func.func @transform_2(%arg0: i32) -> (i32, i32) {
    %c0_i32 = arith.constant 0 : i32
    %c0_i32_0 = arith.constant 0 : i32
    %c0_i32_1 = arith.constant 0 : i32
    return %c0_i32, %c0_i32_0 : i32, i32
  }
  func.func @transform_3(%arg0: i32) -> (i32, i32) {
    %c0_i32 = arith.constant 0 : i32
    %c0_i32_0 = arith.constant 0 : i32
    %c0_i32_1 = arith.constant 0 : i32
    return %c0_i32, %c0_i32_0 : i32, i32
  }
  func.func @transform_4(%arg0: i32) -> (i32, i32) {
    %c0_i32 = arith.constant 0 : i32
    %c0_i32_0 = arith.constant 0 : i32
    %c0_i32_1 = arith.constant 0 : i32
    return %c0_i32, %c0_i32_0 : i32, i32
  }
  func.func @transform_5(%arg0: i32) -> (i32, i32) {
    %c0_i32 = arith.constant 0 : i32
    %c0_i32_0 = arith.constant 0 : i32
    %c0_i32_1 = arith.constant 0 : i32
    return %c0_i32, %c0_i32_0 : i32, i32
  }
  func.func @transform_6(%arg0: i32) -> (i32, i32) {
    %lt3A = arith.constant 5 : i32
    %lt3A_0 = arith.cmpi slt, %arg0, %lt3A : i32
    %sub3A = arith.constant 5 : i32
    %sub3A_1 = arith.subi %arg0, %sub3A : i32
    %jit3A = arith.constant 0 : i32
    %select_n3A = arith.select %lt3A_0, %jit3A, %sub3A_1 : i32
    %c0_i32 = arith.constant 0 : i32
    %c0_i32_2 = arith.constant 0 : i32
    return %select_n3A, %c0_i32 : i32, i32
  }
}

module attributes {stable_mosaic.version = 14 : i64} {
  func.func @body(%arg0: i32, %arg1: memref<2x2000x128xf32, #tpu.memory_space<vmem>>, %arg2: memref<2x2000x16xf32, #tpu.memory_space<vmem>>, %arg3: memref<1x48xf32, #tpu.memory_space<vmem>>, %arg4: memref<2000x40xf32, #tpu.memory_space<vmem>>) attributes {dimension_semantics = [#tpu.dimension_semantics<arbitrary>], iteration_bounds = array<i64: 5>, scalar_prefetch = 0 : i64, scratch_operands = 0 : i64, tpu.core_type = #tpu.core_type<tc>, window_params = [{transform_indices = @transform_0, window_bounds = array<i64: 2, 2000, 128>}, {transform_indices = @transform_1, window_bounds = array<i64: 2, 2000, 16>}, {pipeline_mode = #tpu.pipeline_mode<synchronous>, transform_indices = @transform_2, window_bounds = array<i64: 1, 48>}, {transform_indices = @transform_3, window_bounds = array<i64: 2000, 40>}]} {
    %get3A = arith.constant 1 : index
    %get3A_0 = arith.constant 0 : index
    %get3A_1 = arith.constant 0 : index
    %get3A_2 = vector.load %arg2[%get3A, %get3A_0, %get3A_1] : memref<2x2000x16xf32, #tpu.memory_space<vmem>>, vector<1x2000x16xf32>
    %get3A_3 = vector.shape_cast %get3A_2 : vector<1x2000x16xf32> to vector<2000x16xf32>
    %slice3A = vector.extract_strided_slice %get3A_3 {offsets = [0, 0], sizes = [2000, 1], strides = [1, 1]} : vector<2000x16xf32> to vector<2000x1xf32>
    %gt3A = arith.constant 0.000000e+00 : f32
    %gt3A_4 = vector.broadcast %gt3A : f32 to vector<2000x1xf32>
    %gt3A_5 = arith.cmpf ogt, %slice3A, %gt3A_4 : vector<2000x1xf32>
    %max3A = arith.constant 1.000000e-30 : f32
    %max3A_6 = vector.broadcast %max3A : f32 to vector<2000x1xf32>
    %max3A_7 = arith.maximumf %slice3A, %max3A_6 : vector<2000x1xf32>
    %rsqrt3A = math.rsqrt %max3A_7 : vector<2000x1xf32>
    %jit3A = arith.constant 0.000000e+00 : f32
    %broadcast_in_dim3A = vector.broadcast %jit3A : f32 to vector<2000x1xf32>
    %select_n3A = arith.select %gt3A_5, %rsqrt3A, %broadcast_in_dim3A : vector<2000x1xi1>, vector<2000x1xf32>
    %get3A_8 = arith.constant 0 : index
    %get3A_9 = arith.constant 0 : index
    %get3A_10 = arith.constant 0 : index
    %get3A_11 = vector.load %arg1[%get3A_8, %get3A_9, %get3A_10] : memref<2x2000x128xf32, #tpu.memory_space<vmem>>, vector<2x2000x128xf32>
    %slice3A_12 = vector.extract_strided_slice %get3A_11 {offsets = [0, 0, 0], sizes = [2, 2000, 48], strides = [1, 1, 1]} : vector<2x2000x128xf32> to vector<2x2000x48xf32>
    %slice3A_13 = vector.extract_strided_slice %slice3A_12 {offsets = [0, 0, 0], sizes = [1, 2000, 48], strides = [1, 1, 1]} : vector<2x2000x48xf32> to vector<1x2000x48xf32>
    %squeeze3A = vector.shape_cast %slice3A_13 : vector<1x2000x48xf32> to vector<2000x48xf32>
    %slice3A_14 = vector.extract_strided_slice %slice3A_12 {offsets = [1, 0, 0], sizes = [1, 2000, 48], strides = [1, 1, 1]} : vector<2x2000x48xf32> to vector<1x2000x48xf32>
    %squeeze3A_15 = vector.shape_cast %slice3A_14 : vector<1x2000x48xf32> to vector<2000x48xf32>
    %add3A = arith.addf %squeeze3A, %squeeze3A_15 : vector<2000x48xf32>
    %mul3A = vector.broadcast %select_n3A : vector<2000x1xf32> to vector<2000x48xf32>
    %mul3A_16 = arith.mulf %add3A, %mul3A : vector<2000x48xf32>
    %get3A_17 = arith.constant 0 : index
    %get3A_18 = arith.constant 0 : index
    %get3A_19 = vector.load %arg3[%get3A_17, %get3A_18] : memref<1x48xf32, #tpu.memory_space<vmem>>, vector<1x48xf32>
    %add3A_20 = vector.broadcast %get3A_19 : vector<1x48xf32> to vector<2000x48xf32>
    %add3A_21 = arith.addf %mul3A_16, %add3A_20 : vector<2000x48xf32>
    %iota3A = tpu.iota {dimensions = array<i32: 1>} : vector<2000x48xi32>
    %lt3A = arith.constant 40 : i32
    %lt3A_22 = vector.broadcast %lt3A : i32 to vector<2000x48xi32>
    %lt3A_23 = arith.cmpi slt, %iota3A, %lt3A_22 : vector<2000x48xi32>
    %jit3A_24 = arith.constant -1.000000e+30 : f32
    %broadcast_in_dim3A_25 = vector.broadcast %jit3A_24 : f32 to vector<2000x48xf32>
    %select_n3A_26 = arith.select %lt3A_23, %add3A_21, %broadcast_in_dim3A_25 : vector<2000x48xi1>, vector<2000x48xf32>
    %reduce_max3A = arith.constant dense<0xFF800000> : vector<2000xf32>
    %reduce_max3A_27 = vector.multi_reduction <maximumf>, %select_n3A_26, %reduce_max3A [1] : vector<2000x48xf32> to vector<2000xf32>
    %broadcast_in_dim3A_28 = vector.shape_cast %reduce_max3A_27 : vector<2000xf32> to vector<2000x1xf32>
    %sub3A = vector.broadcast %broadcast_in_dim3A_28 : vector<2000x1xf32> to vector<2000x48xf32>
    %sub3A_29 = arith.subf %select_n3A_26, %sub3A : vector<2000x48xf32>
    %exp3A = math.exp %sub3A_29 : vector<2000x48xf32>
    %jit3A_30 = arith.constant 0.000000e+00 : f32
    %broadcast_in_dim3A_31 = vector.broadcast %jit3A_30 : f32 to vector<2000x48xf32>
    %select_n3A_32 = arith.select %lt3A_23, %exp3A, %broadcast_in_dim3A_31 : vector<2000x48xi1>, vector<2000x48xf32>
    %reduce_sum3A = arith.constant dense<0.000000e+00> : vector<2000xf32>
    %reduce_sum3A_33 = vector.multi_reduction <add>, %select_n3A_32, %reduce_sum3A [1] : vector<2000x48xf32> to vector<2000xf32>
    %broadcast_in_dim3A_34 = vector.shape_cast %reduce_sum3A_33 : vector<2000xf32> to vector<2000x1xf32>
    %sub3A_35 = vector.broadcast %broadcast_in_dim3A_28 : vector<2000x1xf32> to vector<2000x48xf32>
    %sub3A_36 = arith.subf %add3A_21, %sub3A_35 : vector<2000x48xf32>
    %log3A = math.log %broadcast_in_dim3A_34 : vector<2000x1xf32>
    %sub3A_37 = vector.broadcast %log3A : vector<2000x1xf32> to vector<2000x48xf32>
    %sub3A_38 = arith.subf %sub3A_36, %sub3A_37 : vector<2000x48xf32>
    %slice3A_39 = vector.extract_strided_slice %sub3A_38 {offsets = [0, 0], sizes = [2000, 40], strides = [1, 1]} : vector<2000x48xf32> to vector<2000x40xf32>
    %swap3A = arith.constant 0 : index
    %swap3A_40 = arith.constant 0 : index
    %swap3A_41 = vector.load %arg4[%swap3A, %swap3A_40] : memref<2000x40xf32, #tpu.memory_space<vmem>>, vector<2000x40xf32>
    tpu.vector_store %arg4[%swap3A, %swap3A_40], %slice3A_39 {strides = array<i32>} : memref<2000x40xf32, #tpu.memory_space<vmem>>, vector<2000x40xf32>,
    return
  }
  func.func @transform_0(%arg0: i32) -> (i32, i32, i32) {
    %c0_i32 = arith.constant 0 : i32
    %c0_i32_0 = arith.constant 0 : i32
    %c0_i32_1 = arith.constant 0 : i32
    return %c0_i32, %arg0, %c0_i32_0 : i32, i32, i32
  }
  func.func @transform_1(%arg0: i32) -> (i32, i32, i32) {
    %c0_i32 = arith.constant 0 : i32
    %c0_i32_0 = arith.constant 0 : i32
    %c0_i32_1 = arith.constant 0 : i32
    return %c0_i32, %arg0, %c0_i32_0 : i32, i32, i32
  }
  func.func @transform_2(%arg0: i32) -> (i32, i32) {
    %c0_i32 = arith.constant 0 : i32
    %c0_i32_0 = arith.constant 0 : i32
    %c0_i32_1 = arith.constant 0 : i32
    return %c0_i32, %c0_i32_0 : i32, i32
  }
  func.func @transform_3(%arg0: i32) -> (i32, i32) {
    %c0_i32 = arith.constant 0 : i32
    %c0_i32_0 = arith.constant 0 : i32
    return %arg0, %c0_i32 : i32, i32
  }
}

</mosaic_0001>

<sc_bundles>
// kernel: kernel.12.cloned.1.call-start
scs
__scs_entry_jumppad:
0x0: {  	(pc) =	sbr.rel $0x88, $3  }
0x1: {  	(tag) =	ssettag $0x0;
	lr =	simm.s32 $0x1  }
0x2: {  	[smem:$0x3F99] =	sst lr;
	_ =	strace $0xD0000000  }
0x3: {  	_ = 	snop  }
0x4: {  	_ = 	snop  }
0x5: {  	_ = 	snop  }
0x6: {  	_ = 	snop  }
0x7: {  	_ = 	snop  }
__scs_overlays_trampoline_lowered:
0x8: {  	[smem:$0x3FA8] =	sst s0  }
0x9: {  	[smem:$0x3FA9] =	sst s1  }
0xa: {  	[smem:$0x3FAA] =	sst s2  }
0xb: {  	[smem:$0x3FAB] =	sst s3  }
0xc: {  	[smem:$0x3FAC] =	sst s4  }
0xd: {  	[smem:$0x3FAD] =	sst s5  }
0xe: {  	[smem:$0x3FAE] =	sst s6  }
0xf: {  	[smem:$0x3FAF] =	sst s7  }
0x10: {  	[smem:$0x3FB0] =	sst s8  }
0x11: {  	[smem:$0x3FB1] =	sst s9;
	s0 =	simm.s32 @!p0 $0x0  }
0x12: {  	s1 =	sld [smem:$0x3F97];
	s0 =	simm.s32 @p0 $0x1  }
0x13: {  	[smem:$0x3FB2] =	sst s0;
	s0 =	simm.s32 @!p1 $0x0  }
0x14: {  	s2 =	sld [smem:$0x3F96];
	s0 =	simm.s32 @p1 $0x1  }
0x15: {  	[smem:$0x3FB3] =	sst s0;
	s0 =	simm.s32 @!p2 $0x0  }
0x16: {  	s3 =	sld [smem:$0x3FDB];
	s0 =	simm.s32 @p2 $0x1  }
0x17: {  	s4 =	simm.s32 $0x1BF5;
	[smem:$0x3FB5] =	sst s0  }
0x18: {  	s0 =	sld [smem:$0x3F98];
	_ =	swait.ge [sflag:s4], $0x0  }
0x19: {  	s7 =	sld [smem:$0x3F99]  }
0x1a: {  	s8 =	sadd.s32 $0xFFFFE003, lr  }
0x1b: {  	s9 =	sadd.s32 $0xFFFFFEF7, lr;
	s5 =	simm.s32 $0xFFFFFFFF;
	p2 =	slt.u32 s8, $0xFFFFF086  }
0x1c: {  	p1 =	slt.u32 s9, $0xF7A;
	s5 =	simm.s32 @!p2 $0x0  }
0x1d: {  	s5 =	simm.s32 @p1 $0x1;
	p0 =	seq.s32 s7, s2  }
0x1e: {  	s7 =	smul.u32 @!p0 $0xF7A, s2;
	p2 =	seq.s32 @!p0 s5, $0x0  }
0x1f: {  	s9 =	smul.u32 $0xF7A, s1;
	s8 =	simm.s32 @!p0 $0x1BF5;
	p2 =	por !p2, p0  }
0x20: {  	[sflag:s8] =	ssyncset.s32 @!p0 $0xFFFFF086;
	s6 =	sadd.s32 @!p0 s3, s7;
	s7 =	simm.s32 @!p0 $0x108  }
0x21: {  	s3 =	sadd.s32 s3, s9;
	s6 =	sadd.s32 @!p0 $0x88, s6;
	s7 =	simm.s32 @p2 $0x1082  }
0x22: {  	[simem:s7], [sflag:s8] =	dma.local @!p0 [hbm:s6], $0xF7A  }
0x23: {  	s9 =	sor.u32 $0xD0000000, s2;
	s6 =	simm.s32 $0x108;
	_ =	swait.ge @!p0 [sflag:s8], $0x0  }
0x24: {  	s3 =	sadd.s32 $0x88, s3;
	s6 =	simm.s32 @!p1 $0x1082;
	[sflag:s4] =	ssyncset.s32 $0xFFFFF086  }
0x25: {  	[simem:s6], [sflag:s4] =	dma.local [hbm:s3], $0xF7A  }
0x26: {  	[smem:$0x3F99] =	sst s1;
	(tag) =	ssettag s2;
	_ =	strace s9  }
0x27: {  	s1 =	sld [smem:$0x3FA9]  }
0x28: {  	s2 =	sld [smem:$0x3FAA]  }
0x29: {  	s4 =	sld [smem:$0x3FAC]  }
0x2a: {  	p0 =	seq.s32 s5, $0x0;
	s5 =	sld [smem:$0x3FAD]  }
0x2b: {  	s6 =	sld [smem:$0x3FAE]  }
0x2c: {  	s7 =	sld [smem:$0x3FAF]  }
0x2d: {  	s3 =	simm.s32 $0x108;
	s8 =	sld [smem:$0x3FB0]  }
0x2e: {  	s3 =	simm.s32 @!p0 $0x1082;
	s9 =	sld [smem:$0x3FB1]  }
0x2f: {  	lr =	sadd.s32 s0, s3;
	s0 =	sld [smem:$0x3FA8]  }
0x30: {  	s3 =	sld [smem:$0x3FAB]  }
0x31: {  	[smem:$0x3FB4] =	sst s10  }
0x32: {  	s10 =	sld [smem:$0x3FB2];
	_ =	sdelay $0x3  }
0x33: {  	p0 =	seq.s32 s10, $0x1;
	s10 =	sld [smem:$0x3FB4];
	_ =	sdelay $0x3  }
0x34: {  	[smem:$0x3FB4] =	sst s10  }
0x35: {  	s10 =	sld [smem:$0x3FB3];
	_ =	sdelay $0x3  }
0x36: {  	p1 =	seq.s32 s10, $0x1;
	s10 =	sld [smem:$0x3FB4];
	_ =	sdelay $0x3  }
0x37: {  	[smem:$0x3FB4] =	sst s10  }
0x38: {  	s10 =	sld [smem:$0x3FB5]  }
0x39: {  	_ = 	snop;
	(pc) =	sbr.ind lr, $3  }
0x3a: {  	_ = 	snop  }
0x3b: {  	_ = 	snop  }
0x3c: {  	p2 =	seq.s32 s10, $0x1;
	s10 =	sld [smem:$0x3FB4]  }
0x3d: {  	_ =	shalt  }
0x3e: {  	_ =	shalt  }
0x3f: {  	_ =	shalt  }
0x40: {  	_ =	shalt  }
0x41: {  	_ =	shalt  }
0x42: {  	_ =	shalt  }
0x43: {  	_ =	shalt  }
0x44: {  	_ =	shalt  }
0x45: {  	_ =	shalt  }
0x46: {  	_ =	shalt  }
0x47: {  	_ =	shalt  }
0x48: {  	_ =	shalt  }
0x49: {  	_ =	shalt  }
0x4a: {  	_ =	shalt  }
0x4b: {  	_ =	shalt  }
0x4c: {  	_ =	shalt  }
0x4d: {  	_ =	shalt  }
0x4e: {  	_ =	shalt  }
0x4f: {  	_ =	shalt  }
0x50: {  	_ =	shalt  }
0x51: {  	_ =	shalt  }
0x52: {  	_ =	shalt  }
0x53: {  	_ =	shalt  }
0x54: {  	_ =	shalt  }
0x55: {  	_ =	shalt  }
0x56: {  	_ =	shalt  }
0x57: {  	_ =	shalt  }
0x58: {  	_ =	shalt  }
0x59: {  	_ =	shalt  }
0x5a: {  	_ =	shalt  }
0x5b: {  	_ =	shalt  }
0x5c: {  	_ =	shalt  }
0x5d: {  	_ =	shalt  }
0x5e: {  	_ =	shalt  }
0x5f: {  	_ =	shalt  }
0x60: {  	_ =	shalt  }
0x61: {  	_ =	shalt  }
0x62: {  	_ =	shalt  }
0x63: {  	_ =	shalt  }
0x64: {  	_ =	shalt  }
0x65: {  	_ =	shalt  }
0x66: {  	_ =	shalt  }
0x67: {  	_ =	shalt  }
0x68: {  	_ =	shalt  }
0x69: {  	_ =	shalt  }
0x6a: {  	_ =	shalt  }
0x6b: {  	_ =	shalt  }
0x6c: {  	_ =	shalt  }
0x6d: {  	_ =	shalt  }
0x6e: {  	_ =	shalt  }
0x6f: {  	_ =	shalt  }
0x70: {  	_ =	shalt  }
0x71: {  	_ =	shalt  }
0x72: {  	_ =	shalt  }
0x73: {  	_ =	shalt  }
0x74: {  	_ =	shalt  }
0x75: {  	_ =	shalt  }
0x76: {  	_ =	shalt  }
0x77: {  	_ =	shalt  }
0x78: {  	_ =	shalt  }
0x79: {  	_ =	shalt  }
0x7a: {  	_ =	shalt  }
0x7b: {  	_ =	shalt  }
0x7c: {  	_ =	shalt  }
0x7d: {  	_ =	shalt  }
0x7e: {  	_ =	shalt  }
0x7f: {  	_ =	shalt  }
0x80: {  	_ =	shalt  }
0x81: {  	_ =	shalt  }
0x82: {  	_ =	shalt  }
0x83: {  	_ =	shalt  }
0x84: {  	_ =	shalt  }
0x85: {  	_ =	shalt  }
0x86: {  	_ =	shalt  }
0x87: {  	_ =	shalt  }
.Lfunc_end0:
.L_simem_size_0:
called_computation.1_lowered:
.L_overlay_start_0:
0x88: {  	s2 =	sld [smem:$0x3FD9]  }
0x89: {  	s3 =	sld [smem:$0x3FFE];
	_ =	sdelay $0x1  }
0x8a: {  	s1 =	srdreg.scid  }
0x8b: {  	s0 =	sand.u32 $0x1, s1  }
0x8c: {  	s16 =	sshll.u32 s0, $0xA;
	s2 =	sadd.s32 s3, s2  }
0x8d: {  	s2 =	sadd.s32 s2, s16  }
0x8e: {  	[smem:$0x3FC0] =	sst s2  }
0x8f: {  	_ = 	snop  }
0x90: {  	(tm) =	ssettm $0x1  }
0x91: {  	s17 =	sld [smem:$0x3FFB];
	_ =	sdelay $0x3  }
0x92: {  	_ =	strace s17  }
0x93: {  	s2 =	sld [smem:$0x3FFC];
	_ =	sdelay $0x3  }
0x94: {  	_ =	strace s2  }
0x95: {  	s2 =	sld [smem:$0x3FFD];
	_ =	sdelay $0x3  }
0x96: {  	_ =	strace s2  }
0x97: {  	_ =	strace $0x8FFFFFFF  }
0x98: {  	s18 =	sld [smem:$0x3FDB];
	_ =	sdelay $0x1  }
0x99: {  	s19 =	simm.s32 $_scs_section_size  }
0x9a: {  	s4 =	simm.s32 $_size__tile_overlayer_lowered;
	s5 =	simm.s32 $_tile_overlayer_lowered  }
0x9b: {  	s22 =	simm.s32 $0x1BFF;
	s21 =	sshll.u32 s5, $0x1;
	s2 =	sadd.s32 s19, s18  }
0x9c: {  	s6 =	simm.s32 $0x0;
	s20 =	sshll.u32 s4, $0x1;
	s4 =	sadd.s32 s21, s2  }
0x9d: {  	[timem:s6], [sflag:s22] =	dma.local [hbm:s4], s20  }
0x9e: {  	_ =	swait.ge [sflag:s22], s20  }
0x9f: {  	s3 =	ssub.s32 $0x0, s20;
	[sflag:s22] =	ssyncset.done $0x0  }
0xa0: {  	[sflag:s22] =	ssyncadd.s32 s3;
	_ =	sdelay $0x1  }
0xa1: {  	s23 =	simm.s32 $0x1B8B  }
0xa2: {  	_ =	swait.ge [sflag:s23], $0x1  }
0xa3: {  	[sflag:s23] =	ssyncset.done $0x0  }
0xa4: {  	s25 =	simm.s32 $0x1B8E;
	s24 =	sld [smem:$0x3FFE];
	[sflag:s23] =	ssyncadd.s32 $0xFFFFFFFF  }
0xa5: {  	s26 =	simm.s32 $execute0_lowered;
	[smem:$0x3FD2] =	sst s25  }
0xa6: {  	s4 =	sshll.u32 s26, $0x1;
	_ =	strace $0x80000049;
	[dreg:$0x1] =	wrdreg $0xFFFFFFFF  }
0xa7: {  	s28 =	simm.s32 $_size_execute0_lowered;
	s2 =	sadd.s32 s2, s4;
	[dreg:$0x0] =	wrdreg $0x0  }
0xa8: {  	s4 =	sshll.u32 s28, $0x1;
	[dreg:$0x2] =	wrdreg s2  }
0xa9: {  	[dreg:$0x3] =	wrdreg s4  }
0xaa: {  	[dreg:$0x4] =	wrdreg $0xC0  }
0xab: {  	_ =	task [dreg:s6], $0x5FFFF  }
0xac: {  	[dreg:$0x1] =	wrdreg $0xFFFFFFFF  }
0xad: {  	[dreg:$0x0] =	wrdreg $0x60  }
0xae: {  	[dreg:$0x2] =	wrdreg s24  }
0xaf: {  	[dreg:$0x3] =	wrdreg $0xBEA00  }
0xb0: {  	[dreg:$0x4] =	wrdreg $0x9  }
0xb1: {  	_ =	task.clear_ibuf [dreg:s6], $0x5FFFF;
	_ =	strace $0x90000049  }
0xb2: {  	s29 =	simm.s32 $0x9;
	_ =	strace $0x8000004B  }
0xb3: {  	_ =	swait.ge [sflag:s29], $0x1  }
0xb4: {  	[sflag:s29] =	ssyncadd.s32 $0xFFFFFFFF  }
0xb5: {  	_ =	strace $0x9000004B  }
0xb6: {  	_ =	sfence  }
0xb7: {  	s30 =	sld [smem:$0x0];
	_ =	sdelay $0x2  }
0xb8: {  	s31 =	sshll.u32 s1, $0xD;
	s1 =	sshrl.u32 s1, $0x2  }
0xb9: {  	s3 =	sand.u32 $0x4000, s31;
	s1 =	sadd.s32 s1, s30  }
0xba: {  	s0 =	sor.u32 s3, s0;
	s1 =	sshll.u32 s1, $0x11  }
0xbb: {  	s0 =	sor.u32 s1, s0  }
0xbc: {  	s0 =	sadd.s32 $0x8F2B, s0  }
0xbd: {  	[sflag:s0] =	ssyncadd.remote.s32 $0x1  }
0xbe: {  	_ =	sfence.sel $0xFFFF  }
0xbf: {  	[dreg:$0x0] =	wrdreg $0xFFFFFFFF;
	(pc) =	sbr.abs _section_cstart, $3  }
0xc0: {  	[dreg:$0x1] =	wrdreg $0xFFFFFFFF  }
0xc1: {  	_ =	task.clear_ibuf [dreg:s6], $0x2FFFF;
	_ =	strace $0x9FFFFFFF  }
0xc2: {  	(tm) =	ssettm $0x7FFFFFFF  }
0xc3: {  	_ =	shalt  }
tec
execute0_lowered:
.L_overlay_start_1:
0x0: {  	(tag) =	ssettag $0x1  }
0x1: {  	s0 =	srdreg.scid;
	s4 =	rddreg [dreg:$0x0]  }
0x2: {  	s5 =	stileid.u32;
	s1 =	rddreg [dreg:$0x1];
	s16 =	simm.s32 $0x1450  }
0x3: {  	s18 =	simm.s32 $0x7;
	s19 =	simm.s32 $0x64;
	s20 =	simm.s32 $0x28A0  }
0x4: {  	s28 =	simm.s32 $0x8CA0;
	s29 =	simm.s32 $0x3;
	s30 =	simm.s32 $0x1520  }
0x5: {  	s31 =	simm.s32 $0x4;
	s0 =	sand.u32 $0x1, s0;
	s7 =	smul.u32 $0x13800, s5  }
0x6: {  	s11 =	sadd.s32 $0xB3600, s4;
	s22 =	sshll.u32 s5, $0x6;
	p0 =	sne.s32 s5, $0x0  }
0x7: {  	s2 =	sshll.u32 s0, $0x4;
	s9 =	ssub.s32 $0x2, s0;
	s0 =	smul.u32 $0x138800, s0  }
0x8: {  	s3 =	sor.u32 s5, s2;
	s2 =	simm.s32 $0x0;
	s8 =	sshrl.u32 s7, $0x3  }
0x9: {  	s10 =	sshrl.u32 s9, $0x1;
	s21 =	sadd.s32 s7, s1;
	s6 =	smul.u32 $0x28A0, s3  }
0xa: {  	[smem:$0x7FF] =	sst s2;
	s3 =	sadd.s32 $0x17000, s4;
	s8 =	sadd.s32 s8, s4  }
0xb: {  	s9 =	ssub.s32 s9, s10;
	s25 =	sadd.s32 s7, s0;
	s0 =	sshrl.u32 s0, $0x3  }
0xc: {  	s15 =	sshrl.u32 s21, $0x3;
	s21 =	simm.s32 $0x1;
	s7 =	simm.s32 $0x27D0  }
0xd: {  	s10 =	simm.s32 $0x8;
	_ =	strace $0x8000004A;
	s8 =	sadd.s32 $0x8C400, s8  }
0xe: {  	[dreg:$0x4] =	wrdreg s22;
	s0 =	sadd.s32 s11, s0;
	s14 =	smax.u32 s9, $0x1  }
0xf: {  	s9 =	simm.s32 $0x2838;
	s6 =	sshrl.u32 s6, $0x3;
	[dreg:$0x3] =	wrdreg s8  }
0x10: {  	s8 =	sor.u32 $0x1C07, s22;
	s0 =	sadd.s32 $0x27000, s0;
	s22 =	simm.s32 $0x68  }
0x11: {  	s6 =	sadd.s32 s6, s4;
	[dreg:$0x5] =	wrdreg s8;
	s8 =	sadd.s32 $0x138000, s1  }
0x12: {  	s4 =	sadd.s32 $0xB3400, s4;
	[dreg:$0xc] =	wrdreg s0;
	s0 =	simm.s32 $0x138  }
0x13: {  	s23 =	sadd.s32 $0x2A00, s6;
	s24 =	sadd.s32 $0xCC80, s6;
	[dreg:$0x8] =	wrdreg s4  }
0x14: {  	s26 =	sadd.s32 $0x2C8A, s6;
	s4 =	sshrl.u32 s25, $0x3;
	[dreg:$0x6] =	wrdreg s23  }
0x15: {  	s6 =	sadd.s32 $0xCF0A, s6;
	s17 =	sshrl.u32 @!p0 s8, $0x3;
	[dreg:$0x7] =	wrdreg s24  }
0x16: {  	s25 =	simm.s32 $0x14B8;
	s8 =	simm.s32 $0x13E8;
	[dreg:$0x9] =	wrdreg s26  }
0x17: {  	[dreg:$0xa] =	wrdreg s6;
	s4 =	sadd.s32 s11, s4;
	s23 =	simm.s32 $0x5AA0  }
0x18: {  	s24 =	simm.s32 $0x2;
	s26 =	simm.s32 $0xD0;
	s6 =	simm.s32 $0x6  }
0x19: {  	s11 =	simm.s32 $0x0;
	[dreg:$0xb] =	wrdreg s4;
	s4 =	simm.s32 $0x5  }
.LBB2_1:
0x1a: {  	s5 =	rddreg [dreg:$0x3]  }
0x1b: {  	s12 =	rddreg [dreg:$0x5]  }
0x1c: {  	[spmem:s15], [sflag:s12] =	dma.local [hbm:s5], $0x2700  }
0x1d: {  	s5 =	rddreg [dreg:$0x6]  }
0x1e: {  	[tilespmem:s2], [sflag:$0x7] =	stream.linear.gather [hbm4b:s5+s2], $0x1450, $0x38;
	[tilespmem:$0x1F720] =	vst v63  }
0x1f: {  	s12 =	rddreg [dreg:$0x7]  }
0x20: {  	[tilespmem:s16], [sflag:$0x7] =	stream.linear.gather [hbm4b:s12+s2], $0x1450, $0x38;
	[tilespmem:$0x1F720] =	vst v63  }
0x21: {  	s5 =	simm.s32 @!p0 $0x1C08;
	s12 =	rddreg [dreg:$0x8]  }
0x22: {  	[spmem:s17], [sflag:s5] =	dma.local @!p0 [hbm:s12], $0x100  }
0x23: {  	s5 =	simm.s32 @!p0 $0x8  }
0x24: {  	_ =	swait.ge @!p0 [sflag:s5], $0x100  }
0x25: {  	[sflag:s5] =	ssyncset.done @!p0 $0x0  }
0x26: {  	[sflag:s5] =	ssyncadd.s32 @!p0 $0xFFFFFF00  }
0x27: {  	_ =	swait.ge [sflag:s18], $0x2700  }
0x28: {  	[sflag:s18] =	ssyncset.done $0x0  }
0x29: {  	[sflag:s18] =	ssyncadd.s32 $0xFFFFD900  }
0x2a: {  	_ =	swait.ge [sflag:s18], $0x1450  }
0x2b: {  	[sflag:s18] =	ssyncset.done $0x0  }
0x2c: {  	[sflag:s18] =	ssyncadd.s32 $0xFFFFEBB0  }
0x2d: {  	_ =	swait.ge [sflag:s18], $0x1450  }
0x2e: {  	[sflag:s18] =	ssyncset.done $0x0  }
0x2f: {  	[sflag:s18] =	ssyncadd.s32 $0xFFFFEBB0  }
0x30: {  	[bflag:$0x0] =	sbarrier.arrive $0xFFFF  }
0x31: {  	[tilespmem:s20], [sflag:$0x1] =	stream.indirect.gather [hbm4b:s3+s19], $0x80, s2, s19, $0xb8;
	[tilespmem:$0x1F720] =	vst v63  }
0x32: {  	_ =	swait.ge [sflag:s21], $0x3200  }
0x33: {  	[sflag:s21] =	ssyncset.done $0x0  }
0x34: {  	[sflag:s21] =	ssyncadd.s32 $0xFFFFCE00  }
0x35: {  	[spmem:s1] =	stream.indirect.scatter.add.f32 [tilespmem:s20], [sflag:$0x4], $0x80, s16, s19, $0xb8;
	[tilespmem:$0x1F720] =	vst v63  }
0x36: {  	_ = 	snop  }
0x37: {  	[tilespmem:s23], [sflag:$0x2] =	stream.indirect.gather [hbm4b:s3+s19], $0x80, s22, s19, $0xb8;
	[tilespmem:$0x1F720] =	vst v63  }
0x38: {  	_ =	swait.ge [sflag:s24], $0x3200  }
0x39: {  	[sflag:s24] =	ssyncset.done $0x0  }
0x3a: {  	[sflag:s24] =	ssyncadd.s32 $0xFFFFCE00  }
0x3b: {  	[spmem:s1] =	stream.indirect.scatter.add.f32 [tilespmem:s23], [sflag:$0x5], $0x80, s25, s19, $0xb8;
	[tilespmem:$0x1F720] =	vst v63  }
0x3c: {  	_ = 	snop  }
0x3d: {  	[tilespmem:s28], [sflag:$0x3] =	stream.indirect.gather [hbm4b:s3+s19], $0x80, s26, s19, $0xb8;
	[tilespmem:$0x1F720] =	vst v63  }
0x3e: {  	_ =	swait.ge [sflag:s29], $0x3200  }
0x3f: {  	[sflag:s29] =	ssyncset.done $0x0  }
0x40: {  	[sflag:s29] =	ssyncadd.s32 $0xFFFFCE00  }
0x41: {  	[spmem:s1] =	stream.indirect.scatter.add.f32 [tilespmem:s28], [sflag:$0x6], $0x80, s30, s19, $0xb8;
	[tilespmem:$0x1F720] =	vst v63  }
0x42: {  	_ =	swait.ge [sflag:s31], $0x3200  }
0x43: {  	[sflag:s31] =	ssyncset.done $0x0  }
0x44: {  	[sflag:s31] =	ssyncadd.s32 $0xFFFFCE00  }
0x45: {  	[tilespmem:s20], [sflag:$0x1] =	stream.indirect.gather [hbm4b:s3+s19], $0x80, s0, s19, $0xb8;
	[tilespmem:$0x1F720] =	vst v63  }
0x46: {  	_ =	swait.ge [sflag:s21], $0x3200  }
0x47: {  	[sflag:s21] =	ssyncset.done $0x0  }
0x48: {  	s13 =	simm.s32 $0x1588;
	[sflag:s21] =	ssyncadd.s32 $0xFFFFCE00  }
0x49: {  	[spmem:s1] =	stream.indirect.scatter.add.f32 [tilespmem:s20], [sflag:$0x4], $0x80, s13, s19, $0xb8;
	[tilespmem:$0x1F720] =	vst v63  }
0x4a: {  	_ =	swait.ge [sflag:s4], $0x3200  }
0x4b: {  	[sflag:s4] =	ssyncset.done $0x0  }
0x4c: {  	s12 =	simm.s32 $0x1A0;
	[sflag:s4] =	ssyncadd.s32 $0xFFFFCE00  }
0x4d: {  	[tilespmem:s23], [sflag:$0x2] =	stream.indirect.gather [hbm4b:s3+s19], $0x80, s12, s19, $0xb8;
	[tilespmem:$0x1F720] =	vst v63  }
0x4e: {  	_ =	swait.ge [sflag:s24], $0x3200  }
0x4f: {  	[sflag:s24] =	ssyncset.done $0x0  }
0x50: {  	s13 =	simm.s32 $0x15F0;
	[sflag:s24] =	ssyncadd.s32 $0xFFFFCE00  }
0x51: {  	[spmem:s1] =	stream.indirect.scatter.add.f32 [tilespmem:s23], [sflag:$0x5], $0x80, s13, s19, $0xb8;
	[tilespmem:$0x1F720] =	vst v63  }
0x52: {  	_ =	swait.ge [sflag:s6], $0x3200  }
0x53: {  	[sflag:s6] =	ssyncset.done $0x0  }
0x54: {  	s12 =	simm.s32 $0x208;
	[sflag:s6] =	ssyncadd.s32 $0xFFFFCE00  }
0x55: {  	[tilespmem:s28], [sflag:$0x3] =	stream.indirect.gather [hbm4b:s3+s19], $0x80, s12, s19, $0xb8;
	[tilespmem:$0x1F720] =	vst v63  }
0x56: {  	_ =	swait.ge [sflag:s29], $0x3200  }
0x57: {  	[sflag:s29] =	ssyncset.done $0x0  }
0x58: {  	s13 =	simm.s32 $0x1658;
	[sflag:s29] =	ssyncadd.s32 $0xFFFFCE00  }
0x59: {  	[spmem:s1] =	stream.indirect.scatter.add.f32 [tilespmem:s28], [sflag:$0x6], $0x80, s13, s19, $0xb8;
	[tilespmem:$0x1F720] =	vst v63  }
0x5a: {  	_ =	swait.ge [sflag:s31], $0x3200  }
0x5b: {  	[sflag:s31] =	ssyncset.done $0x0  }
0x5c: {  	s5 =	simm.s32 $0x4E0;
	s12 =	simm.s32 $0x270;
	[sflag:s31] =	ssyncadd.s32 $0xFFFFCE00  }
.LBB2_2:
0x5d: {  	[tilespmem:s20], [sflag:$0x1] =	stream.indirect.gather [hbm4b:s3+s19], $0x80, s12, s19, $0xb8;
	[tilespmem:$0x1F720] =	vst v63  }
0x5e: {  	s12 =	smov.u32 s5  }
0x5f: {  	p1 =	sne.s32 s5, $0x4440;
	s5 =	sadd.s32 $0x4E0, s5;
	_ =	swait.ge [sflag:s21], $0x3200  }
0x60: {  	s12 =	sshra.s32 s12, $0x2;
	[sflag:s21] =	ssyncset.done $0x0  }
0x61: {  	s13 =	sadd.s32 $0x1588, s12;
	[sflag:s21] =	ssyncadd.s32 $0xFFFFCE00  }
0x62: {  	[spmem:s1] =	stream.indirect.scatter.add.f32 [tilespmem:s20], [sflag:$0x4], $0x80, s13, s19, $0xb8;
	[tilespmem:$0x1F720] =	vst v63  }
0x63: {  	_ =	swait.ge [sflag:s4], $0x3200  }
0x64: {  	[sflag:s4] =	ssyncset.done $0x0  }
0x65: {  	s13 =	sadd.s32 $0x1A0, s12;
	[sflag:s4] =	ssyncadd.s32 $0xFFFFCE00  }
0x66: {  	[tilespmem:s23], [sflag:$0x2] =	stream.indirect.gather [hbm4b:s3+s19], $0x80, s13, s19, $0xb8;
	[tilespmem:$0x1F720] =	vst v63  }
0x67: {  	_ =	swait.ge [sflag:s24], $0x3200  }
0x68: {  	[sflag:s24] =	ssyncset.done $0x0  }
0x69: {  	s13 =	sadd.s32 $0x15F0, s12;
	[sflag:s24] =	ssyncadd.s32 $0xFFFFCE00  }
0x6a: {  	[spmem:s1] =	stream.indirect.scatter.add.f32 [tilespmem:s23], [sflag:$0x5], $0x80, s13, s19, $0xb8;
	[tilespmem:$0x1F720] =	vst v63  }
0x6b: {  	_ =	swait.ge [sflag:s6], $0x3200  }
0x6c: {  	[sflag:s6] =	ssyncset.done $0x0  }
0x6d: {  	s13 =	sadd.s32 $0x208, s12;
	[sflag:s6] =	ssyncadd.s32 $0xFFFFCE00  }
0x6e: {  	[tilespmem:s28], [sflag:$0x3] =	stream.indirect.gather [hbm4b:s3+s19], $0x80, s13, s19, $0xb8;
	[tilespmem:$0x1F720] =	vst v63  }
0x6f: {  	_ =	swait.ge [sflag:s29], $0x3200  }
0x70: {  	[sflag:s29] =	ssyncset.done $0x0  }
.Ltmp0:
0x71: {  	s13 =	sadd.s32 $0x1658, s12;
	[sflag:s29] =	ssyncadd.s32 $0xFFFFCE00;
	(pc) =	sbr.rel @p1 .LBB2_2-.Ltmp0, $4  }
0x72: {  	[spmem:s1] =	stream.indirect.scatter.add.f32 [tilespmem:s28], [sflag:$0x6], $0x80, s13, s19, $0xb8;
	[tilespmem:$0x1F720] =	vst v63  }
0x73: {  	_ =	swait.ge [sflag:s31], $0x3200  }
0x74: {  	[sflag:s31] =	ssyncset.done $0x0  }
0x75: {  	s12 =	sadd.s32 $0x270, s12;
	[sflag:s31] =	ssyncadd.s32 $0xFFFFCE00  }
0x76: {  	[tilespmem:s20], [sflag:$0x1] =	stream.indirect.gather [hbm4b:s3+s19], $0x80, s12, s19, $0xb8;
	[tilespmem:$0x1F720] =	vst v63  }
0x77: {  	_ =	swait.ge [sflag:s21], $0x3200  }
0x78: {  	[sflag:s21] =	ssyncset.done $0x0  }
0x79: {  	[sflag:s21] =	ssyncadd.s32 $0xFFFFCE00  }
0x7a: {  	[spmem:s1] =	stream.indirect.scatter.add.f32 [tilespmem:s20], [sflag:$0x4], $0x80, s7, s19, $0xb8;
	[tilespmem:$0x1F720] =	vst v63  }
0x7b: {  	_ =	swait.ge [sflag:s4], $0x3200  }
0x7c: {  	[sflag:s4] =	ssyncset.done $0x0  }
0x7d: {  	[sflag:s4] =	ssyncadd.s32 $0xFFFFCE00  }
0x7e: {  	[tilespmem:s23], [sflag:$0x2] =	stream.indirect.gather [hbm4b:s3+s19], $0x80, s8, s19, $0xb8;
	[tilespmem:$0x1F720] =	vst v63  }
0x7f: {  	_ =	swait.ge [sflag:s24], $0x3200  }
0x80: {  	[sflag:s24] =	ssyncset.done $0x0  }
0x81: {  	[sflag:s24] =	ssyncadd.s32 $0xFFFFCE00  }
0x82: {  	[spmem:s1] =	stream.indirect.scatter.add.f32 [tilespmem:s23], [sflag:$0x5], $0x80, s9, s19, $0xb8;
	[tilespmem:$0x1F720] =	vst v63  }
0x83: {  	_ =	swait.ge [sflag:s6], $0x3200  }
0x84: {  	[sflag:s6] =	ssyncset.done $0x0  }
0x85: {  	[sflag:s6] =	ssyncadd.s32 $0xFFFFCE00  }
0x86: {  	_ =	swait.ge [sflag:s31], $0x3200  }
0x87: {  	[sflag:s31] =	ssyncset.done $0x0  }
0x88: {  	[sflag:s31] =	ssyncadd.s32 $0xFFFFCE00  }
0x89: {  	_ =	swait.ge [sflag:s4], $0x3200  }
0x8a: {  	[sflag:s4] =	ssyncset.done $0x0  }
0x8b: {  	s5 =	simm.s32 $0x0;
	s13 =	rddreg [dreg:$0x9];
	[sflag:s4] =	ssyncadd.s32 $0xFFFFCE00  }
0x8c: {  	[tilespmem:s5], [sflag:$0x8] =	stream.linear.gather [hbm4b:s13+s5], $0x1450, $0x38;
	[tilespmem:$0x1F720] =	vst v63  }
0x8d: {  	_ =	swait.ge [sflag:s10], $0x1450  }
0x8e: {  	[sflag:s10] =	ssyncset.done $0x0  }
0x8f: {  	s13 =	rddreg [dreg:$0xa];
	[sflag:s10] =	ssyncadd.s32 $0xFFFFEBB0  }
0x90: {  	[tilespmem:s16], [sflag:$0x8] =	stream.linear.gather [hbm4b:s13+s5], $0x1450, $0x38;
	[tilespmem:$0x1F720] =	vst v63  }
0x91: {  	_ =	swait.ge [sflag:s10], $0x1450  }
0x92: {  	[sflag:s10] =	ssyncset.done $0x0  }
0x93: {  	[sflag:s10] =	ssyncadd.s32 $0xFFFFEBB0  }
0x94: {  	[tilespmem:s20], [sflag:$0x1] =	stream.indirect.gather [hbm4b:s3+s19], $0x80, s5, s19, $0xb8;
	[tilespmem:$0x1F720] =	vst v63  }
0x95: {  	_ =	swait.ge [sflag:s21], $0x3200  }
0x96: {  	[sflag:s21] =	ssyncset.done $0x0  }
0x97: {  	[sflag:s21] =	ssyncadd.s32 $0xFFFFCE00  }
0x98: {  	[spmem:s1] =	stream.indirect.scatter.add.f32 [tilespmem:s20], [sflag:$0x4], $0x80, s16, s19, $0xb8;
	[tilespmem:$0x1F720] =	vst v63  }
0x99: {  	_ = 	snop  }
0x9a: {  	[tilespmem:s23], [sflag:$0x2] =	stream.indirect.gather [hbm4b:s3+s19], $0x80, s22, s19, $0xb8;
	[tilespmem:$0x1F720] =	vst v63  }
0x9b: {  	_ =	swait.ge [sflag:s24], $0x3200  }
0x9c: {  	[sflag:s24] =	ssyncset.done $0x0  }
0x9d: {  	[sflag:s24] =	ssyncadd.s32 $0xFFFFCE00  }
0x9e: {  	[spmem:s1] =	stream.indirect.scatter.add.f32 [tilespmem:s23], [sflag:$0x5], $0x80, s25, s19, $0xb8;
	[tilespmem:$0x1F720] =	vst v63  }
0x9f: {  	_ = 	snop  }
0xa0: {  	[tilespmem:s28], [sflag:$0x3] =	stream.indirect.gather [hbm4b:s3+s19], $0x80, s26, s19, $0xb8;
	[tilespmem:$0x1F720] =	vst v63  }
0xa1: {  	_ =	swait.ge [sflag:s29], $0x3200  }
0xa2: {  	[sflag:s29] =	ssyncset.done $0x0  }
0xa3: {  	[sflag:s29] =	ssyncadd.s32 $0xFFFFCE00  }
0xa4: {  	[spmem:s1] =	stream.indirect.scatter.add.f32 [tilespmem:s28], [sflag:$0x6], $0x80, s30, s19, $0xb8;
	[tilespmem:$0x1F720] =	vst v63  }
0xa5: {  	_ =	swait.ge [sflag:s31], $0x3200  }
0xa6: {  	[sflag:s31] =	ssyncset.done $0x0  }
0xa7: {  	[sflag:s31] =	ssyncadd.s32 $0xFFFFCE00  }
0xa8: {  	[tilespmem:s20], [sflag:$0x1] =	stream.indirect.gather [hbm4b:s3+s19], $0x80, s0, s19, $0xb8;
	[tilespmem:$0x1F720] =	vst v63  }
0xa9: {  	_ =	swait.ge [sflag:s21], $0x3200  }
0xaa: {  	[sflag:s21] =	ssyncset.done $0x0  }
0xab: {  	s13 =	simm.s32 $0x1588;
	[sflag:s21] =	ssyncadd.s32 $0xFFFFCE00  }
0xac: {  	[spmem:s1] =	stream.indirect.scatter.add.f32 [tilespmem:s20], [sflag:$0x4], $0x80, s13, s19, $0xb8;
	[tilespmem:$0x1F720] =	vst v63  }
0xad: {  	_ =	swait.ge [sflag:s4], $0x3200  }
0xae: {  	[sflag:s4] =	ssyncset.done $0x0  }
0xaf: {  	s12 =	simm.s32 $0x1A0;
	[sflag:s4] =	ssyncadd.s32 $0xFFFFCE00  }
0xb0: {  	[tilespmem:s23], [sflag:$0x2] =	stream.indirect.gather [hbm4b:s3+s19], $0x80, s12, s19, $0xb8;
	[tilespmem:$0x1F720] =	vst v63  }
0xb1: {  	_ =	swait.ge [sflag:s24], $0x3200  }
0xb2: {  	[sflag:s24] =	ssyncset.done $0x0  }
0xb3: {  	s13 =	simm.s32 $0x15F0;
	[sflag:s24] =	ssyncadd.s32 $0xFFFFCE00  }
0xb4: {  	[spmem:s1] =	stream.indirect.scatter.add.f32 [tilespmem:s23], [sflag:$0x5], $0x80, s13, s19, $0xb8;
	[tilespmem:$0x1F720] =	vst v63  }
0xb5: {  	_ =	swait.ge [sflag:s6], $0x3200  }
0xb6: {  	[sflag:s6] =	ssyncset.done $0x0  }
0xb7: {  	s12 =	simm.s32 $0x208;
	[sflag:s6] =	ssyncadd.s32 $0xFFFFCE00  }
0xb8: {  	[tilespmem:s28], [sflag:$0x3] =	stream.indirect.gather [hbm4b:s3+s19], $0x80, s12, s19, $0xb8;
	[tilespmem:$0x1F720] =	vst v63  }
0xb9: {  	_ =	swait.ge [sflag:s29], $0x3200  }
0xba: {  	[sflag:s29] =	ssyncset.done $0x0  }
0xbb: {  	s13 =	simm.s32 $0x1658;
	[sflag:s29] =	ssyncadd.s32 $0xFFFFCE00  }
0xbc: {  	[spmem:s1] =	stream.indirect.scatter.add.f32 [tilespmem:s28], [sflag:$0x6], $0x80, s13, s19, $0xb8;
	[tilespmem:$0x1F720] =	vst v63  }
0xbd: {  	_ =	swait.ge [sflag:s31], $0x3200  }
0xbe: {  	[sflag:s31] =	ssyncset.done $0x0  }
0xbf: {  	s5 =	simm.s32 $0x4E0;
	s12 =	simm.s32 $0x270;
	[sflag:s31] =	ssyncadd.s32 $0xFFFFCE00  }
.LBB2_4:
0xc0: {  	[tilespmem:s20], [sflag:$0x1] =	stream.indirect.gather [hbm4b:s3+s19], $0x80, s12, s19, $0xb8;
	[tilespmem:$0x1F720] =	vst v63  }
0xc1: {  	s12 =	smov.u32 s5  }
0xc2: {  	p1 =	sne.s32 s5, $0x4440;
	s5 =	sadd.s32 $0x4E0, s5;
	_ =	swait.ge [sflag:s21], $0x3200  }
0xc3: {  	s12 =	sshra.s32 s12, $0x2;
	[sflag:s21] =	ssyncset.done $0x0  }
0xc4: {  	s13 =	sadd.s32 $0x1588, s12;
	[sflag:s21] =	ssyncadd.s32 $0xFFFFCE00  }
0xc5: {  	[spmem:s1] =	stream.indirect.scatter.add.f32 [tilespmem:s20], [sflag:$0x4], $0x80, s13, s19, $0xb8;
	[tilespmem:$0x1F720] =	vst v63  }
0xc6: {  	_ =	swait.ge [sflag:s4], $0x3200  }
0xc7: {  	[sflag:s4] =	ssyncset.done $0x0  }
0xc8: {  	s13 =	sadd.s32 $0x1A0, s12;
	[sflag:s4] =	ssyncadd.s32 $0xFFFFCE00  }
0xc9: {  	[tilespmem:s23], [sflag:$0x2] =	stream.indirect.gather [hbm4b:s3+s19], $0x80, s13, s19, $0xb8;
	[tilespmem:$0x1F720] =	vst v63  }
0xca: {  	_ =	swait.ge [sflag:s24], $0x3200  }
0xcb: {  	[sflag:s24] =	ssyncset.done $0x0  }
0xcc: {  	s13 =	sadd.s32 $0x15F0, s12;
	[sflag:s24] =	ssyncadd.s32 $0xFFFFCE00  }
0xcd: {  	[spmem:s1] =	stream.indirect.scatter.add.f32 [tilespmem:s23], [sflag:$0x5], $0x80, s13, s19, $0xb8;
	[tilespmem:$0x1F720] =	vst v63  }
0xce: {  	_ =	swait.ge [sflag:s6], $0x3200  }
0xcf: {  	[sflag:s6] =	ssyncset.done $0x0  }
0xd0: {  	s13 =	sadd.s32 $0x208, s12;
	[sflag:s6] =	ssyncadd.s32 $0xFFFFCE00  }
0xd1: {  	[tilespmem:s28], [sflag:$0x3] =	stream.indirect.gather [hbm4b:s3+s19], $0x80, s13, s19, $0xb8;
	[tilespmem:$0x1F720] =	vst v63  }
0xd2: {  	_ =	swait.ge [sflag:s29], $0x3200  }
0xd3: {  	[sflag:s29] =	ssyncset.done $0x0  }
.Ltmp1:
0xd4: {  	s13 =	sadd.s32 $0x1658, s12;
	[sflag:s29] =	ssyncadd.s32 $0xFFFFCE00;
	(pc) =	sbr.rel @p1 .LBB2_4-.Ltmp1, $4  }
0xd5: {  	[spmem:s1] =	stream.indirect.scatter.add.f32 [tilespmem:s28], [sflag:$0x6], $0x80, s13, s19, $0xb8;
	[tilespmem:$0x1F720] =	vst v63  }
0xd6: {  	_ =	swait.ge [sflag:s31], $0x3200  }
0xd7: {  	[sflag:s31] =	ssyncset.done $0x0  }
0xd8: {  	s12 =	sadd.s32 $0x270, s12;
	[sflag:s31] =	ssyncadd.s32 $0xFFFFCE00  }
0xd9: {  	[tilespmem:s20], [sflag:$0x1] =	stream.indirect.gather [hbm4b:s3+s19], $0x80, s12, s19, $0xb8;
	[tilespmem:$0x1F720] =	vst v63  }
0xda: {  	_ =	swait.ge [sflag:s21], $0x3200  }
0xdb: {  	[sflag:s21] =	ssyncset.done $0x0  }
0xdc: {  	[sflag:s21] =	ssyncadd.s32 $0xFFFFCE00  }
0xdd: {  	[spmem:s1] =	stream.indirect.scatter.add.f32 [tilespmem:s20], [sflag:$0x4], $0x80, s7, s19, $0xb8;
	[tilespmem:$0x1F720] =	vst v63  }
0xde: {  	_ =	swait.ge [sflag:s4], $0x3200  }
0xdf: {  	[sflag:s4] =	ssyncset.done $0x0  }
0xe0: {  	[sflag:s4] =	ssyncadd.s32 $0xFFFFCE00  }
0xe1: {  	[tilespmem:s23], [sflag:$0x2] =	stream.indirect.gather [hbm4b:s3+s19], $0x80, s8, s19, $0xb8;
	[tilespmem:$0x1F720] =	vst v63  }
0xe2: {  	_ =	swait.ge [sflag:s24], $0x3200  }
0xe3: {  	[sflag:s24] =	ssyncset.done $0x0  }
0xe4: {  	[sflag:s24] =	ssyncadd.s32 $0xFFFFCE00  }
0xe5: {  	[spmem:s1] =	stream.indirect.scatter.add.f32 [tilespmem:s23], [sflag:$0x5], $0x80, s9, s19, $0xb8;
	[tilespmem:$0x1F720] =	vst v63  }
0xe6: {  	_ =	swait.ge [sflag:s6], $0x3200  }
0xe7: {  	[sflag:s6] =	ssyncset.done $0x0  }
0xe8: {  	[sflag:s6] =	ssyncadd.s32 $0xFFFFCE00  }
0xe9: {  	_ =	swait.ge [sflag:s31], $0x3200  }
0xea: {  	[sflag:s31] =	ssyncset.done $0x0  }
0xeb: {  	[sflag:s31] =	ssyncadd.s32 $0xFFFFCE00  }
0xec: {  	_ =	swait.ge [sflag:s4], $0x3200  }
0xed: {  	[sflag:s4] =	ssyncset.done $0x0  }
0xee: {  	[sflag:s4] =	ssyncadd.s32 $0xFFFFCE00  }
0xef: {  	[bflag:$0x0] =	sbarrier.arrive $0xFFFF  }
0xf0: {  	s5 =	rddreg [dreg:$0x4]  }
0xf1: {  	s13 =	rddreg [dreg:$0xb];
	s5 =	sor.u32 $0x1C08, s5  }
0xf2: {  	[hbm:s13], [sflag:s5] =	dma.local [spmem:s15], $0x2700  }
0xf3: {  	_ =	swait.ge [sflag:s10], $0x2700  }
0xf4: {  	s11 =	sadd.s32 $0x1, s11;
	[sflag:s10] =	ssyncset.done $0x0  }
0xf5: {  	p1 =	sne.s32 s11, s14;
	s12 =	rddreg [dreg:$0xc];
	[sflag:s10] =	ssyncadd.s32 $0xFFFFD900  }
0xf6: {  	[hbm:s12], [sflag:s5] =	dma.local @!p0 [spmem:s17], $0x100  }
.Ltmp2:
0xf7: {  	_ = 	snop;
	(pc) =	sbr.rel @p1 .LBB2_1-.Ltmp2, $4  }
0xf8: {  	s5 =	simm.s32 @!p0 $0x8  }
0xf9: {  	_ =	swait.ge @!p0 [sflag:s5], $0x100  }
0xfa: {  	[sflag:s5] =	ssyncset.done @!p0 $0x0  }
0xfb: {  	[sflag:s5] =	ssyncadd.s32 @!p0 $0xFFFFFF00  }
0xfc: {  	_ =	sfence.sel $0x180000  }
0xfd: {  	[bflag:$0x0] =	sbarrier.arrive $0xFFFF  }
0xfe: {  	_ =	strace $0x9000004A  }
0xff: {  	[bflag:$0x2] =	sbarrier.arrive $0xFFFF  }
0x100: {  	s0 =	rddreg [dreg:$0x2]  }
0x101: {  	s0 =	sadd.s32 @!p0 $0x100000, s0  }
0x102: {  	[sflag:s0] =	ssyncadd.tile.s32 @!p0 $0x1;
	_ =	shalt  }
.Lfunc_end2:
_tile_overlayer_lowered:
.L_overlay_start_2:
0x103: {  	(tag) =	ssettag $0x2  }
0x104: {  	s0 =	rddreg [dreg:$0x0];
	s2 =	stileid.u32  }
0x105: {  	s1 =	rddreg [dreg:$0x1];
	p0 =	sne.s32 s2, $0x0  }
0x106: {  	s3 =	rddreg [dreg:$0x2];
	[bflag:$0x3] =	sbarrier.arrive $0xFFFF;
	s2 =	simm.s32 @!p0 $0x1C08  }
0x107: {  	[timem:s3], [sflag:s2] =	dma.local @!p0 [hbm:s0], s1  }
0x108: {  	s0 =	simm.s32 @!p0 $0x8  }
0x109: {  	_ =	swait.ge @!p0 [sflag:s0], s1  }
0x10a: {  	s1 =	ssub.s32 @!p0 $0x0, s1;
	[sflag:s0] =	ssyncset.done @!p0 $0x0  }
0x10b: {  	[sflag:s0] =	ssyncadd.s32 @!p0 s1  }
0x10c: {  	[bflag:$0x3] =	sbarrier.arrive $0xFFFF  }
0x10d: {  	_ =	shalt  }

// kernel: kernel.15.cloned.1.call-start
scs
__scs_entry_jumppad:
0x0: {  	(pc) =	sbr.rel $0x88, $3  }
0x1: {  	(tag) =	ssettag $0x0;
	lr =	simm.s32 $0x1  }
0x2: {  	[smem:$0x3F99] =	sst lr;
	_ =	strace $0xD0000000  }
0x3: {  	_ = 	snop  }
0x4: {  	_ = 	snop  }
0x5: {  	_ = 	snop  }
0x6: {  	_ = 	snop  }
0x7: {  	_ = 	snop  }
__scs_overlays_trampoline_lowered:
0x8: {  	[smem:$0x3FA8] =	sst s0  }
0x9: {  	[smem:$0x3FA9] =	sst s1  }
0xa: {  	[smem:$0x3FAA] =	sst s2  }
0xb: {  	[smem:$0x3FAB] =	sst s3  }
0xc: {  	[smem:$0x3FAC] =	sst s4  }
0xd: {  	[smem:$0x3FAD] =	sst s5  }
0xe: {  	[smem:$0x3FAE] =	sst s6  }
0xf: {  	[smem:$0x3FAF] =	sst s7  }
0x10: {  	[smem:$0x3FB0] =	sst s8  }
0x11: {  	[smem:$0x3FB1] =	sst s9;
	s0 =	simm.s32 @!p0 $0x0  }
0x12: {  	s1 =	sld [smem:$0x3F97];
	s0 =	simm.s32 @p0 $0x1  }
0x13: {  	[smem:$0x3FB2] =	sst s0;
	s0 =	simm.s32 @!p1 $0x0  }
0x14: {  	s2 =	sld [smem:$0x3F96];
	s0 =	simm.s32 @p1 $0x1  }
0x15: {  	[smem:$0x3FB3] =	sst s0;
	s0 =	simm.s32 @!p2 $0x0  }
0x16: {  	s3 =	sld [smem:$0x3FDB];
	s0 =	simm.s32 @p2 $0x1  }
0x17: {  	s4 =	simm.s32 $0x1BF5;
	[smem:$0x3FB5] =	sst s0  }
0x18: {  	s0 =	sld [smem:$0x3F98];
	_ =	swait.ge [sflag:s4], $0x0  }
0x19: {  	s7 =	sld [smem:$0x3F99]  }
0x1a: {  	s8 =	sadd.s32 $0xFFFFE003, lr  }
0x1b: {  	s9 =	sadd.s32 $0xFFFFFEF7, lr;
	s5 =	simm.s32 $0xFFFFFFFF;
	p2 =	slt.u32 s8, $0xFFFFF086  }
0x1c: {  	p1 =	slt.u32 s9, $0xF7A;
	s5 =	simm.s32 @!p2 $0x0  }
0x1d: {  	s5 =	simm.s32 @p1 $0x1;
	p0 =	seq.s32 s7, s2  }
0x1e: {  	s7 =	smul.u32 @!p0 $0xF7A, s2;
	p2 =	seq.s32 @!p0 s5, $0x0  }
0x1f: {  	s9 =	smul.u32 $0xF7A, s1;
	s8 =	simm.s32 @!p0 $0x1BF5;
	p2 =	por !p2, p0  }
0x20: {  	[sflag:s8] =	ssyncset.s32 @!p0 $0xFFFFF086;
	s6 =	sadd.s32 @!p0 s3, s7;
	s7 =	simm.s32 @!p0 $0x108  }
0x21: {  	s3 =	sadd.s32 s3, s9;
	s6 =	sadd.s32 @!p0 $0x88, s6;
	s7 =	simm.s32 @p2 $0x1082  }
0x22: {  	[simem:s7], [sflag:s8] =	dma.local @!p0 [hbm:s6], $0xF7A  }
0x23: {  	s9 =	sor.u32 $0xD0000000, s2;
	s6 =	simm.s32 $0x108;
	_ =	swait.ge @!p0 [sflag:s8], $0x0  }
0x24: {  	s3 =	sadd.s32 $0x88, s3;
	s6 =	simm.s32 @!p1 $0x1082;
	[sflag:s4] =	ssyncset.s32 $0xFFFFF086  }
0x25: {  	[simem:s6], [sflag:s4] =	dma.local [hbm:s3], $0xF7A  }
0x26: {  	[smem:$0x3F99] =	sst s1;
	(tag) =	ssettag s2;
	_ =	strace s9  }
0x27: {  	s1 =	sld [smem:$0x3FA9]  }
0x28: {  	s2 =	sld [smem:$0x3FAA]  }
0x29: {  	s4 =	sld [smem:$0x3FAC]  }
0x2a: {  	p0 =	seq.s32 s5, $0x0;
	s5 =	sld [smem:$0x3FAD]  }
0x2b: {  	s6 =	sld [smem:$0x3FAE]  }
0x2c: {  	s7 =	sld [smem:$0x3FAF]  }
0x2d: {  	s3 =	simm.s32 $0x108;
	s8 =	sld [smem:$0x3FB0]  }
0x2e: {  	s3 =	simm.s32 @!p0 $0x1082;
	s9 =	sld [smem:$0x3FB1]  }
0x2f: {  	lr =	sadd.s32 s0, s3;
	s0 =	sld [smem:$0x3FA8]  }
0x30: {  	s3 =	sld [smem:$0x3FAB]  }
0x31: {  	[smem:$0x3FB4] =	sst s10  }
0x32: {  	s10 =	sld [smem:$0x3FB2];
	_ =	sdelay $0x3  }
0x33: {  	p0 =	seq.s32 s10, $0x1;
	s10 =	sld [smem:$0x3FB4];
	_ =	sdelay $0x3  }
0x34: {  	[smem:$0x3FB4] =	sst s10  }
0x35: {  	s10 =	sld [smem:$0x3FB3];
	_ =	sdelay $0x3  }
0x36: {  	p1 =	seq.s32 s10, $0x1;
	s10 =	sld [smem:$0x3FB4];
	_ =	sdelay $0x3  }
0x37: {  	[smem:$0x3FB4] =	sst s10  }
0x38: {  	s10 =	sld [smem:$0x3FB5]  }
0x39: {  	_ = 	snop;
	(pc) =	sbr.ind lr, $3  }
0x3a: {  	_ = 	snop  }
0x3b: {  	_ = 	snop  }
0x3c: {  	p2 =	seq.s32 s10, $0x1;
	s10 =	sld [smem:$0x3FB4]  }
0x3d: {  	_ =	shalt  }
0x3e: {  	_ =	shalt  }
0x3f: {  	_ =	shalt  }
0x40: {  	_ =	shalt  }
0x41: {  	_ =	shalt  }
0x42: {  	_ =	shalt  }
0x43: {  	_ =	shalt  }
0x44: {  	_ =	shalt  }
0x45: {  	_ =	shalt  }
0x46: {  	_ =	shalt  }
0x47: {  	_ =	shalt  }
0x48: {  	_ =	shalt  }
0x49: {  	_ =	shalt  }
0x4a: {  	_ =	shalt  }
0x4b: {  	_ =	shalt  }
0x4c: {  	_ =	shalt  }
0x4d: {  	_ =	shalt  }
0x4e: {  	_ =	shalt  }
0x4f: {  	_ =	shalt  }
0x50: {  	_ =	shalt  }
0x51: {  	_ =	shalt  }
0x52: {  	_ =	shalt  }
0x53: {  	_ =	shalt  }
0x54: {  	_ =	shalt  }
0x55: {  	_ =	shalt  }
0x56: {  	_ =	shalt  }
0x57: {  	_ =	shalt  }
0x58: {  	_ =	shalt  }
0x59: {  	_ =	shalt  }
0x5a: {  	_ =	shalt  }
0x5b: {  	_ =	shalt  }
0x5c: {  	_ =	shalt  }
0x5d: {  	_ =	shalt  }
0x5e: {  	_ =	shalt  }
0x5f: {  	_ =	shalt  }
0x60: {  	_ =	shalt  }
0x61: {  	_ =	shalt  }
0x62: {  	_ =	shalt  }
0x63: {  	_ =	shalt  }
0x64: {  	_ =	shalt  }
0x65: {  	_ =	shalt  }
0x66: {  	_ =	shalt  }
0x67: {  	_ =	shalt  }
0x68: {  	_ =	shalt  }
0x69: {  	_ =	shalt  }
0x6a: {  	_ =	shalt  }
0x6b: {  	_ =	shalt  }
0x6c: {  	_ =	shalt  }
0x6d: {  	_ =	shalt  }
0x6e: {  	_ =	shalt  }
0x6f: {  	_ =	shalt  }
0x70: {  	_ =	shalt  }
0x71: {  	_ =	shalt  }
0x72: {  	_ =	shalt  }
0x73: {  	_ =	shalt  }
0x74: {  	_ =	shalt  }
0x75: {  	_ =	shalt  }
0x76: {  	_ =	shalt  }
0x77: {  	_ =	shalt  }
0x78: {  	_ =	shalt  }
0x79: {  	_ =	shalt  }
0x7a: {  	_ =	shalt  }
0x7b: {  	_ =	shalt  }
0x7c: {  	_ =	shalt  }
0x7d: {  	_ =	shalt  }
0x7e: {  	_ =	shalt  }
0x7f: {  	_ =	shalt  }
0x80: {  	_ =	shalt  }
0x81: {  	_ =	shalt  }
0x82: {  	_ =	shalt  }
0x83: {  	_ =	shalt  }
0x84: {  	_ =	shalt  }
0x85: {  	_ =	shalt  }
0x86: {  	_ =	shalt  }
0x87: {  	_ =	shalt  }
.Lfunc_end0:
.L_simem_size_0:
called_computation.2_lowered:
.L_overlay_start_0:
0x88: {  	s2 =	sld [smem:$0x3FD9]  }
0x89: {  	s3 =	sld [smem:$0x3FFE];
	_ =	sdelay $0x1  }
0x8a: {  	s1 =	srdreg.scid  }
0x8b: {  	s0 =	sand.u32 $0x1, s1  }
0x8c: {  	s16 =	sshll.u32 s0, $0xA;
	s2 =	sadd.s32 s3, s2  }
0x8d: {  	s2 =	sadd.s32 s2, s16  }
0x8e: {  	[smem:$0x3FC0] =	sst s2  }
0x8f: {  	_ = 	snop  }
0x90: {  	(tm) =	ssettm $0x1  }
0x91: {  	s17 =	sld [smem:$0x3FFB];
	_ =	sdelay $0x3  }
0x92: {  	_ =	strace s17  }
0x93: {  	s2 =	sld [smem:$0x3FFC];
	_ =	sdelay $0x3  }
0x94: {  	_ =	strace s2  }
0x95: {  	s2 =	sld [smem:$0x3FFD];
	_ =	sdelay $0x3  }
0x96: {  	_ =	strace s2  }
0x97: {  	_ =	strace $0x8FFFFFFF  }
0x98: {  	s18 =	sld [smem:$0x3FDB];
	_ =	sdelay $0x1  }
0x99: {  	s19 =	simm.s32 $_scs_section_size  }
0x9a: {  	s4 =	simm.s32 $_size__tile_overlayer_lowered;
	s5 =	simm.s32 $_tile_overlayer_lowered  }
0x9b: {  	s22 =	simm.s32 $0x1BFF;
	s21 =	sshll.u32 s5, $0x1;
	s2 =	sadd.s32 s19, s18  }
0x9c: {  	s6 =	simm.s32 $0x0;
	s20 =	sshll.u32 s4, $0x1;
	s4 =	sadd.s32 s21, s2  }
0x9d: {  	[timem:s6], [sflag:s22] =	dma.local [hbm:s4], s20  }
0x9e: {  	_ =	swait.ge [sflag:s22], s20  }
0x9f: {  	s3 =	ssub.s32 $0x0, s20;
	[sflag:s22] =	ssyncset.done $0x0  }
0xa0: {  	[sflag:s22] =	ssyncadd.s32 s3;
	_ =	sdelay $0x1  }
0xa1: {  	s23 =	simm.s32 $0x1B8B  }
0xa2: {  	_ =	swait.ge [sflag:s23], $0x1  }
0xa3: {  	[sflag:s23] =	ssyncset.done $0x0  }
0xa4: {  	s25 =	simm.s32 $0x1B8E;
	s24 =	sld [smem:$0x3FFE];
	[sflag:s23] =	ssyncadd.s32 $0xFFFFFFFF  }
0xa5: {  	s26 =	simm.s32 $execute0_lowered;
	[smem:$0x3FD2] =	sst s25  }
0xa6: {  	s4 =	sshll.u32 s26, $0x1;
	_ =	strace $0x8000004C;
	[dreg:$0x1] =	wrdreg $0xFFFFFFFF  }
0xa7: {  	s28 =	simm.s32 $_size_execute0_lowered;
	s2 =	sadd.s32 s2, s4;
	[dreg:$0x0] =	wrdreg $0x0  }
0xa8: {  	s4 =	sshll.u32 s28, $0x1;
	[dreg:$0x2] =	wrdreg s2  }
0xa9: {  	[dreg:$0x3] =	wrdreg s4  }
0xaa: {  	[dreg:$0x4] =	wrdreg $0xC0  }
0xab: {  	_ =	task [dreg:s6], $0x5FFFF  }
0xac: {  	[dreg:$0x1] =	wrdreg $0xFFFFFFFF  }
0xad: {  	[dreg:$0x0] =	wrdreg $0x60  }
0xae: {  	[dreg:$0x2] =	wrdreg s24  }
0xaf: {  	[dreg:$0x3] =	wrdreg $0x9C400  }
0xb0: {  	[dreg:$0x4] =	wrdreg $0x9  }
0xb1: {  	_ =	task.clear_ibuf [dreg:s6], $0x5FFFF;
	_ =	strace $0x9000004C  }
0xb2: {  	s29 =	simm.s32 $0x9;
	_ =	strace $0x8000004E  }
0xb3: {  	_ =	swait.ge [sflag:s29], $0x1  }
0xb4: {  	[sflag:s29] =	ssyncadd.s32 $0xFFFFFFFF  }
0xb5: {  	_ =	strace $0x9000004E  }
0xb6: {  	_ =	sfence  }
0xb7: {  	s30 =	sld [smem:$0x0];
	_ =	sdelay $0x2  }
0xb8: {  	s31 =	sshll.u32 s1, $0xD;
	s1 =	sshrl.u32 s1, $0x2  }
0xb9: {  	s3 =	sand.u32 $0x4000, s31;
	s1 =	sadd.s32 s1, s30  }
0xba: {  	s0 =	sor.u32 s3, s0;
	s1 =	sshll.u32 s1, $0x11  }
0xbb: {  	s0 =	sor.u32 s1, s0  }
0xbc: {  	s0 =	sadd.s32 $0x8F2B, s0  }
0xbd: {  	[sflag:s0] =	ssyncadd.remote.s32 $0x1  }
0xbe: {  	_ =	sfence.sel $0xFFFF  }
0xbf: {  	[dreg:$0x0] =	wrdreg $0xFFFFFFFF;
	(pc) =	sbr.abs _section_cstart, $3  }
0xc0: {  	[dreg:$0x1] =	wrdreg $0xFFFFFFFF  }
0xc1: {  	_ =	task.clear_ibuf [dreg:s6], $0x2FFFF;
	_ =	strace $0x9FFFFFFF  }
0xc2: {  	(tm) =	ssettm $0x7FFFFFFF  }
0xc3: {  	_ =	shalt  }
tec
execute0_lowered:
.L_overlay_start_1:
0x0: {  	(tag) =	ssettag $0x1  }
0x1: {  	s0 =	srdreg.scid  }
0x2: {  	s5 =	rddreg [dreg:$0x0];
	s6 =	stileid.u32  }
0x3: {  	s1 =	rddreg [dreg:$0x1];
	s14 =	simm.s32 $0x28A0;
	s16 =	simm.s32 $0x9  }
0x4: {  	s17 =	simm.s32 $0x64;
	s18 =	simm.s32 $0x5140;
	s20 =	simm.s32 $0x6400  }
0x5: {  	s28 =	simm.s32 $0x8980;
	s29 =	simm.s32 $0x3;
	s31 =	simm.s32 $0x5  }
0x6: {  	s19 =	simm.s32 $0x4;
	s30 =	simm.s32 $0x7;
	s7 =	smul.u32 $0x7500, s6  }
0x7: {  	s0 =	sand.u32 $0x1, s0;
	s11 =	sadd.s32 $0x8C400, s5;
	s22 =	smul.u32 $0x13800, s6  }
0x8: {  	s15 =	sadd.s32 $0x75000, s1;
	p0 =	sne.s32 s6, $0x0;
	s2 =	sshll.u32 s0, $0x4  }
0x9: {  	s9 =	ssub.s32 $0x2, s0;
	s0 =	smul.u32 $0x138800, s0;
	s15 =	sshrl.u32 @!p0 s15, $0x3  }
0xa: {  	s3 =	sor.u32 s6, s2;
	s2 =	simm.s32 $0x0;
	s8 =	sshrl.u32 s7, $0x3  }
0xb: {  	s21 =	sshrl.u32 s9, $0x1;
	s7 =	sadd.s32 s7, s1;
	s4 =	smul.u32 $0x28A0, s3  }
0xc: {  	[smem:$0x7FF] =	sst s2;
	s3 =	sadd.s32 $0x17000, s5;
	s8 =	sadd.s32 s8, s5  }
0xd: {  	s12 =	ssub.s32 s9, s21;
	s9 =	sadd.s32 s22, s0;
	s0 =	sshrl.u32 s0, $0x3  }
0xe: {  	s13 =	sshrl.u32 s7, $0x3;
	s21 =	simm.s32 $0x1;
	s22 =	simm.s32 $0x0  }
0xf: {  	_ =	strace $0x8000004D;
	s8 =	sadd.s32 $0x25C00, s8;
	s26 =	sshrl.u32 s9, $0x3  }
0x10: {  	s0 =	sadd.s32 s11, s0;
	s9 =	sadd.s32 $0x34600, s5;
	s4 =	sshrl.u32 s4, $0x3  }
0x11: {  	s12 =	smax.u32 s12, $0x1;
	s10 =	sadd.s32 s4, s5;
	s4 =	sshll.u32 s6, $0x6  }
.Ltmp0:
0x12: {  	[dreg:$0x3] =	wrdreg s8;
	s23 =	sor.u32 $0x1C09, s4;
	(pc) =	sbr.rel .LBB2_1-.Ltmp0, $4  }
0x13: {  	s24 =	sadd.s32 $0x2A00, s10;
	s25 =	sadd.s32 $0xCC80, s10;
	[dreg:$0x4] =	wrdreg s23  }
0x14: {  	s10 =	sadd.s32 s11, s26;
	s11 =	sadd.s32 $0x27000, s0;
	[dreg:$0x5] =	wrdreg s24  }
0x15: {  	s0 =	simm.s32 $0x8;
	s26 =	simm.s32 $0xA;
	[dreg:$0x6] =	wrdreg s25  }
0x16: {  	s23 =	simm.s32 $0x76C0;
	s24 =	simm.s32 $0x2;
	s25 =	simm.s32 $0x6  }
.LBB2_4:
0x17: {  	_ =	swait.ge [sflag:s19], $0x12C0  }
0x18: {  	[sflag:s19] =	ssyncset.done $0x0  }
0x19: {  	[sflag:s19] =	ssyncadd.s32 $0xFFFFED40  }
0x1a: {  	[spmem:s1] =	stream.indirect.scatter.add.f32 [tilespmem:s28], [sflag:$0x8], $0x30, s7, s17, $0xb8;
	[tilespmem:$0x11170] =	vst v63  }
0x1b: {  	_ =	swait.ge [sflag:s25], $0x12C0  }
0x1c: {  	[sflag:s25] =	ssyncset.done $0x0  }
0x1d: {  	[sflag:s25] =	ssyncadd.s32 $0xFFFFED40  }
0x1e: {  	_ =	swait.ge [sflag:s30], $0x12C0  }
0x1f: {  	[sflag:s30] =	ssyncset.done $0x0  }
0x20: {  	[sflag:s30] =	ssyncadd.s32 $0xFFFFED40  }
0x21: {  	_ =	swait.ge [sflag:s0], $0x12C0  }
0x22: {  	[sflag:s0] =	ssyncset.done $0x0  }
0x23: {  	[sflag:s0] =	ssyncadd.s32 $0xFFFFED40  }
0x24: {  	s5 =	sor.u32 $0x1C0A, s4;
	s6 =	simm.s32 $0x10;
	[bflag:$0x0] =	sbarrier.arrive $0xFFFF  }
0x25: {  	[hbm:s10@s6], [sflag:s5] =	dma.strided [spmem:s13@s25], $0xEA0, s21, $0x6   }
0x26: {  	s22 =	sadd.s32 $0x1, s22;
	_ =	swait.ge [sflag:s26], $0xEA0  }
0x27: {  	s8 =	simm.s32 @!p0 $0x6;
	p1 =	sne.s32 s22, s12;
	[sflag:s26] =	ssyncset.done $0x0  }
0x28: {  	s7 =	simm.s32 @!p0 $0x10;
	s6 =	simm.s32 @!p0 $0x1;
	[sflag:s26] =	ssyncadd.s32 $0xFFFFF160  }
0x29: {  	[hbm:s11@s7], [sflag:s5] =	dma.strided @!p0 [spmem:s15@s8], $0x60, s6, $0x6   }
.Ltmp1:
0x2a: {  	_ = 	snop;
	(pc) =	sbr.rel @!p1 .LBB2_5-.Ltmp1, $4  }
0x2b: {  	s5 =	simm.s32 @!p0 $0xA  }
0x2c: {  	_ =	swait.ge @!p0 [sflag:s5], $0x60  }
0x2d: {  	[sflag:s5] =	ssyncset.done @!p0 $0x0  }
0x2e: {  	[sflag:s5] =	ssyncadd.s32 @!p0 $0xFFFFFFA0  }
.LBB2_1:
0x2f: {  	s5 =	rddreg [dreg:$0x3]  }
0x30: {  	s6 =	rddreg [dreg:$0x4]  }
0x31: {  	[spmem:s13], [sflag:s6] =	dma.local [hbm:s5], $0xEA0  }
0x32: {  	s5 =	rddreg [dreg:$0x5]  }
0x33: {  	[tilespmem:s2], [sflag:$0x9] =	stream.linear.gather [hbm4b:s5+s2], $0x28A0, $0x38;
	[tilespmem:$0x11170] =	vst v63  }
0x34: {  	s6 =	rddreg [dreg:$0x6];
	s5 =	simm.s32 @!p0 $0x1C0A  }
0x35: {  	[tilespmem:s14], [sflag:$0x9] =	stream.linear.gather [hbm4b:s6+s2], $0x28A0, $0x38;
	[tilespmem:$0x11170] =	vst v63  }
0x36: {  	[spmem:s15], [sflag:s5] =	dma.local @!p0 [hbm:s9], $0x60  }
0x37: {  	s5 =	simm.s32 @!p0 $0xA  }
0x38: {  	_ =	swait.ge @!p0 [sflag:s5], $0x60  }
0x39: {  	[sflag:s5] =	ssyncset.done @!p0 $0x0  }
0x3a: {  	[sflag:s5] =	ssyncadd.s32 @!p0 $0xFFFFFFA0  }
0x3b: {  	_ =	swait.ge [sflag:s16], $0xEA0  }
0x3c: {  	[sflag:s16] =	ssyncset.done $0x0  }
0x3d: {  	[sflag:s16] =	ssyncadd.s32 $0xFFFFF160  }
0x3e: {  	_ =	swait.ge [sflag:s16], $0x28A0  }
0x3f: {  	[sflag:s16] =	ssyncset.done $0x0  }
0x40: {  	[sflag:s16] =	ssyncadd.s32 $0xFFFFD760  }
0x41: {  	_ =	swait.ge [sflag:s16], $0x28A0  }
0x42: {  	[sflag:s16] =	ssyncset.done $0x0  }
0x43: {  	[sflag:s16] =	ssyncadd.s32 $0xFFFFD760  }
0x44: {  	[bflag:$0x0] =	sbarrier.arrive $0xFFFF  }
0x45: {  	[tilespmem:s18], [sflag:$0x1] =	stream.indirect.gather [hbm4b:s3+s17], $0x30, s2, s17, $0xb8;
	[tilespmem:$0x11170] =	vst v63  }
0x46: {  	s7 =	simm.s32 $0x68  }
0x47: {  	[tilespmem:s20], [sflag:$0x2] =	stream.indirect.gather [hbm4b:s3+s17], $0x30, s7, s17, $0xb8;
	[tilespmem:$0x11170] =	vst v63  }
0x48: {  	_ =	swait.ge [sflag:s21], $0x12C0  }
0x49: {  	[sflag:s21] =	ssyncset.done $0x0  }
0x4a: {  	[sflag:s21] =	ssyncadd.s32 $0xFFFFED40  }
0x4b: {  	[spmem:s1] =	stream.indirect.scatter.add.f32 [tilespmem:s18], [sflag:$0x5], $0x30, s14, s17, $0xb8;
	[tilespmem:$0x11170] =	vst v63  }
0x4c: {  	s8 =	simm.s32 $0xD0  }
0x4d: {  	[tilespmem:s23], [sflag:$0x3] =	stream.indirect.gather [hbm4b:s3+s17], $0x30, s8, s17, $0xb8;
	[tilespmem:$0x11170] =	vst v63  }
0x4e: {  	_ =	swait.ge [sflag:s24], $0x12C0  }
0x4f: {  	[sflag:s24] =	ssyncset.done $0x0  }
0x50: {  	s6 =	simm.s32 $0x2908;
	[sflag:s24] =	ssyncadd.s32 $0xFFFFED40  }
0x51: {  	[spmem:s1] =	stream.indirect.scatter.add.f32 [tilespmem:s20], [sflag:$0x6], $0x30, s6, s17, $0xb8;
	[tilespmem:$0x11170] =	vst v63  }
0x52: {  	s7 =	simm.s32 $0x138  }
0x53: {  	[tilespmem:s28], [sflag:$0x4] =	stream.indirect.gather [hbm4b:s3+s17], $0x30, s7, s17, $0xb8;
	[tilespmem:$0x11170] =	vst v63  }
0x54: {  	_ =	swait.ge [sflag:s29], $0x12C0  }
0x55: {  	[sflag:s29] =	ssyncset.done $0x0  }
0x56: {  	s8 =	simm.s32 $0x2970;
	[sflag:s29] =	ssyncadd.s32 $0xFFFFED40  }
0x57: {  	[spmem:s1] =	stream.indirect.scatter.add.f32 [tilespmem:s23], [sflag:$0x7], $0x30, s8, s17, $0xb8;
	[tilespmem:$0x11170] =	vst v63  }
0x58: {  	_ =	swait.ge [sflag:s31], $0x12C0  }
0x59: {  	[sflag:s31] =	ssyncset.done $0x0  }
0x5a: {  	s6 =	simm.s32 $0x1A0;
	[sflag:s31] =	ssyncadd.s32 $0xFFFFED40  }
0x5b: {  	[tilespmem:s18], [sflag:$0x1] =	stream.indirect.gather [hbm4b:s3+s17], $0x30, s6, s17, $0xb8;
	[tilespmem:$0x11170] =	vst v63  }
0x5c: {  	_ =	swait.ge [sflag:s19], $0x12C0  }
0x5d: {  	[sflag:s19] =	ssyncset.done $0x0  }
0x5e: {  	s7 =	simm.s32 $0x29D8;
	[sflag:s19] =	ssyncadd.s32 $0xFFFFED40  }
0x5f: {  	[spmem:s1] =	stream.indirect.scatter.add.f32 [tilespmem:s28], [sflag:$0x8], $0x30, s7, s17, $0xb8;
	[tilespmem:$0x11170] =	vst v63  }
0x60: {  	_ =	swait.ge [sflag:s25], $0x12C0  }
0x61: {  	[sflag:s25] =	ssyncset.done $0x0  }
0x62: {  	s5 =	simm.s32 $0x0;
	s8 =	simm.s32 $0x208;
	[sflag:s25] =	ssyncadd.s32 $0xFFFFED40  }
0x63: {  	[tilespmem:s20], [sflag:$0x2] =	stream.indirect.gather [hbm4b:s3+s17], $0x30, s8, s17, $0xb8;
	[tilespmem:$0x11170] =	vst v63  }
.LBB2_2:
0x64: {  	_ =	swait.ge [sflag:s21], $0x12C0  }
0x65: {  	s6 =	sshra.s32 s5, $0x2;
	[sflag:s21] =	ssyncset.done $0x0  }
0x66: {  	s7 =	sadd.s32 $0x2A40, s6;
	[sflag:s21] =	ssyncadd.s32 $0xFFFFED40  }
0x67: {  	[spmem:s1] =	stream.indirect.scatter.add.f32 [tilespmem:s18], [sflag:$0x5], $0x30, s7, s17, $0xb8;
	[tilespmem:$0x11170] =	vst v63  }
0x68: {  	_ =	swait.ge [sflag:s30], $0x12C0  }
0x69: {  	[sflag:s30] =	ssyncset.done $0x0  }
0x6a: {  	s8 =	sadd.s32 $0x270, s6;
	[sflag:s30] =	ssyncadd.s32 $0xFFFFED40  }
0x6b: {  	[tilespmem:s23], [sflag:$0x3] =	stream.indirect.gather [hbm4b:s3+s17], $0x30, s8, s17, $0xb8;
	[tilespmem:$0x11170] =	vst v63  }
0x6c: {  	_ =	swait.ge [sflag:s24], $0x12C0  }
0x6d: {  	[sflag:s24] =	ssyncset.done $0x0  }
0x6e: {  	s8 =	sadd.s32 $0x2AA8, s6;
	[sflag:s24] =	ssyncadd.s32 $0xFFFFED40  }
0x6f: {  	[spmem:s1] =	stream.indirect.scatter.add.f32 [tilespmem:s20], [sflag:$0x6], $0x30, s8, s17, $0xb8;
	[tilespmem:$0x11170] =	vst v63  }
0x70: {  	_ =	swait.ge [sflag:s0], $0x12C0  }
0x71: {  	[sflag:s0] =	ssyncset.done $0x0  }
0x72: {  	s8 =	sadd.s32 $0x2D8, s6;
	[sflag:s0] =	ssyncadd.s32 $0xFFFFED40  }
0x73: {  	[tilespmem:s28], [sflag:$0x4] =	stream.indirect.gather [hbm4b:s3+s17], $0x30, s8, s17, $0xb8;
	[tilespmem:$0x11170] =	vst v63  }
0x74: {  	_ =	swait.ge [sflag:s29], $0x12C0  }
0x75: {  	p1 =	seq.s32 s5, $0x9580;
	[sflag:s29] =	ssyncset.done $0x0  }
.Ltmp2:
0x76: {  	s8 =	sadd.s32 $0x2B10, s6;
	[sflag:s29] =	ssyncadd.s32 $0xFFFFED40;
	(pc) =	sbr.rel @p1 .LBB2_4-.Ltmp2, $4  }
0x77: {  	[spmem:s1] =	stream.indirect.scatter.add.f32 [tilespmem:s23], [sflag:$0x7], $0x30, s8, s17, $0xb8;
	[tilespmem:$0x11170] =	vst v63  }
0x78: {  	_ =	swait.ge [sflag:s31], $0x12C0  }
0x79: {  	[sflag:s31] =	ssyncset.done $0x0  }
0x7a: {  	s7 =	sadd.s32 $0x2B78, s6;
	[sflag:s31] =	ssyncadd.s32 $0xFFFFED40  }
0x7b: {  	s8 =	sadd.s32 $0x340, s6  }
0x7c: {  	[tilespmem:s18], [sflag:$0x1] =	stream.indirect.gather [hbm4b:s3+s17], $0x30, s8, s17, $0xb8;
	[tilespmem:$0x11170] =	vst v63  }
0x7d: {  	_ =	swait.ge [sflag:s19], $0x12C0  }
0x7e: {  	[sflag:s19] =	ssyncset.done $0x0  }
0x7f: {  	[sflag:s19] =	ssyncadd.s32 $0xFFFFED40  }
0x80: {  	[spmem:s1] =	stream.indirect.scatter.add.f32 [tilespmem:s28], [sflag:$0x8], $0x30, s7, s17, $0xb8;
	[tilespmem:$0x11170] =	vst v63  }
.Ltmp3:
0x81: {  	_ = 	snop;
	(pc) =	sbr.rel .LBB2_2-.Ltmp3, $4  }
0x82: {  	_ =	swait.ge [sflag:s25], $0x12C0  }
0x83: {  	[sflag:s25] =	ssyncset.done $0x0  }
0x84: {  	s5 =	sadd.s32 $0x680, s5;
	s8 =	sadd.s32 $0x3A8, s6;
	[sflag:s25] =	ssyncadd.s32 $0xFFFFED40  }
0x85: {  	[tilespmem:s20], [sflag:$0x2] =	stream.indirect.gather [hbm4b:s3+s17], $0x30, s8, s17, $0xb8;
	[tilespmem:$0x11170] =	vst v63  }
.LBB2_5:
0x86: {  	_ =	sfence.sel $0x180000  }
0x87: {  	[bflag:$0x0] =	sbarrier.arrive $0xFFFF  }
0x88: {  	_ =	strace $0x9000004D  }
0x89: {  	[bflag:$0x2] =	sbarrier.arrive $0xFFFF  }
0x8a: {  	s0 =	rddreg [dreg:$0x2]  }
0x8b: {  	s0 =	sadd.s32 @!p0 $0x100000, s0  }
0x8c: {  	[sflag:s0] =	ssyncadd.tile.s32 @!p0 $0x1;
	_ =	shalt  }
.Lfunc_end2:
_tile_overlayer_lowered:
.L_overlay_start_2:
0x8d: {  	(tag) =	ssettag $0x2  }
0x8e: {  	s0 =	rddreg [dreg:$0x0];
	s2 =	stileid.u32  }
0x8f: {  	s1 =	rddreg [dreg:$0x1];
	p0 =	sne.s32 s2, $0x0  }
0x90: {  	s3 =	rddreg [dreg:$0x2];
	[bflag:$0x3] =	sbarrier.arrive $0xFFFF;
	s2 =	simm.s32 @!p0 $0x1C0A  }
0x91: {  	[timem:s3], [sflag:s2] =	dma.local @!p0 [hbm:s0], s1  }
0x92: {  	s0 =	simm.s32 @!p0 $0xA  }
0x93: {  	_ =	swait.ge @!p0 [sflag:s0], s1  }
0x94: {  	s1 =	ssub.s32 @!p0 $0x0, s1;
	[sflag:s0] =	ssyncset.done @!p0 $0x0  }
0x95: {  	[sflag:s0] =	ssyncadd.s32 @!p0 s1  }
0x96: {  	[bflag:$0x3] =	sbarrier.arrive $0xFFFF  }
0x97: {  	_ =	shalt  }

// kernel: kernel.9.cloned.1.call-start
scs
__scs_entry_jumppad:
0x0: {  	(pc) =	sbr.rel $0x88, $3  }
0x1: {  	(tag) =	ssettag $0x0;
	lr =	simm.s32 $0x1  }
0x2: {  	[smem:$0x3F99] =	sst lr;
	_ =	strace $0xD0000000  }
0x3: {  	_ = 	snop  }
0x4: {  	_ = 	snop  }
0x5: {  	_ = 	snop  }
0x6: {  	_ = 	snop  }
0x7: {  	_ = 	snop  }
__scs_overlays_trampoline_lowered:
0x8: {  	[smem:$0x3FA8] =	sst s0  }
0x9: {  	[smem:$0x3FA9] =	sst s1  }
0xa: {  	[smem:$0x3FAA] =	sst s2  }
0xb: {  	[smem:$0x3FAB] =	sst s3  }
0xc: {  	[smem:$0x3FAC] =	sst s4  }
0xd: {  	[smem:$0x3FAD] =	sst s5  }
0xe: {  	[smem:$0x3FAE] =	sst s6  }
0xf: {  	[smem:$0x3FAF] =	sst s7  }
0x10: {  	[smem:$0x3FB0] =	sst s8  }
0x11: {  	[smem:$0x3FB1] =	sst s9;
	s0 =	simm.s32 @!p0 $0x0  }
0x12: {  	s1 =	sld [smem:$0x3F97];
	s0 =	simm.s32 @p0 $0x1  }
0x13: {  	[smem:$0x3FB2] =	sst s0;
	s0 =	simm.s32 @!p1 $0x0  }
0x14: {  	s2 =	sld [smem:$0x3F96];
	s0 =	simm.s32 @p1 $0x1  }
0x15: {  	[smem:$0x3FB3] =	sst s0;
	s0 =	simm.s32 @!p2 $0x0  }
0x16: {  	s3 =	sld [smem:$0x3FDB];
	s0 =	simm.s32 @p2 $0x1  }
0x17: {  	s4 =	simm.s32 $0x1BF5;
	[smem:$0x3FB5] =	sst s0  }
0x18: {  	s0 =	sld [smem:$0x3F98];
	_ =	swait.ge [sflag:s4], $0x0  }
0x19: {  	s7 =	sld [smem:$0x3F99]  }
0x1a: {  	s8 =	sadd.s32 $0xFFFFE003, lr  }
0x1b: {  	s9 =	sadd.s32 $0xFFFFFEF7, lr;
	s5 =	simm.s32 $0xFFFFFFFF;
	p2 =	slt.u32 s8, $0xFFFFF086  }
0x1c: {  	p1 =	slt.u32 s9, $0xF7A;
	s5 =	simm.s32 @!p2 $0x0  }
0x1d: {  	s5 =	simm.s32 @p1 $0x1;
	p0 =	seq.s32 s7, s2  }
0x1e: {  	s7 =	smul.u32 @!p0 $0xF7A, s2;
	p2 =	seq.s32 @!p0 s5, $0x0  }
0x1f: {  	s9 =	smul.u32 $0xF7A, s1;
	s8 =	simm.s32 @!p0 $0x1BF5;
	p2 =	por !p2, p0  }
0x20: {  	[sflag:s8] =	ssyncset.s32 @!p0 $0xFFFFF086;
	s6 =	sadd.s32 @!p0 s3, s7;
	s7 =	simm.s32 @!p0 $0x108  }
0x21: {  	s3 =	sadd.s32 s3, s9;
	s6 =	sadd.s32 @!p0 $0x88, s6;
	s7 =	simm.s32 @p2 $0x1082  }
0x22: {  	[simem:s7], [sflag:s8] =	dma.local @!p0 [hbm:s6], $0xF7A  }
0x23: {  	s9 =	sor.u32 $0xD0000000, s2;
	s6 =	simm.s32 $0x108;
	_ =	swait.ge @!p0 [sflag:s8], $0x0  }
0x24: {  	s3 =	sadd.s32 $0x88, s3;
	s6 =	simm.s32 @!p1 $0x1082;
	[sflag:s4] =	ssyncset.s32 $0xFFFFF086  }
0x25: {  	[simem:s6], [sflag:s4] =	dma.local [hbm:s3], $0xF7A  }
0x26: {  	[smem:$0x3F99] =	sst s1;
	(tag) =	ssettag s2;
	_ =	strace s9  }
0x27: {  	s1 =	sld [smem:$0x3FA9]  }
0x28: {  	s2 =	sld [smem:$0x3FAA]  }
0x29: {  	s4 =	sld [smem:$0x3FAC]  }
0x2a: {  	p0 =	seq.s32 s5, $0x0;
	s5 =	sld [smem:$0x3FAD]  }
0x2b: {  	s6 =	sld [smem:$0x3FAE]  }
0x2c: {  	s7 =	sld [smem:$0x3FAF]  }
0x2d: {  	s3 =	simm.s32 $0x108;
	s8 =	sld [smem:$0x3FB0]  }
0x2e: {  	s3 =	simm.s32 @!p0 $0x1082;
	s9 =	sld [smem:$0x3FB1]  }
0x2f: {  	lr =	sadd.s32 s0, s3;
	s0 =	sld [smem:$0x3FA8]  }
0x30: {  	s3 =	sld [smem:$0x3FAB]  }
0x31: {  	[smem:$0x3FB4] =	sst s10  }
0x32: {  	s10 =	sld [smem:$0x3FB2];
	_ =	sdelay $0x3  }
0x33: {  	p0 =	seq.s32 s10, $0x1;
	s10 =	sld [smem:$0x3FB4];
	_ =	sdelay $0x3  }
0x34: {  	[smem:$0x3FB4] =	sst s10  }
0x35: {  	s10 =	sld [smem:$0x3FB3];
	_ =	sdelay $0x3  }
0x36: {  	p1 =	seq.s32 s10, $0x1;
	s10 =	sld [smem:$0x3FB4];
	_ =	sdelay $0x3  }
0x37: {  	[smem:$0x3FB4] =	sst s10  }
0x38: {  	s10 =	sld [smem:$0x3FB5]  }
0x39: {  	_ = 	snop;
	(pc) =	sbr.ind lr, $3  }
0x3a: {  	_ = 	snop  }
0x3b: {  	_ = 	snop  }
0x3c: {  	p2 =	seq.s32 s10, $0x1;
	s10 =	sld [smem:$0x3FB4]  }
0x3d: {  	_ =	shalt  }
0x3e: {  	_ =	shalt  }
0x3f: {  	_ =	shalt  }
0x40: {  	_ =	shalt  }
0x41: {  	_ =	shalt  }
0x42: {  	_ =	shalt  }
0x43: {  	_ =	shalt  }
0x44: {  	_ =	shalt  }
0x45: {  	_ =	shalt  }
0x46: {  	_ =	shalt  }
0x47: {  	_ =	shalt  }
0x48: {  	_ =	shalt  }
0x49: {  	_ =	shalt  }
0x4a: {  	_ =	shalt  }
0x4b: {  	_ =	shalt  }
0x4c: {  	_ =	shalt  }
0x4d: {  	_ =	shalt  }
0x4e: {  	_ =	shalt  }
0x4f: {  	_ =	shalt  }
0x50: {  	_ =	shalt  }
0x51: {  	_ =	shalt  }
0x52: {  	_ =	shalt  }
0x53: {  	_ =	shalt  }
0x54: {  	_ =	shalt  }
0x55: {  	_ =	shalt  }
0x56: {  	_ =	shalt  }
0x57: {  	_ =	shalt  }
0x58: {  	_ =	shalt  }
0x59: {  	_ =	shalt  }
0x5a: {  	_ =	shalt  }
0x5b: {  	_ =	shalt  }
0x5c: {  	_ =	shalt  }
0x5d: {  	_ =	shalt  }
0x5e: {  	_ =	shalt  }
0x5f: {  	_ =	shalt  }
0x60: {  	_ =	shalt  }
0x61: {  	_ =	shalt  }
0x62: {  	_ =	shalt  }
0x63: {  	_ =	shalt  }
0x64: {  	_ =	shalt  }
0x65: {  	_ =	shalt  }
0x66: {  	_ =	shalt  }
0x67: {  	_ =	shalt  }
0x68: {  	_ =	shalt  }
0x69: {  	_ =	shalt  }
0x6a: {  	_ =	shalt  }
0x6b: {  	_ =	shalt  }
0x6c: {  	_ =	shalt  }
0x6d: {  	_ =	shalt  }
0x6e: {  	_ =	shalt  }
0x6f: {  	_ =	shalt  }
0x70: {  	_ =	shalt  }
0x71: {  	_ =	shalt  }
0x72: {  	_ =	shalt  }
0x73: {  	_ =	shalt  }
0x74: {  	_ =	shalt  }
0x75: {  	_ =	shalt  }
0x76: {  	_ =	shalt  }
0x77: {  	_ =	shalt  }
0x78: {  	_ =	shalt  }
0x79: {  	_ =	shalt  }
0x7a: {  	_ =	shalt  }
0x7b: {  	_ =	shalt  }
0x7c: {  	_ =	shalt  }
0x7d: {  	_ =	shalt  }
0x7e: {  	_ =	shalt  }
0x7f: {  	_ =	shalt  }
0x80: {  	_ =	shalt  }
0x81: {  	_ =	shalt  }
0x82: {  	_ =	shalt  }
0x83: {  	_ =	shalt  }
0x84: {  	_ =	shalt  }
0x85: {  	_ =	shalt  }
0x86: {  	_ =	shalt  }
0x87: {  	_ =	shalt  }
.Lfunc_end0:
.L_simem_size_0:
called_computation_lowered:
.L_overlay_start_0:
0x88: {  	s2 =	sld [smem:$0x3FD9]  }
0x89: {  	s3 =	sld [smem:$0x3FFE];
	_ =	sdelay $0x1  }
0x8a: {  	s1 =	srdreg.scid  }
0x8b: {  	s0 =	sand.u32 $0x1, s1  }
0x8c: {  	s17 =	sshll.u32 s0, $0xA;
	s2 =	sadd.s32 s3, s2  }
0x8d: {  	s2 =	sadd.s32 s2, s17  }
0x8e: {  	[smem:$0x3FC0] =	sst s2  }
0x8f: {  	_ = 	snop  }
0x90: {  	s2 =	sld [smem:$0x3FD0];
	(tm) =	ssettm $0x1  }
0x91: {  	s18 =	sld [smem:$0x3FFB];
	_ =	sdelay $0x3  }
0x92: {  	_ =	strace s18  }
0x93: {  	s3 =	sld [smem:$0x3FFC];
	_ =	sdelay $0x3  }
0x94: {  	_ =	strace s3  }
0x95: {  	s3 =	sld [smem:$0x3FFD];
	_ =	sdelay $0x3  }
0x96: {  	_ =	strace s3  }
0x97: {  	_ =	strace $0x8FFFFFFF  }
0x98: {  	s19 =	sld [smem:$0x3FDB];
	_ =	sdelay $0x1  }
0x99: {  	s4 =	simm.s32 $_scs_section_size  }
0x9a: {  	s5 =	simm.s32 $_size__tile_overlayer_lowered;
	s6 =	simm.s32 $_tile_overlayer_lowered  }
0x9b: {  	s22 =	simm.s32 $0x1BFF;
	s21 =	sshll.u32 s6, $0x1;
	s3 =	sadd.s32 s4, s19  }
0x9c: {  	s7 =	simm.s32 $0x0;
	s20 =	sshll.u32 s5, $0x1;
	s5 =	sadd.s32 s21, s3  }
0x9d: {  	[timem:s7], [sflag:s22] =	dma.local [hbm:s5], s20  }
0x9e: {  	_ =	swait.ge [sflag:s22], s20  }
0x9f: {  	s4 =	ssub.s32 $0x0, s20;
	[sflag:s22] =	ssyncset.done $0x0  }
0xa0: {  	[sflag:s22] =	ssyncadd.s32 s4;
	_ =	sdelay $0x1  }
0xa1: {  	s23 =	simm.s32 $0x1B8B  }
0xa2: {  	_ =	swait.ge [sflag:s23], $0x1  }
0xa3: {  	[sflag:s23] =	ssyncset.done $0x0  }
0xa4: {  	s25 =	simm.s32 $0x1B8E;
	s24 =	sld [smem:$0x3FFE];
	[sflag:s23] =	ssyncadd.s32 $0xFFFFFFFF  }
0xa5: {  	s26 =	simm.s32 $execute0_lowered;
	[smem:$0x3FD2] =	sst s25  }
0xa6: {  	s5 =	sshll.u32 s26, $0x1;
	_ =	strace $0x80000046;
	[dreg:$0x1] =	wrdreg $0xFFFFFFFF  }
0xa7: {  	s28 =	simm.s32 $_size_execute0_lowered;
	s3 =	sadd.s32 s3, s5;
	[dreg:$0x0] =	wrdreg $0x0  }
0xa8: {  	s5 =	sshll.u32 s28, $0x1;
	[dreg:$0x2] =	wrdreg s3  }
0xa9: {  	[dreg:$0x3] =	wrdreg s5  }
0xaa: {  	[dreg:$0x4] =	wrdreg $0xC0  }
0xab: {  	_ =	task [dreg:s7], $0x5FFFF  }
0xac: {  	[dreg:$0x1] =	wrdreg $0xFFFFFFFF  }
0xad: {  	[dreg:$0x0] =	wrdreg $0x60  }
0xae: {  	[dreg:$0x2] =	wrdreg s24  }
0xaf: {  	[dreg:$0x3] =	wrdreg s2  }
0xb0: {  	[dreg:$0x4] =	wrdreg $0x57800  }
0xb1: {  	[dreg:$0x5] =	wrdreg $0x7E900  }
0xb2: {  	[dreg:$0x6] =	wrdreg $0x9  }
0xb3: {  	_ =	task.clear_ibuf [dreg:s7], $0x7FFFF;
	_ =	strace $0x90000046  }
0xb4: {  	s29 =	simm.s32 $0x9;
	_ =	strace $0x80000048  }
0xb5: {  	_ =	swait.ge [sflag:s29], $0x1  }
0xb6: {  	[sflag:s29] =	ssyncadd.s32 $0xFFFFFFFF  }
0xb7: {  	_ =	strace $0x90000048  }
0xb8: {  	_ =	sfence  }
0xb9: {  	s30 =	sld [smem:$0x0];
	_ =	sdelay $0x2  }
0xba: {  	s31 =	sshll.u32 s1, $0xD;
	s1 =	sshrl.u32 s1, $0x2  }
0xbb: {  	s3 =	sand.u32 $0x4000, s31;
	s1 =	sadd.s32 s1, s30  }
0xbc: {  	s0 =	sor.u32 s3, s0;
	s1 =	sshll.u32 s1, $0x11  }
0xbd: {  	s0 =	sor.u32 s1, s0  }
0xbe: {  	s0 =	sadd.s32 $0x8F2B, s0  }
0xbf: {  	[sflag:s0] =	ssyncadd.remote.s32 $0x1  }
0xc0: {  	_ =	sfence.sel $0xFFFF  }
0xc1: {  	[dreg:$0x0] =	wrdreg $0xFFFFFFFF;
	(pc) =	sbr.abs _section_cstart, $3  }
0xc2: {  	[dreg:$0x1] =	wrdreg $0xFFFFFFFF  }
0xc3: {  	_ =	task.clear_ibuf [dreg:s7], $0x2FFFF;
	_ =	strace $0x9FFFFFFF  }
0xc4: {  	(tm) =	ssettm $0x7FFFFFFF  }
0xc5: {  	_ =	shalt  }
tec
execute0_lowered:
.L_overlay_start_1:
0x0: {  	(tag) =	ssettag $0x1  }
0x1: {  	s0 =	rddreg [dreg:$0x0]  }
0x2: {  	s1 =	srdreg.scid;
	s3 =	rddreg [dreg:$0x1]  }
0x3: {  	s19 =	stileid.u32;
	s2 =	rddreg [dreg:$0x3];
	s6 =	simm.s32 $0x0  }
0x4: {  	s20 =	simm.s32 $0x3;
	s21 =	simm.s32 $0x64;
	s22 =	simm.s32 $0x5140  }
0x5: {  	s23 =	simm.s32 $0x1;
	s24 =	simm.s32 $0x2;
	s28 =	simm.s32 $0x0  }
0x6: {  	s4 =	sand.u32 $0x1, s1;
	s1 =	rddreg [dreg:$0x2];
	s7 =	smul.u32 $0x2700, s19  }
0x7: {  	[smem:$0x7FF] =	sst s6;
	s9 =	smul.u32 $0x13800, s19;
	p0 =	sne.s32 s19, $0x0  }
0x8: {  	s5 =	sshll.u32 s4, $0x4;
	_ =	strace $0x80000047;
	s25 =	ssub.s32 $0x2, s4  }
0x9: {  	s12 =	smul.u32 $0x271000, s4;
	s4 =	sshll.u32 s19, $0x6;
	s5 =	sor.u32 s19, s5  }
0xa: {  	s26 =	sshrl.u32 s25, $0x1;
	s29 =	sshrl.u32 s7, $0x3;
	s17 =	sadd.s32 s7, s1  }
0xb: {  	s6 =	sor.u32 $0x1C03, s4;
	s18 =	sadd.s32 s7, s2;
	s5 =	smul.u32 $0x28A0, s5  }
0xc: {  	s16 =	ssub.s32 s25, s26;
	s10 =	sadd.s32 s9, s12;
	s9 =	sadd.s32 $0x27000, s1  }
0xd: {  	s31 =	sshrl.u32 s12, $0x3;
	s12 =	sadd.s32 $0x27000, s2;
	s17 =	sshrl.u32 s17, $0x3  }
0xe: {  	s18 =	sshrl.u32 s18, $0x3;
	s25 =	simm.s32 $0x10;
	s26 =	simm.s32 $0x4  }
0xf: {  	s11 =	sshrl.u32 s10, $0x3;
	s10 =	sadd.s32 $0x4E00, s3;
	s5 =	sshrl.u32 s5, $0x3  }
0x10: {  	s16 =	smax.u32 s16, $0x1;
	s8 =	sadd.s32 s5, s0;
	s0 =	sadd.s32 $0x17000, s0  }
0x11: {  	s5 =	sadd.s32 s3, s29;
	s30 =	sadd.s32 $0x2A00, s8;
	s8 =	sadd.s32 $0xCC80, s8  }
0x12: {  	s11 =	sadd.s32 s0, s11;
	s0 =	sadd.s32 s0, s31;
	[dreg:$0x5] =	wrdreg s30  }
0x13: {  	v0 =	vimm.f32 $1.000000000e+00;
	s13 =	sadd.s32 $0x27100, s11;
	s14 =	sadd.s32 $0x27000, s0;
	s15 =	sadd.s32 $0x4E100, s0  }
.LBB2_1:
0x14: {  	[spmem:s17], [sflag:s6] =	dma.local [hbm:s5], $0x4E0  }
0x15: {  	[spmem:s18], [sflag:s6] =	dma.local [hbm:s5], $0x4E0  }
0x16: {  	s0 =	simm.s32 $0x0;
	s3 =	rddreg [dreg:$0x5]  }
0x17: {  	[tilespmem:s0], [sflag:$0x3] =	stream.linear.gather [hbm4b:s3+s0], $0x28A0, $0x38;
	[tilespmem:$0xA5A0] =	vst v63  }
0x18: {  	s31 =	simm.s32 $0x28A0  }
0x19: {  	[tilespmem:s31], [sflag:$0x3] =	stream.linear.gather [hbm4b:s8+s0], $0x28A0, $0x38;
	[tilespmem:$0xA5A0] =	vst v63  }
0x1a: {  	s3 =	simm.s32 $0x0;
	s0 =	simm.s32 $0x40  }
.LBB2_2:
0x1b: {  	p1 =	sne.s32 s0, $0x18C0;
	[tilespmem:s3+$0x5140] =	vst v0;
	s3 =	smov.u32 s0;
	s0 =	sadd.s32 $0x40, s0  }
.Ltmp0:
0x1c: {  	(pc) =	sbr.rel @p1 .LBB2_2-.Ltmp0, $2  }
0x1d: {  	_ =	sdelay $0x2  }
0x1e: {  	s3 =	sshra.s32 s3, $0x2  }
0x1f: {  	[tilespmem:s3+$0x5140] =	vst v0;
	s29 =	sshrl.u32 @!p0 s9, $0x3;
	s0 =	simm.s32 @!p0 $0x1C04;
	s3 =	simm.s32 @!p0 $0x4  }
0x20: {  	[spmem:s29], [sflag:s0] =	dma.local @!p0 [hbm:s10], $0x20  }
0x21: {  	_ =	swait.ge @!p0 [sflag:s3], $0x20  }
0x22: {  	[sflag:s3] =	ssyncset.done @!p0 $0x0  }
0x23: {  	s30 =	sshrl.u32 @!p0 s12, $0x3;
	[sflag:s3] =	ssyncadd.s32 @!p0 $0xFFFFFFE0  }
0x24: {  	[spmem:s30], [sflag:s0] =	dma.local @!p0 [hbm:s10], $0x20  }
0x25: {  	_ =	swait.ge @!p0 [sflag:s3], $0x20  }
0x26: {  	[sflag:s3] =	ssyncset.done @!p0 $0x0  }
0x27: {  	[sflag:s3] =	ssyncadd.s32 @!p0 $0xFFFFFFE0  }
0x28: {  	_ =	swait.ge [sflag:s20], $0x4E0  }
0x29: {  	[sflag:s20] =	ssyncset.done $0x0  }
0x2a: {  	[sflag:s20] =	ssyncadd.s32 $0xFFFFFB20  }
0x2b: {  	_ =	swait.ge [sflag:s20], $0x4E0  }
0x2c: {  	[sflag:s20] =	ssyncset.done $0x0  }
0x2d: {  	[sflag:s20] =	ssyncadd.s32 $0xFFFFFB20  }
0x2e: {  	_ =	swait.ge [sflag:s20], $0x28A0  }
0x2f: {  	[sflag:s20] =	ssyncset.done $0x0  }
0x30: {  	[sflag:s20] =	ssyncadd.s32 $0xFFFFD760  }
0x31: {  	_ =	swait.ge [sflag:s20], $0x28A0  }
0x32: {  	[sflag:s20] =	ssyncset.done $0x0  }
0x33: {  	[sflag:s20] =	ssyncadd.s32 $0xFFFFD760  }
0x34: {  	s19 =	simm.s32 $0x0;
	p1 =	por $0x1, $0x1;
	[bflag:$0x0] =	sbarrier.arrive $0xFFFF  }
0x35: {  	[spmem:s1] =	stream.indirect.scatter.add.f32 [tilespmem:s22], [sflag:$0x1], $0x10, s19, s21, $0xb8;
	[tilespmem:$0xA5A0] =	vst v63  }
0x36: {  	s31 =	simm.s32 $0x28A0;
	s0 =	simm.s32 @!p1 $0x1  }
0x37: {  	[spmem:s2] =	stream.indirect.scatter.add.f32 [tilespmem:s22], [sflag:$0x2], $0x10, s31, s21, $0xb8;
	[tilespmem:$0xA5A0] =	vst v63  }
0x38: {  	_ =	swait.ge @!p1 [sflag:s0], $0x640  }
0x39: {  	[sflag:s0] =	ssyncset.done @!p1 $0x0  }
0x3a: {  	s3 =	simm.s32 @!p1 $0x2;
	[sflag:s0] =	ssyncadd.s32 @!p1 $0xFFFFF9C0  }
0x3b: {  	s19 =	simm.s32 $0x68;
	s0 =	simm.s32 $0x1;
	_ =	swait.ge @!p1 [sflag:s3], $0x640  }
.LBB2_4:
0x3c: {  	[sflag:s3] =	ssyncset.done @!p1 $0x0  }
0x3d: {  	s31 =	sadd.s32 $0x68, s31;
	s7 =	smov.u32 s0;
	s0 =	sadd.s32 $0x1, s0  }
0x3e: {  	p2 =	sne.s32 s0, $0x64;
	[sflag:s3] =	ssyncadd.s32 @!p1 $0xFFFFF9C0  }
0x3f: {  	[spmem:s1] =	stream.indirect.scatter.add.f32 [tilespmem:s22], [sflag:$0x1], $0x10, s19, s21, $0xb8;
	[tilespmem:$0xA5A0] =	vst v63  }
0x40: {  	p1 =	slt.u32 s7, $0x8  }
0x41: {  	[spmem:s2] =	stream.indirect.scatter.add.f32 [tilespmem:s22], [sflag:$0x2], $0x10, s31, s21, $0xb8;
	[tilespmem:$0xA5A0] =	vst v63  }
.Ltmp1:
0x42: {  	s7 =	simm.s32 @!p1 $0x1;
	(pc) =	sbr.rel @p2 .LBB2_4-.Ltmp1, $4  }
0x43: {  	_ =	swait.ge @!p1 [sflag:s7], $0x640  }
0x44: {  	s3 =	simm.s32 @!p1 $0x2;
	[sflag:s7] =	ssyncset.done @!p1 $0x0  }
0x45: {  	[sflag:s7] =	ssyncadd.s32 @!p1 $0xFFFFF9C0  }
0x46: {  	s19 =	sadd.s32 $0x68, s19;
	_ =	swait.ge @!p1 [sflag:s3], $0x640  }
0x47: {  	[sflag:s3] =	ssyncset.done @!p1 $0x0  }
0x48: {  	[sflag:s3] =	ssyncadd.s32 @!p1 $0xFFFFF9C0  }
0x49: {  	_ =	swait.ge [sflag:s23], $0x640  }
0x4a: {  	[sflag:s23] =	ssyncset.done $0x0  }
0x4b: {  	[sflag:s23] =	ssyncadd.s32 $0xFFFFF9C0  }
0x4c: {  	_ =	swait.ge [sflag:s24], $0x640  }
0x4d: {  	[sflag:s24] =	ssyncset.done $0x0  }
0x4e: {  	[sflag:s24] =	ssyncadd.s32 $0xFFFFF9C0  }
0x4f: {  	_ =	swait.ge [sflag:s23], $0x640  }
0x50: {  	[sflag:s23] =	ssyncset.done $0x0  }
0x51: {  	[sflag:s23] =	ssyncadd.s32 $0xFFFFF9C0  }
0x52: {  	_ =	swait.ge [sflag:s24], $0x640  }
0x53: {  	[sflag:s24] =	ssyncset.done $0x0  }
0x54: {  	[sflag:s24] =	ssyncadd.s32 $0xFFFFF9C0  }
0x55: {  	_ =	swait.ge [sflag:s23], $0x640  }
0x56: {  	[sflag:s23] =	ssyncset.done $0x0  }
0x57: {  	[sflag:s23] =	ssyncadd.s32 $0xFFFFF9C0  }
0x58: {  	_ =	swait.ge [sflag:s24], $0x640  }
0x59: {  	[sflag:s24] =	ssyncset.done $0x0  }
0x5a: {  	[sflag:s24] =	ssyncadd.s32 $0xFFFFF9C0  }
0x5b: {  	_ =	swait.ge [sflag:s23], $0x640  }
0x5c: {  	[sflag:s23] =	ssyncset.done $0x0  }
0x5d: {  	[sflag:s23] =	ssyncadd.s32 $0xFFFFF9C0  }
0x5e: {  	_ =	swait.ge [sflag:s24], $0x640  }
0x5f: {  	[sflag:s24] =	ssyncset.done $0x0  }
0x60: {  	[sflag:s24] =	ssyncadd.s32 $0xFFFFF9C0  }
0x61: {  	_ =	swait.ge [sflag:s23], $0x640  }
0x62: {  	[sflag:s23] =	ssyncset.done $0x0  }
0x63: {  	[sflag:s23] =	ssyncadd.s32 $0xFFFFF9C0  }
0x64: {  	_ =	swait.ge [sflag:s24], $0x640  }
0x65: {  	[sflag:s24] =	ssyncset.done $0x0  }
0x66: {  	[sflag:s24] =	ssyncadd.s32 $0xFFFFF9C0  }
0x67: {  	_ =	swait.ge [sflag:s23], $0x640  }
0x68: {  	[sflag:s23] =	ssyncset.done $0x0  }
0x69: {  	[sflag:s23] =	ssyncadd.s32 $0xFFFFF9C0  }
0x6a: {  	_ =	swait.ge [sflag:s24], $0x640  }
0x6b: {  	[sflag:s24] =	ssyncset.done $0x0  }
0x6c: {  	[sflag:s24] =	ssyncadd.s32 $0xFFFFF9C0  }
0x6d: {  	_ =	swait.ge [sflag:s23], $0x640  }
0x6e: {  	[sflag:s23] =	ssyncset.done $0x0  }
0x6f: {  	[sflag:s23] =	ssyncadd.s32 $0xFFFFF9C0  }
0x70: {  	_ =	swait.ge [sflag:s24], $0x640  }
0x71: {  	[sflag:s24] =	ssyncset.done $0x0  }
0x72: {  	[sflag:s24] =	ssyncadd.s32 $0xFFFFF9C0  }
0x73: {  	_ =	swait.ge [sflag:s23], $0x640  }
0x74: {  	[sflag:s23] =	ssyncset.done $0x0  }
0x75: {  	[sflag:s23] =	ssyncadd.s32 $0xFFFFF9C0  }
0x76: {  	_ =	swait.ge [sflag:s24], $0x640  }
0x77: {  	[sflag:s24] =	ssyncset.done $0x0  }
0x78: {  	[sflag:s24] =	ssyncadd.s32 $0xFFFFF9C0  }
0x79: {  	s0 =	sor.u32 $0x1C04, s4;
	[bflag:$0x0] =	sbarrier.arrive $0xFFFF  }
0x7a: {  	[hbm:s11@s25], [sflag:s0] =	dma.strided [spmem:s17@s24], $0x4E0, s23, $0x2   }
0x7b: {  	_ =	swait.ge [sflag:s26], $0x4E0  }
0x7c: {  	[sflag:s26] =	ssyncset.done $0x0  }
0x7d: {  	[sflag:s26] =	ssyncadd.s32 $0xFFFFFB20  }
0x7e: {  	[hbm:s13@s25], [sflag:s0] =	dma.strided [spmem:s18@s24], $0x4E0, s23, $0x2   }
0x7f: {  	_ =	swait.ge [sflag:s26], $0x4E0  }
0x80: {  	s7 =	simm.s32 @!p0 $0x10;
	[sflag:s26] =	ssyncset.done $0x0  }
0x81: {  	s19 =	simm.s32 @!p0 $0x2;
	s3 =	simm.s32 @!p0 $0x1;
	[sflag:s26] =	ssyncadd.s32 $0xFFFFFB20  }
0x82: {  	[hbm:s14@s7], [sflag:s0] =	dma.strided @!p0 [spmem:s29@s19], $0x20, s3, $0x2   }
0x83: {  	s29 =	simm.s32 @!p0 $0x4  }
0x84: {  	s28 =	sadd.s32 $0x1, s28;
	_ =	swait.ge @!p0 [sflag:s29], $0x20  }
0x85: {  	p1 =	sne.s32 s28, s16;
	[sflag:s29] =	ssyncset.done @!p0 $0x0  }
.Ltmp2:
0x86: {  	[sflag:s29] =	ssyncadd.s32 @!p0 $0xFFFFFFE0;
	(pc) =	sbr.rel @p1 .LBB2_1-.Ltmp2, $4  }
0x87: {  	[hbm:s15@s7], [sflag:s0] =	dma.strided @!p0 [spmem:s30@s19], $0x20, s3, $0x2   }
0x88: {  	_ =	swait.ge @!p0 [sflag:s29], $0x20  }
0x89: {  	[sflag:s29] =	ssyncset.done @!p0 $0x0  }
0x8a: {  	[sflag:s29] =	ssyncadd.s32 @!p0 $0xFFFFFFE0  }
0x8b: {  	_ =	sfence.sel $0x180000  }
0x8c: {  	[bflag:$0x0] =	sbarrier.arrive $0xFFFF  }
0x8d: {  	_ =	strace $0x90000047  }
0x8e: {  	[bflag:$0x2] =	sbarrier.arrive $0xFFFF  }
0x8f: {  	s0 =	rddreg [dreg:$0x4]  }
0x90: {  	s0 =	sadd.s32 @!p0 $0x100000, s0  }
0x91: {  	[sflag:s0] =	ssyncadd.tile.s32 @!p0 $0x1;
	_ =	shalt  }
.Lfunc_end2:
_tile_overlayer_lowered:
.L_overlay_start_2:
0x92: {  	(tag) =	ssettag $0x2  }
0x93: {  	s0 =	rddreg [dreg:$0x0];
	s2 =	stileid.u32  }
0x94: {  	s1 =	rddreg [dreg:$0x1];
	p0 =	sne.s32 s2, $0x0  }
0x95: {  	s3 =	rddreg [dreg:$0x2];
	[bflag:$0x3] =	sbarrier.arrive $0xFFFF;
	s2 =	simm.s32 @!p0 $0x1C04  }
0x96: {  	[timem:s3], [sflag:s2] =	dma.local @!p0 [hbm:s0], s1  }
0x97: {  	s0 =	simm.s32 @!p0 $0x4  }
0x98: {  	_ =	swait.ge @!p0 [sflag:s0], s1  }
0x99: {  	s1 =	ssub.s32 @!p0 $0x0, s1;
	[sflag:s0] =	ssyncset.done @!p0 $0x0  }
0x9a: {  	[sflag:s0] =	ssyncadd.s32 @!p0 s1  }
0x9b: {  	[bflag:$0x3] =	sbarrier.arrive $0xFFFF  }
0x9c: {  	_ =	shalt  }

</sc_bundles>
